<compile_context>
chip_gen: v7x
topology: tpu7x:2x2x1
jax: 0.10.2.dev20260603
libtpu: 0.0.44.dev20260713+nightly
codegen_flags: <defaults>
</compile_context>

<pallas_src>
import jax
import jax.numpy as jnp
from jax import lax
from jax.experimental import pallas as pl
from jax.experimental.pallas import tpu as pltpu
from jax.experimental.pallas import tpu_sc as plsc

N_NODES = 10000
N_EDGES = 320000
D = 128

NC = 2
NS = 16
NW = NC * NS

CHUNK = 128
NCHUNKS = 80
EPW = NCHUNKS * CHUNK
E_PAD = EPW * NW

N_PAD = 10240
ROWS_PER_TILE = N_PAD // NS

_mesh = plsc.VectorSubcoreMesh(core_axis_name="c", subcore_axis_name="s")



def _deg_body(ei_hbm, out_hbm, idx_v, ones_v, zb_v, acc_sh, sem):
    c = lax.axis_index("c")
    s = lax.axis_index("s")
    wid = s * NC + c
    for i in range(CHUNK // 16):
        ones_v[pl.ds(16 * i, 16)] = jnp.full((16,), 1.0, jnp.float32)
        zb_v[pl.ds(16 * i, 16)] = jnp.zeros((16,), jnp.float32)
    for k in range(ROWS_PER_TILE // CHUNK):
        pltpu.sync_copy(zb_v, acc_sh.at[pl.ds(s * ROWS_PER_TILE + k * CHUNK, CHUNK)])
    pltpu.sync_copy(ei_hbm.at[wid], idx_v)
    plsc.subcore_barrier()

    pltpu.async_copy(ones_v, acc_sh.at[idx_v.at[0, 1]], sem[0], add=True)
    pltpu.async_copy(ones_v, acc_sh.at[idx_v.at[1, 1]], sem[1], add=True)

    @pl.loop(2, NCHUNKS, step=2)
    def _(j):
        pltpu.make_async_copy(ones_v, acc_sh.at[idx_v.at[j, 1]], sem[0]).wait()
        pltpu.async_copy(ones_v, acc_sh.at[idx_v.at[j, 1]], sem[0], add=True)
        pltpu.make_async_copy(ones_v, acc_sh.at[idx_v.at[j + 1, 1]], sem[1]).wait()
        pltpu.async_copy(ones_v, acc_sh.at[idx_v.at[j + 1, 1]], sem[1], add=True)

    pltpu.make_async_copy(ones_v, acc_sh.at[idx_v.at[0, 1]], sem[0]).wait()
    pltpu.make_async_copy(ones_v, acc_sh.at[idx_v.at[1, 1]], sem[1]).wait()

    plsc.subcore_barrier()
    pltpu.sync_copy(acc_sh.at[pl.ds(s * ROWS_PER_TILE, ROWS_PER_TILE)],
                    out_hbm.at[c, pl.ds(s * ROWS_PER_TILE, ROWS_PER_TILE)])


def _deg_counts(edge_idx):
    k = pl.kernel(
        _deg_body,
        out_type=jax.ShapeDtypeStruct((NC, N_PAD), jnp.float32),
        mesh=_mesh,
        scratch_types=[
            pltpu.VMEM((NCHUNKS + 2, 2, CHUNK), jnp.int32),
            pltpu.VMEM((CHUNK,), jnp.float32),
            pltpu.VMEM((CHUNK,), jnp.float32),
            pltpu.VMEM_SHARED((N_PAD,), jnp.float32),
            [pltpu.SemaphoreType.DMA for _ in range(2)],
        ],
    )
    return k(edge_idx)


def _scat_body(y_hbm, ei_hbm, out_hbm,
               bufs, idxs, acc_sh, gs, ss, isem):
    c = lax.axis_index("c")
    s = lax.axis_index("s")
    wid = s * NC + c
    rows = pl.ds(s * ROWS_PER_TILE, ROWS_PER_TILE)

    @pl.when(c == 0)
    def _():
        pltpu.sync_copy(y_hbm.at[rows], acc_sh.at[rows])

    @pl.when(c == 1)
    def _():
        @pl.loop(0, CHUNK)
        def _(r):
            for i in range(D // 16):
                bufs[0].at[r][pl.ds(16 * i, 16)] = jnp.zeros((16,), jnp.float32)
        for k in range(ROWS_PER_TILE // CHUNK):
            pltpu.sync_copy(
                bufs[0],
                acc_sh.at[pl.ds(s * ROWS_PER_TILE + k * CHUNK, CHUNK)])

    def load_idx(j, q):
        pltpu.async_copy(ei_hbm.at[wid, j], idxs[q], isem[q])

    def wait_idx(q):
        pltpu.make_async_copy(ei_hbm.at[wid, 0], idxs[q], isem[q]).wait()

    def step(j, b, q, first):
        if not first:
            pltpu.make_async_copy(bufs[b], acc_sh.at[idxs[q].at[1]], ss[b]).wait()
        load_idx(j + 2, (q + 2) % 4)
        wait_idx(q)
        pltpu.async_copy(y_hbm.at[idxs[q].at[0]], bufs[b], gs[b]).wait()
        pltpu.async_copy(bufs[b], acc_sh.at[idxs[q].at[1]], ss[b], add=True)

    plsc.subcore_barrier()
    load_idx(0, 0)
    load_idx(1, 1)
    step(0, 0, 0, True)
    step(1, 1, 1, True)
    step(2, 0, 2, False)
    step(3, 1, 3, False)

    @pl.loop(4, NCHUNKS, step=4)
    def _(j):
        step(j, 0, 0, False)
        step(j + 1, 1, 1, False)
        step(j + 2, 0, 2, False)
        step(j + 3, 1, 3, False)

    pltpu.make_async_copy(bufs[0], acc_sh.at[idxs[0].at[1]], ss[0]).wait()
    pltpu.make_async_copy(bufs[1], acc_sh.at[idxs[1].at[1]], ss[1]).wait()
    wait_idx(NCHUNKS % 4)
    wait_idx((NCHUNKS + 1) % 4)

    plsc.subcore_barrier()
    pltpu.sync_copy(acc_sh.at[pl.ds(s * ROWS_PER_TILE, ROWS_PER_TILE)],
                    out_hbm.at[c, pl.ds(s * ROWS_PER_TILE, ROWS_PER_TILE)])


def _edge_scatter(y, edge_idx):
    k = pl.kernel(
        _scat_body,
        out_type=jax.ShapeDtypeStruct((NC, N_PAD, D), jnp.float32),
        mesh=_mesh,
        scratch_types=[
            [pltpu.VMEM((CHUNK, D), jnp.float32) for _ in range(2)],
            [pltpu.VMEM((2, CHUNK), jnp.int32) for _ in range(4)],
            pltpu.VMEM_SHARED((N_PAD, D), jnp.float32),
            [pltpu.SemaphoreType.DMA for _ in range(2)],
            [pltpu.SemaphoreType.DMA for _ in range(2)],
            [pltpu.SemaphoreType.DMA for _ in range(4)],
        ],
    )
    return k(y, edge_idx)



BLK = 512
GRID = N_PAD // BLK


def _t1_body(ca_ref, cb_ref, x_ref, w_ref, y_ref, dinv_ref):
    deg = 1.0 + ca_ref[...] + cb_ref[...]
    dinv = lax.rsqrt(deg)
    dinv_ref[...] = dinv
    xw = jnp.dot(x_ref[...], w_ref[...], preferred_element_type=jnp.float32)
    y_ref[...] = xw * dinv


def _tc_first(cnt_a, cnt_b, x_pad, W1):
    return pl.pallas_call(
        _t1_body,
        grid=(GRID,),
        in_specs=[
            pl.BlockSpec((BLK, 1), lambda i: (i, 0)),
            pl.BlockSpec((BLK, 1), lambda i: (i, 0)),
            pl.BlockSpec((BLK, D), lambda i: (i, 0)),
            pl.BlockSpec((D, D), lambda i: (0, 0)),
        ],
        out_specs=[
            pl.BlockSpec((BLK, D), lambda i: (i, 0)),
            pl.BlockSpec((BLK, 1), lambda i: (i, 0)),
        ],
        out_shape=[
            jax.ShapeDtypeStruct((N_PAD, D), jnp.float32),
            jax.ShapeDtypeStruct((N_PAD, 1), jnp.float32),
        ],
    )(cnt_a, cnt_b, x_pad, W1)


def _t2_body(sa_ref, sb_ref, dinv_ref, b_ref, w_ref, y2_ref):
    dinv = dinv_ref[...]
    agg = sa_ref[...] + sb_ref[...]
    h = jnp.maximum(agg * dinv + b_ref[...], 0.0)
    y2_ref[...] = jnp.dot(h, w_ref[...], preferred_element_type=jnp.float32) * dinv


def _tc_mid(sa, sb, dinv, b, W):
    return pl.pallas_call(
        _t2_body,
        grid=(GRID,),
        in_specs=[
            pl.BlockSpec((BLK, D), lambda i: (i, 0)),
            pl.BlockSpec((BLK, D), lambda i: (i, 0)),
            pl.BlockSpec((BLK, 1), lambda i: (i, 0)),
            pl.BlockSpec((1, D), lambda i: (0, 0)),
            pl.BlockSpec((D, D), lambda i: (0, 0)),
        ],
        out_specs=pl.BlockSpec((BLK, D), lambda i: (i, 0)),
        out_shape=jax.ShapeDtypeStruct((N_PAD, D), jnp.float32),
    )(sa, sb, dinv, b, W)


def _t3_body(sa_ref, sb_ref, dinv_ref, b_ref, w_ref, bo_ref, o_ref):
    agg = sa_ref[...] + sb_ref[...]
    h = jnp.maximum(agg * dinv_ref[...] + b_ref[...], 0.0)
    o_ref[...] = jnp.dot(h, w_ref[...], preferred_element_type=jnp.float32) + bo_ref[...]


def _tc_last(sa, sb, dinv, b, W, bo):
    return pl.pallas_call(
        _t3_body,
        grid=(GRID,),
        in_specs=[
            pl.BlockSpec((BLK, D), lambda i: (i, 0)),
            pl.BlockSpec((BLK, D), lambda i: (i, 0)),
            pl.BlockSpec((BLK, 1), lambda i: (i, 0)),
            pl.BlockSpec((1, D), lambda i: (0, 0)),
            pl.BlockSpec((D, D), lambda i: (0, 0)),
            pl.BlockSpec((1, D), lambda i: (0, 0)),
        ],
        out_specs=pl.BlockSpec((BLK, D), lambda i: (i, 0)),
        out_shape=jax.ShapeDtypeStruct((N_NODES, D), jnp.float32),
    )(sa, sb, dinv, b, W, bo)



def kernel(x, edge_index, W1, b1, W2, b2, Wo, bo):
    src = edge_index[0].astype(jnp.int32)
    dst = edge_index[1].astype(jnp.int32)

    n_fill = E_PAD - N_EDGES
    fill = (N_NODES + (jnp.arange(n_fill, dtype=jnp.int32) % (N_PAD - N_NODES)))
    src_p = jnp.concatenate([src, fill]).reshape(NW, NCHUNKS, CHUNK)
    dst_p = jnp.concatenate([dst, fill]).reshape(NW, NCHUNKS, CHUNK)
    ei = jnp.stack([src_p, dst_p], axis=2)
    ei = jnp.concatenate(
        [ei, jnp.zeros((NW, 2, 2, CHUNK), jnp.int32)], axis=1)

    x_pad = jnp.zeros((N_PAD, D), jnp.float32).at[:N_NODES].set(x)

    cnt = _deg_counts(ei)
    cnt_a = cnt[0].reshape(N_PAD, 1)
    cnt_b = cnt[1].reshape(N_PAD, 1)

    y1, dinv = _tc_first(cnt_a, cnt_b, x_pad, W1)
    s1 = _edge_scatter(y1, ei)
    y2 = _tc_mid(s1[0], s1[1], dinv, b1.reshape(1, D), W2)
    s2 = _edge_scatter(y2, ei)
    return _tc_last(s2[0], s2[1], dinv, b2.reshape(1, D), Wo, bo.reshape(1, D))

# --- scband reference (transcript-rebuilt; emitter-appended) ---
"""Pipeline reference for scband-multi-layer-gnn-19172734010019 (READ-ONLY COPY).

The authoritative reference and input builder live on the scoring server;
editing this copy changes nothing except your own understanding.
"""

import jax, jax.numpy as jnp
import numpy as np

N_NODES = 10000
N_EDGES = 320000
D_IN = 128
D_HID = 128
D_OUT = 128


def setup_inputs(seed: int = 0) -> dict:
    key = jax.random.key(seed)
    ks = jax.random.split(key, 10)
    x = jax.random.normal(ks[0], (N_NODES, D_IN), dtype=jnp.float32)
    edge_index = jax.random.randint(ks[1], (2, N_EDGES), 0, N_NODES, dtype=jnp.int64 if jax.config.jax_enable_x64 else jnp.int32)
    W1 = jax.random.normal(ks[2], (D_IN, D_HID), dtype=jnp.float32) * 0.05
    b1 = jnp.zeros((D_HID,), dtype=jnp.float32)
    W2 = jax.random.normal(ks[3], (D_HID, D_HID), dtype=jnp.float32) * 0.05
    b2 = jnp.zeros((D_HID,), dtype=jnp.float32)
    Wo = jax.random.normal(ks[4], (D_HID, D_OUT), dtype=jnp.float32) * 0.05
    bo = jnp.zeros((D_OUT,), dtype=jnp.float32)
    return {"x": x, "edge_index": edge_index, "W1": W1, "b1": b1, "W2": W2, "b2": b2, "Wo": Wo, "bo": bo}


def _gcn_layer(x, src, dst, W, b, n):
    # GCNConv with self-loops and symmetric normalization, followed by ReLU
    xw = x @ W
    deg = jnp.zeros((n,), dtype=x.dtype).at[dst].add(1.0)
    dinv = jnp.where(deg > 0, jax.lax.rsqrt(deg), 0.0)
    norm = dinv[src] * dinv[dst]
    msg = xw[src] * norm[:, None]
    out = jnp.zeros((n, xw.shape[1]), dtype=x.dtype).at[dst].add(msg)
    out = out + b
    return jax.nn.relu(out)


def reference(x, edge_index, W1, b1, W2, b2, Wo, bo):
    n = x.shape[0]
    loop = jnp.arange(n, dtype=edge_index.dtype)
    src = jnp.concatenate([edge_index[0], loop])
    dst = jnp.concatenate([edge_index[1], loop])
    h = _gcn_layer(x, src, dst, W1, b1, n)
    h = _gcn_layer(h, src, dst, W2, b2, n)
    return h @ Wo + bo

if __name__ == "__main__":
    import jax
    _d = setup_inputs()
    print(jax.jit(kernel)(*tuple(_d.values())))

</pallas_src>

<mosaic_0001>
#map = affine_map<(d0, d1) -> (0, 0)>
#map1 = affine_map<(d0, d1) -> (0, 0, 0, 0)>
#map2 = affine_map<(d0, d1) -> (0, 0, 0)>
module attributes {stable_mosaic.version = 14 : i64} {
  func.func @_scat_body(%arg0: i32, %arg1: i32, %arg2: memref<10240x128xf32, #tpu.memory_space<hbm>>, %arg3: memref<32x82x2x128xi32, #tpu.memory_space<hbm>>, %arg4: memref<2x10240x128xf32, #tpu.memory_space<hbm>>, %arg5: memref<128x128xf32, #tpu.memory_space<vmem>>, %arg6: memref<128x128xf32, #tpu.memory_space<vmem>>, %arg7: memref<2x128xi32, #tpu.memory_space<vmem>>, %arg8: memref<2x128xi32, #tpu.memory_space<vmem>>, %arg9: memref<2x128xi32, #tpu.memory_space<vmem>>, %arg10: memref<2x128xi32, #tpu.memory_space<vmem>>, %arg11: memref<10240x128xf32, #tpu.memory_space<vmem_shared>>, %arg12: memref<!tpu.dma_semaphore, #tpu.memory_space<semaphore_mem>>, %arg13: memref<!tpu.dma_semaphore, #tpu.memory_space<semaphore_mem>>, %arg14: memref<!tpu.dma_semaphore, #tpu.memory_space<semaphore_mem>>, %arg15: memref<!tpu.dma_semaphore, #tpu.memory_space<semaphore_mem>>, %arg16: memref<!tpu.dma_semaphore, #tpu.memory_space<semaphore_mem>>, %arg17: memref<!tpu.dma_semaphore, #tpu.memory_space<semaphore_mem>>, %arg18: memref<!tpu.dma_semaphore, #tpu.memory_space<semaphore_mem>>, %arg19: memref<!tpu.dma_semaphore, #tpu.memory_space<semaphore_mem>>) attributes {dimension_semantics = [#tpu.dimension_semantics<core_parallel>, #tpu.dimension_semantics<subcore_parallel>], iteration_bounds = array<i64: 2, 16>, scalar_prefetch = 0 : i64, scratch_operands = 15 : i64, tpu.core_type = #tpu.core_type<sc_vector_subcore>, window_params = [{transform_indices = #map}, {transform_indices = #map1}, {transform_indices = #map2}]} {
    %mul3A = arith.constant 2 : i32
    %mul3A_0 = arith.muli %arg1, %mul3A : i32
    %add3A = arith.addi %mul3A_0, %arg0 : i32
    %mul3A_1 = arith.constant 640 : i32
    %mul3A_2 = arith.muli %arg1, %mul3A_1 : i32
    %eq3A = arith.constant 0 : i32
    %eq3A_3 = arith.cmpi eq, %arg0, %eq3A : i32
    %convert_element_type3A = arith.extui %eq3A_3 : i1 to i32
    %cond3A = arith.constant 0 : i32
    %cond3A_4 = arith.cmpi ne, %convert_element_type3A, %cond3A : i32
    scf.if %cond3A_4 {
      "tpu.region"() ({
        %run_scoped3A = tpu.sem_alloc : memref<!tpu.dma_semaphore, #tpu.memory_space<semaphore_mem>>
        %dma_start3A_237 = arith.constant 0 : i32
        %dma_start3A_238 = tpu.memref_slice %arg11[%mul3A_2, %dma_start3A_237] : memref<10240x128xf32, #tpu.memory_space<vmem_shared>> -> memref<640x128xf32, #tpu.memory_space<vmem_shared>>
        %dma_start3A_239 = arith.constant 0 : i32
        %dma_start3A_240 = tpu.memref_slice %arg2[%mul3A_2, %dma_start3A_239] : memref<10240x128xf32, #tpu.memory_space<hbm>> -> memref<640x128xf32, #tpu.memory_space<hbm>>
        tpu.enqueue_dma source(%dma_start3A_240 : memref<640x128xf32, #tpu.memory_space<hbm>>) target(%dma_start3A_238 : memref<640x128xf32, #tpu.memory_space<vmem_shared>>) target_semaphore(%run_scoped3A : memref<!tpu.dma_semaphore, #tpu.memory_space<semaphore_mem>>)
        %dma_wait3A_241 = arith.constant 0 : i32
        %dma_wait3A_242 = tpu.memref_slice %arg11[%mul3A_2, %dma_wait3A_241] : memref<10240x128xf32, #tpu.memory_space<vmem_shared>> -> memref<640x128xf32, #tpu.memory_space<vmem_shared>>
        %dma_wait3A_243 = arith.constant 0 : i32
        %dma_wait3A_244 = tpu.memref_slice %arg2[%mul3A_2, %dma_wait3A_243] : memref<10240x128xf32, #tpu.memory_space<hbm>> -> memref<640x128xf32, #tpu.memory_space<hbm>>
        tpu.wait_dma2 semaphore(%run_scoped3A : memref<!tpu.dma_semaphore, #tpu.memory_space<semaphore_mem>>) src(%dma_wait3A_244 : memref<640x128xf32, #tpu.memory_space<hbm>>) dst(%dma_wait3A_242 : memref<640x128xf32, #tpu.memory_space<vmem_shared>>)
        tpu.yield
      }) : () -> ()
    } else {
    }
    %eq3A_5 = arith.constant 1 : i32
    %eq3A_6 = arith.cmpi eq, %arg0, %eq3A_5 : i32
    %convert_element_type3A_7 = arith.extui %eq3A_6 : i1 to i32
    %cond3A_8 = arith.constant 0 : i32
    %cond3A_9 = arith.cmpi ne, %convert_element_type3A_7, %cond3A_8 : i32
    scf.if %cond3A_9 {
      %scan3A_237 = arith.constant 0 : i32
      %scan3A_238 = arith.constant 128 : i32
      %scan3A_239 = arith.addi %scan3A_237, %scan3A_238 : i32
      %scan3A_240 = arith.constant 1 : i32
      scf.for %scan3A_262 = %scan3A_237 to %scan3A_239 step %scan3A_240  : i32 {
        %mul3A_263 = arith.constant 1 : i32
        %mul3A_264 = arith.muli %scan3A_262, %mul3A_263 : i32
        %add3A_265 = arith.constant 0 : i32
        %add3A_266 = arith.addi %add3A_265, %mul3A_264 : i32
        %broadcast_in_dim3A = arith.constant 0.000000e+00 : f32
        %broadcast_in_dim3A_267 = vector.broadcast %broadcast_in_dim3A : f32 to vector<16xf32>
        %swap3A = arith.constant 0 : i32
        %swap3A_268 = tpu.memref_slice %arg5[%add3A_266, %swap3A] : memref<128x128xf32, #tpu.memory_space<vmem>> -> memref<1x128xf32, #tpu.memory_space<vmem>>
        %swap3A_269 = tpu.memref_squeeze %swap3A_268 : memref<1x128xf32, #tpu.memory_space<vmem>> -> memref<128xf32, #tpu.memory_space<vmem>>
        %swap3A_270 = arith.constant 0 : index
        %swap3A_271 = tpu.vector_load %swap3A_269[%swap3A_270] {strides = array<i32>} : memref<128xf32, #tpu.memory_space<vmem>>, vector<16xf32>,
        %swap3A_272 = vector.shape_cast %swap3A_271 : vector<16xf32> to vector<16xf32>
        %swap3A_273 = vector.shape_cast %broadcast_in_dim3A_267 : vector<16xf32> to vector<16xf32>
        tpu.vector_store %swap3A_269[%swap3A_270], %swap3A_273 {strides = array<i32>} : memref<128xf32, #tpu.memory_space<vmem>>, vector<16xf32>,
        %broadcast_in_dim3A_274 = arith.constant 0.000000e+00 : f32
        %broadcast_in_dim3A_275 = vector.broadcast %broadcast_in_dim3A_274 : f32 to vector<16xf32>
        %swap3A_276 = arith.constant 0 : i32
        %swap3A_277 = tpu.memref_slice %arg5[%add3A_266, %swap3A_276] : memref<128x128xf32, #tpu.memory_space<vmem>> -> memref<1x128xf32, #tpu.memory_space<vmem>>
        %swap3A_278 = tpu.memref_squeeze %swap3A_277 : memref<1x128xf32, #tpu.memory_space<vmem>> -> memref<128xf32, #tpu.memory_space<vmem>>
        %swap3A_279 = arith.constant 16 : index
        %swap3A_280 = tpu.vector_load %swap3A_278[%swap3A_279] {strides = array<i32>} : memref<128xf32, #tpu.memory_space<vmem>>, vector<16xf32>,
        %swap3A_281 = vector.shape_cast %swap3A_280 : vector<16xf32> to vector<16xf32>
        %swap3A_282 = vector.shape_cast %broadcast_in_dim3A_275 : vector<16xf32> to vector<16xf32>
        tpu.vector_store %swap3A_278[%swap3A_279], %swap3A_282 {strides = array<i32>} : memref<128xf32, #tpu.memory_space<vmem>>, vector<16xf32>,
        %broadcast_in_dim3A_283 = arith.constant 0.000000e+00 : f32
        %broadcast_in_dim3A_284 = vector.broadcast %broadcast_in_dim3A_283 : f32 to vector<16xf32>
        %swap3A_285 = arith.constant 0 : i32
        %swap3A_286 = tpu.memref_slice %arg5[%add3A_266, %swap3A_285] : memref<128x128xf32, #tpu.memory_space<vmem>> -> memref<1x128xf32, #tpu.memory_space<vmem>>
        %swap3A_287 = tpu.memref_squeeze %swap3A_286 : memref<1x128xf32, #tpu.memory_space<vmem>> -> memref<128xf32, #tpu.memory_space<vmem>>
        %swap3A_288 = arith.constant 32 : index
        %swap3A_289 = tpu.vector_load %swap3A_287[%swap3A_288] {strides = array<i32>} : memref<128xf32, #tpu.memory_space<vmem>>, vector<16xf32>,
        %swap3A_290 = vector.shape_cast %swap3A_289 : vector<16xf32> to vector<16xf32>
        %swap3A_291 = vector.shape_cast %broadcast_in_dim3A_284 : vector<16xf32> to vector<16xf32>
        tpu.vector_store %swap3A_287[%swap3A_288], %swap3A_291 {strides = array<i32>} : memref<128xf32, #tpu.memory_space<vmem>>, vector<16xf32>,
        %broadcast_in_dim3A_292 = arith.constant 0.000000e+00 : f32
        %broadcast_in_dim3A_293 = vector.broadcast %broadcast_in_dim3A_292 : f32 to vector<16xf32>
        %swap3A_294 = arith.constant 0 : i32
        %swap3A_295 = tpu.memref_slice %arg5[%add3A_266, %swap3A_294] : memref<128x128xf32, #tpu.memory_space<vmem>> -> memref<1x128xf32, #tpu.memory_space<vmem>>
        %swap3A_296 = tpu.memref_squeeze %swap3A_295 : memref<1x128xf32, #tpu.memory_space<vmem>> -> memref<128xf32, #tpu.memory_space<vmem>>
        %swap3A_297 = arith.constant 48 : index
        %swap3A_298 = tpu.vector_load %swap3A_296[%swap3A_297] {strides = array<i32>} : memref<128xf32, #tpu.memory_space<vmem>>, vector<16xf32>,
        %swap3A_299 = vector.shape_cast %swap3A_298 : vector<16xf32> to vector<16xf32>
        %swap3A_300 = vector.shape_cast %broadcast_in_dim3A_293 : vector<16xf32> to vector<16xf32>
        tpu.vector_store %swap3A_296[%swap3A_297], %swap3A_300 {strides = array<i32>} : memref<128xf32, #tpu.memory_space<vmem>>, vector<16xf32>,
        %broadcast_in_dim3A_301 = arith.constant 0.000000e+00 : f32
        %broadcast_in_dim3A_302 = vector.broadcast %broadcast_in_dim3A_301 : f32 to vector<16xf32>
        %swap3A_303 = arith.constant 0 : i32
        %swap3A_304 = tpu.memref_slice %arg5[%add3A_266, %swap3A_303] : memref<128x128xf32, #tpu.memory_space<vmem>> -> memref<1x128xf32, #tpu.memory_space<vmem>>
        %swap3A_305 = tpu.memref_squeeze %swap3A_304 : memref<1x128xf32, #tpu.memory_space<vmem>> -> memref<128xf32, #tpu.memory_space<vmem>>
        %swap3A_306 = arith.constant 64 : index
        %swap3A_307 = tpu.vector_load %swap3A_305[%swap3A_306] {strides = array<i32>} : memref<128xf32, #tpu.memory_space<vmem>>, vector<16xf32>,
        %swap3A_308 = vector.shape_cast %swap3A_307 : vector<16xf32> to vector<16xf32>
        %swap3A_309 = vector.shape_cast %broadcast_in_dim3A_302 : vector<16xf32> to vector<16xf32>
        tpu.vector_store %swap3A_305[%swap3A_306], %swap3A_309 {strides = array<i32>} : memref<128xf32, #tpu.memory_space<vmem>>, vector<16xf32>,
        %broadcast_in_dim3A_310 = arith.constant 0.000000e+00 : f32
        %broadcast_in_dim3A_311 = vector.broadcast %broadcast_in_dim3A_310 : f32 to vector<16xf32>
        %swap3A_312 = arith.constant 0 : i32
        %swap3A_313 = tpu.memref_slice %arg5[%add3A_266, %swap3A_312] : memref<128x128xf32, #tpu.memory_space<vmem>> -> memref<1x128xf32, #tpu.memory_space<vmem>>
        %swap3A_314 = tpu.memref_squeeze %swap3A_313 : memref<1x128xf32, #tpu.memory_space<vmem>> -> memref<128xf32, #tpu.memory_space<vmem>>
        %swap3A_315 = arith.constant 80 : index
        %swap3A_316 = tpu.vector_load %swap3A_314[%swap3A_315] {strides = array<i32>} : memref<128xf32, #tpu.memory_space<vmem>>, vector<16xf32>,
        %swap3A_317 = vector.shape_cast %swap3A_316 : vector<16xf32> to vector<16xf32>
        %swap3A_318 = vector.shape_cast %broadcast_in_dim3A_311 : vector<16xf32> to vector<16xf32>
        tpu.vector_store %swap3A_314[%swap3A_315], %swap3A_318 {strides = array<i32>} : memref<128xf32, #tpu.memory_space<vmem>>, vector<16xf32>,
        %broadcast_in_dim3A_319 = arith.constant 0.000000e+00 : f32
        %broadcast_in_dim3A_320 = vector.broadcast %broadcast_in_dim3A_319 : f32 to vector<16xf32>
        %swap3A_321 = arith.constant 0 : i32
        %swap3A_322 = tpu.memref_slice %arg5[%add3A_266, %swap3A_321] : memref<128x128xf32, #tpu.memory_space<vmem>> -> memref<1x128xf32, #tpu.memory_space<vmem>>
        %swap3A_323 = tpu.memref_squeeze %swap3A_322 : memref<1x128xf32, #tpu.memory_space<vmem>> -> memref<128xf32, #tpu.memory_space<vmem>>
        %swap3A_324 = arith.constant 96 : index
        %swap3A_325 = tpu.vector_load %swap3A_323[%swap3A_324] {strides = array<i32>} : memref<128xf32, #tpu.memory_space<vmem>>, vector<16xf32>,
        %swap3A_326 = vector.shape_cast %swap3A_325 : vector<16xf32> to vector<16xf32>
        %swap3A_327 = vector.shape_cast %broadcast_in_dim3A_320 : vector<16xf32> to vector<16xf32>
        tpu.vector_store %swap3A_323[%swap3A_324], %swap3A_327 {strides = array<i32>} : memref<128xf32, #tpu.memory_space<vmem>>, vector<16xf32>,
        %broadcast_in_dim3A_328 = arith.constant 0.000000e+00 : f32
        %broadcast_in_dim3A_329 = vector.broadcast %broadcast_in_dim3A_328 : f32 to vector<16xf32>
        %swap3A_330 = arith.constant 0 : i32
        %swap3A_331 = tpu.memref_slice %arg5[%add3A_266, %swap3A_330] : memref<128x128xf32, #tpu.memory_space<vmem>> -> memref<1x128xf32, #tpu.memory_space<vmem>>
        %swap3A_332 = tpu.memref_squeeze %swap3A_331 : memref<1x128xf32, #tpu.memory_space<vmem>> -> memref<128xf32, #tpu.memory_space<vmem>>
        %swap3A_333 = arith.constant 112 : index
        %swap3A_334 = tpu.vector_load %swap3A_332[%swap3A_333] {strides = array<i32>} : memref<128xf32, #tpu.memory_space<vmem>>, vector<16xf32>,
        %swap3A_335 = vector.shape_cast %swap3A_334 : vector<16xf32> to vector<16xf32>
        %swap3A_336 = vector.shape_cast %broadcast_in_dim3A_329 : vector<16xf32> to vector<16xf32>
        tpu.vector_store %swap3A_332[%swap3A_333], %swap3A_336 {strides = array<i32>} : memref<128xf32, #tpu.memory_space<vmem>>, vector<16xf32>,
      }
      %scan3A_241 = arith.constant 128 : i32
      %mul3A_242 = arith.constant 640 : i32
      %mul3A_243 = arith.muli %arg1, %mul3A_242 : i32
      %add3A_244 = arith.constant 0 : i32
      %add3A_245 = arith.addi %mul3A_243, %add3A_244 : i32
      "tpu.region"() ({
        %run_scoped3A = tpu.sem_alloc : memref<!tpu.dma_semaphore, #tpu.memory_space<semaphore_mem>>
        %dma_start3A_262 = arith.constant 0 : i32
        %dma_start3A_263 = tpu.memref_slice %arg11[%add3A_245, %dma_start3A_262] : memref<10240x128xf32, #tpu.memory_space<vmem_shared>> -> memref<128x128xf32, #tpu.memory_space<vmem_shared>>
        %dma_start3A_264 = arith.constant 0 : i32
        %dma_start3A_265 = tpu.memref_slice %arg11[%add3A_245, %dma_start3A_264] : memref<10240x128xf32, #tpu.memory_space<vmem_shared>> -> memref<128x128xf32, #tpu.memory_space<vmem_shared>>
        tpu.enqueue_dma source(%arg5 : memref<128x128xf32, #tpu.memory_space<vmem>>) target(%dma_start3A_265 : memref<128x128xf32, #tpu.memory_space<vmem_shared>>) target_semaphore(%run_scoped3A : memref<!tpu.dma_semaphore, #tpu.memory_space<semaphore_mem>>)
        %dma_wait3A_266 = arith.constant 0 : i32
        %dma_wait3A_267 = tpu.memref_slice %arg11[%add3A_245, %dma_wait3A_266] : memref<10240x128xf32, #tpu.memory_space<vmem_shared>> -> memref<128x128xf32, #tpu.memory_space<vmem_shared>>
        %dma_wait3A_268 = arith.constant 0 : i32
        %dma_wait3A_269 = tpu.memref_slice %arg11[%add3A_245, %dma_wait3A_268] : memref<10240x128xf32, #tpu.memory_space<vmem_shared>> -> memref<128x128xf32, #tpu.memory_space<vmem_shared>>
        tpu.wait_dma2 semaphore(%run_scoped3A : memref<!tpu.dma_semaphore, #tpu.memory_space<semaphore_mem>>) src(%arg5 : memref<128x128xf32, #tpu.memory_space<vmem>>) dst(%dma_wait3A_269 : memref<128x128xf32, #tpu.memory_space<vmem_shared>>)
        tpu.yield
      }) : () -> ()
      %mul3A_246 = arith.constant 640 : i32
      %mul3A_247 = arith.muli %arg1, %mul3A_246 : i32
      %add3A_248 = arith.constant 128 : i32
      %add3A_249 = arith.addi %mul3A_247, %add3A_248 : i32
      "tpu.region"() ({
        %run_scoped3A = tpu.sem_alloc : memref<!tpu.dma_semaphore, #tpu.memory_space<semaphore_mem>>
        %dma_start3A_262 = arith.constant 0 : i32
        %dma_start3A_263 = tpu.memref_slice %arg11[%add3A_249, %dma_start3A_262] : memref<10240x128xf32, #tpu.memory_space<vmem_shared>> -> memref<128x128xf32, #tpu.memory_space<vmem_shared>>
        %dma_start3A_264 = arith.constant 0 : i32
        %dma_start3A_265 = tpu.memref_slice %arg11[%add3A_249, %dma_start3A_264] : memref<10240x128xf32, #tpu.memory_space<vmem_shared>> -> memref<128x128xf32, #tpu.memory_space<vmem_shared>>
        tpu.enqueue_dma source(%arg5 : memref<128x128xf32, #tpu.memory_space<vmem>>) target(%dma_start3A_265 : memref<128x128xf32, #tpu.memory_space<vmem_shared>>) target_semaphore(%run_scoped3A : memref<!tpu.dma_semaphore, #tpu.memory_space<semaphore_mem>>)
        %dma_wait3A_266 = arith.constant 0 : i32
        %dma_wait3A_267 = tpu.memref_slice %arg11[%add3A_249, %dma_wait3A_266] : memref<10240x128xf32, #tpu.memory_space<vmem_shared>> -> memref<128x128xf32, #tpu.memory_space<vmem_shared>>
        %dma_wait3A_268 = arith.constant 0 : i32
        %dma_wait3A_269 = tpu.memref_slice %arg11[%add3A_249, %dma_wait3A_268] : memref<10240x128xf32, #tpu.memory_space<vmem_shared>> -> memref<128x128xf32, #tpu.memory_space<vmem_shared>>
        tpu.wait_dma2 semaphore(%run_scoped3A : memref<!tpu.dma_semaphore, #tpu.memory_space<semaphore_mem>>) src(%arg5 : memref<128x128xf32, #tpu.memory_space<vmem>>) dst(%dma_wait3A_269 : memref<128x128xf32, #tpu.memory_space<vmem_shared>>)
        tpu.yield
      }) : () -> ()
      %mul3A_250 = arith.constant 640 : i32
      %mul3A_251 = arith.muli %arg1, %mul3A_250 : i32
      %add3A_252 = arith.constant 256 : i32
      %add3A_253 = arith.addi %mul3A_251, %add3A_252 : i32
      "tpu.region"() ({
        %run_scoped3A = tpu.sem_alloc : memref<!tpu.dma_semaphore, #tpu.memory_space<semaphore_mem>>
        %dma_start3A_262 = arith.constant 0 : i32
        %dma_start3A_263 = tpu.memref_slice %arg11[%add3A_253, %dma_start3A_262] : memref<10240x128xf32, #tpu.memory_space<vmem_shared>> -> memref<128x128xf32, #tpu.memory_space<vmem_shared>>
        %dma_start3A_264 = arith.constant 0 : i32
        %dma_start3A_265 = tpu.memref_slice %arg11[%add3A_253, %dma_start3A_264] : memref<10240x128xf32, #tpu.memory_space<vmem_shared>> -> memref<128x128xf32, #tpu.memory_space<vmem_shared>>
        tpu.enqueue_dma source(%arg5 : memref<128x128xf32, #tpu.memory_space<vmem>>) target(%dma_start3A_265 : memref<128x128xf32, #tpu.memory_space<vmem_shared>>) target_semaphore(%run_scoped3A : memref<!tpu.dma_semaphore, #tpu.memory_space<semaphore_mem>>)
        %dma_wait3A_266 = arith.constant 0 : i32
        %dma_wait3A_267 = tpu.memref_slice %arg11[%add3A_253, %dma_wait3A_266] : memref<10240x128xf32, #tpu.memory_space<vmem_shared>> -> memref<128x128xf32, #tpu.memory_space<vmem_shared>>
        %dma_wait3A_268 = arith.constant 0 : i32
        %dma_wait3A_269 = tpu.memref_slice %arg11[%add3A_253, %dma_wait3A_268] : memref<10240x128xf32, #tpu.memory_space<vmem_shared>> -> memref<128x128xf32, #tpu.memory_space<vmem_shared>>
        tpu.wait_dma2 semaphore(%run_scoped3A : memref<!tpu.dma_semaphore, #tpu.memory_space<semaphore_mem>>) src(%arg5 : memref<128x128xf32, #tpu.memory_space<vmem>>) dst(%dma_wait3A_269 : memref<128x128xf32, #tpu.memory_space<vmem_shared>>)
        tpu.yield
      }) : () -> ()
      %mul3A_254 = arith.constant 640 : i32
      %mul3A_255 = arith.muli %arg1, %mul3A_254 : i32
      %add3A_256 = arith.constant 384 : i32
      %add3A_257 = arith.addi %mul3A_255, %add3A_256 : i32
      "tpu.region"() ({
        %run_scoped3A = tpu.sem_alloc : memref<!tpu.dma_semaphore, #tpu.memory_space<semaphore_mem>>
        %dma_start3A_262 = arith.constant 0 : i32
        %dma_start3A_263 = tpu.memref_slice %arg11[%add3A_257, %dma_start3A_262] : memref<10240x128xf32, #tpu.memory_space<vmem_shared>> -> memref<128x128xf32, #tpu.memory_space<vmem_shared>>
        %dma_start3A_264 = arith.constant 0 : i32
        %dma_start3A_265 = tpu.memref_slice %arg11[%add3A_257, %dma_start3A_264] : memref<10240x128xf32, #tpu.memory_space<vmem_shared>> -> memref<128x128xf32, #tpu.memory_space<vmem_shared>>
        tpu.enqueue_dma source(%arg5 : memref<128x128xf32, #tpu.memory_space<vmem>>) target(%dma_start3A_265 : memref<128x128xf32, #tpu.memory_space<vmem_shared>>) target_semaphore(%run_scoped3A : memref<!tpu.dma_semaphore, #tpu.memory_space<semaphore_mem>>)
        %dma_wait3A_266 = arith.constant 0 : i32
        %dma_wait3A_267 = tpu.memref_slice %arg11[%add3A_257, %dma_wait3A_266] : memref<10240x128xf32, #tpu.memory_space<vmem_shared>> -> memref<128x128xf32, #tpu.memory_space<vmem_shared>>
        %dma_wait3A_268 = arith.constant 0 : i32
        %dma_wait3A_269 = tpu.memref_slice %arg11[%add3A_257, %dma_wait3A_268] : memref<10240x128xf32, #tpu.memory_space<vmem_shared>> -> memref<128x128xf32, #tpu.memory_space<vmem_shared>>
        tpu.wait_dma2 semaphore(%run_scoped3A : memref<!tpu.dma_semaphore, #tpu.memory_space<semaphore_mem>>) src(%arg5 : memref<128x128xf32, #tpu.memory_space<vmem>>) dst(%dma_wait3A_269 : memref<128x128xf32, #tpu.memory_space<vmem_shared>>)
        tpu.yield
      }) : () -> ()
      %mul3A_258 = arith.constant 640 : i32
      %mul3A_259 = arith.muli %arg1, %mul3A_258 : i32
      %add3A_260 = arith.constant 512 : i32
      %add3A_261 = arith.addi %mul3A_259, %add3A_260 : i32
      "tpu.region"() ({
        %run_scoped3A = tpu.sem_alloc : memref<!tpu.dma_semaphore, #tpu.memory_space<semaphore_mem>>
        %dma_start3A_262 = arith.constant 0 : i32
        %dma_start3A_263 = tpu.memref_slice %arg11[%add3A_261, %dma_start3A_262] : memref<10240x128xf32, #tpu.memory_space<vmem_shared>> -> memref<128x128xf32, #tpu.memory_space<vmem_shared>>
        %dma_start3A_264 = arith.constant 0 : i32
        %dma_start3A_265 = tpu.memref_slice %arg11[%add3A_261, %dma_start3A_264] : memref<10240x128xf32, #tpu.memory_space<vmem_shared>> -> memref<128x128xf32, #tpu.memory_space<vmem_shared>>
        tpu.enqueue_dma source(%arg5 : memref<128x128xf32, #tpu.memory_space<vmem>>) target(%dma_start3A_265 : memref<128x128xf32, #tpu.memory_space<vmem_shared>>) target_semaphore(%run_scoped3A : memref<!tpu.dma_semaphore, #tpu.memory_space<semaphore_mem>>)
        %dma_wait3A_266 = arith.constant 0 : i32
        %dma_wait3A_267 = tpu.memref_slice %arg11[%add3A_261, %dma_wait3A_266] : memref<10240x128xf32, #tpu.memory_space<vmem_shared>> -> memref<128x128xf32, #tpu.memory_space<vmem_shared>>
        %dma_wait3A_268 = arith.constant 0 : i32
        %dma_wait3A_269 = tpu.memref_slice %arg11[%add3A_261, %dma_wait3A_268] : memref<10240x128xf32, #tpu.memory_space<vmem_shared>> -> memref<128x128xf32, #tpu.memory_space<vmem_shared>>
        tpu.wait_dma2 semaphore(%run_scoped3A : memref<!tpu.dma_semaphore, #tpu.memory_space<semaphore_mem>>) src(%arg5 : memref<128x128xf32, #tpu.memory_space<vmem>>) dst(%dma_wait3A_269 : memref<128x128xf32, #tpu.memory_space<vmem_shared>>)
        tpu.yield
      }) : () -> ()
    } else {
    }
    %barrier3A = arith.constant 0 : index
    tpu.barrier barrier_id(%barrier3A)
    %dma_start3A = arith.constant 0 : i32
    %dma_start3A_10 = arith.constant 0 : i32
    %dma_start3A_11 = arith.constant 0 : i32
    %dma_start3A_12 = tpu.memref_slice %arg3[%add3A, %dma_start3A, %dma_start3A_10, %dma_start3A_11] : memref<32x82x2x128xi32, #tpu.memory_space<hbm>> -> memref<1x1x2x128xi32, #tpu.memory_space<hbm>>
    %dma_start3A_13 = tpu.memref_squeeze %dma_start3A_12 : memref<1x1x2x128xi32, #tpu.memory_space<hbm>> -> memref<2x128xi32, #tpu.memory_space<hbm>>
    %dma_start3A_14 = arith.constant 0 : i32
    %dma_start3A_15 = arith.constant 0 : i32
    %dma_start3A_16 = tpu.memref_slice %arg3[%add3A, %dma_start3A, %dma_start3A_14, %dma_start3A_15] : memref<32x82x2x128xi32, #tpu.memory_space<hbm>> -> memref<1x1x2x128xi32, #tpu.memory_space<hbm>>
    %dma_start3A_17 = tpu.memref_squeeze %dma_start3A_16 : memref<1x1x2x128xi32, #tpu.memory_space<hbm>> -> memref<2x128xi32, #tpu.memory_space<hbm>>
    tpu.enqueue_dma source(%dma_start3A_17 : memref<2x128xi32, #tpu.memory_space<hbm>>) target(%arg7 : memref<2x128xi32, #tpu.memory_space<vmem>>) target_semaphore(%arg16 : memref<!tpu.dma_semaphore, #tpu.memory_space<semaphore_mem>>)
    %dma_start3A_18 = arith.constant 1 : i32
    %dma_start3A_19 = arith.constant 0 : i32
    %dma_start3A_20 = arith.constant 0 : i32
    %dma_start3A_21 = tpu.memref_slice %arg3[%add3A, %dma_start3A_18, %dma_start3A_19, %dma_start3A_20] : memref<32x82x2x128xi32, #tpu.memory_space<hbm>> -> memref<1x1x2x128xi32, #tpu.memory_space<hbm>>
    %dma_start3A_22 = tpu.memref_squeeze %dma_start3A_21 : memref<1x1x2x128xi32, #tpu.memory_space<hbm>> -> memref<2x128xi32, #tpu.memory_space<hbm>>
    %dma_start3A_23 = arith.constant 0 : i32
    %dma_start3A_24 = arith.constant 0 : i32
    %dma_start3A_25 = tpu.memref_slice %arg3[%add3A, %dma_start3A_18, %dma_start3A_23, %dma_start3A_24] : memref<32x82x2x128xi32, #tpu.memory_space<hbm>> -> memref<1x1x2x128xi32, #tpu.memory_space<hbm>>
    %dma_start3A_26 = tpu.memref_squeeze %dma_start3A_25 : memref<1x1x2x128xi32, #tpu.memory_space<hbm>> -> memref<2x128xi32, #tpu.memory_space<hbm>>
    tpu.enqueue_dma source(%dma_start3A_26 : memref<2x128xi32, #tpu.memory_space<hbm>>) target(%arg8 : memref<2x128xi32, #tpu.memory_space<vmem>>) target_semaphore(%arg17 : memref<!tpu.dma_semaphore, #tpu.memory_space<semaphore_mem>>)
    %dma_start3A_27 = arith.constant 2 : i32
    %dma_start3A_28 = arith.constant 0 : i32
    %dma_start3A_29 = arith.constant 0 : i32
    %dma_start3A_30 = tpu.memref_slice %arg3[%add3A, %dma_start3A_27, %dma_start3A_28, %dma_start3A_29] : memref<32x82x2x128xi32, #tpu.memory_space<hbm>> -> memref<1x1x2x128xi32, #tpu.memory_space<hbm>>
    %dma_start3A_31 = tpu.memref_squeeze %dma_start3A_30 : memref<1x1x2x128xi32, #tpu.memory_space<hbm>> -> memref<2x128xi32, #tpu.memory_space<hbm>>
    %dma_start3A_32 = arith.constant 0 : i32
    %dma_start3A_33 = arith.constant 0 : i32
    %dma_start3A_34 = tpu.memref_slice %arg3[%add3A, %dma_start3A_27, %dma_start3A_32, %dma_start3A_33] : memref<32x82x2x128xi32, #tpu.memory_space<hbm>> -> memref<1x1x2x128xi32, #tpu.memory_space<hbm>>
    %dma_start3A_35 = tpu.memref_squeeze %dma_start3A_34 : memref<1x1x2x128xi32, #tpu.memory_space<hbm>> -> memref<2x128xi32, #tpu.memory_space<hbm>>
    tpu.enqueue_dma source(%dma_start3A_35 : memref<2x128xi32, #tpu.memory_space<hbm>>) target(%arg9 : memref<2x128xi32, #tpu.memory_space<vmem>>) target_semaphore(%arg18 : memref<!tpu.dma_semaphore, #tpu.memory_space<semaphore_mem>>)
    %dma_wait3A = arith.constant 0 : i32
    %dma_wait3A_36 = arith.constant 0 : i32
    %dma_wait3A_37 = arith.constant 0 : i32
    %dma_wait3A_38 = tpu.memref_slice %arg3[%add3A, %dma_wait3A, %dma_wait3A_36, %dma_wait3A_37] : memref<32x82x2x128xi32, #tpu.memory_space<hbm>> -> memref<1x1x2x128xi32, #tpu.memory_space<hbm>>
    %dma_wait3A_39 = tpu.memref_squeeze %dma_wait3A_38 : memref<1x1x2x128xi32, #tpu.memory_space<hbm>> -> memref<2x128xi32, #tpu.memory_space<hbm>>
    %dma_wait3A_40 = arith.constant 0 : i32
    %dma_wait3A_41 = arith.constant 0 : i32
    %dma_wait3A_42 = tpu.memref_slice %arg3[%add3A, %dma_wait3A, %dma_wait3A_40, %dma_wait3A_41] : memref<32x82x2x128xi32, #tpu.memory_space<hbm>> -> memref<1x1x2x128xi32, #tpu.memory_space<hbm>>
    %dma_wait3A_43 = tpu.memref_squeeze %dma_wait3A_42 : memref<1x1x2x128xi32, #tpu.memory_space<hbm>> -> memref<2x128xi32, #tpu.memory_space<hbm>>
    tpu.wait_dma2 semaphore(%arg16 : memref<!tpu.dma_semaphore, #tpu.memory_space<semaphore_mem>>) src(%dma_wait3A_43 : memref<2x128xi32, #tpu.memory_space<hbm>>) dst(%arg7 : memref<2x128xi32, #tpu.memory_space<vmem>>)
    %dma_start3A_44 = arith.constant 0 : i32
    %dma_start3A_45 = arith.constant 0 : i32
    %dma_start3A_46 = tpu.memref_slice %arg7[%dma_start3A_44, %dma_start3A_45] : memref<2x128xi32, #tpu.memory_space<vmem>> -> memref<1x128xi32, #tpu.memory_space<vmem>>
    %dma_start3A_47 = tpu.memref_squeeze %dma_start3A_46 : memref<1x128xi32, #tpu.memory_space<vmem>> -> memref<128xi32, #tpu.memory_space<vmem>>
    %dma_start3A_48 = arith.constant 0 : i32
    %dma_start3A_49 = arith.constant 0 : i32
    %dma_start3A_50 = tpu.memref_slice %arg2[%dma_start3A_48, %dma_start3A_49] : memref<10240x128xf32, #tpu.memory_space<hbm>> -> memref<10240x128xf32, #tpu.memory_space<hbm>>
    tpu.enqueue_indirect_dma source(%dma_start3A_50 : memref<10240x128xf32, #tpu.memory_space<hbm>>) target(%arg5 : memref<128x128xf32, #tpu.memory_space<vmem>>) offsets(%dma_start3A_47 : memref<128xi32, #tpu.memory_space<vmem>>) semaphore(%arg12 : memref<!tpu.dma_semaphore, #tpu.memory_space<semaphore_mem>>)
    %dma_wait3A_51 = arith.constant 0 : i32
    %dma_wait3A_52 = arith.constant 0 : i32
    %dma_wait3A_53 = tpu.memref_slice %arg7[%dma_wait3A_51, %dma_wait3A_52] : memref<2x128xi32, #tpu.memory_space<vmem>> -> memref<1x128xi32, #tpu.memory_space<vmem>>
    %dma_wait3A_54 = tpu.memref_squeeze %dma_wait3A_53 : memref<1x128xi32, #tpu.memory_space<vmem>> -> memref<128xi32, #tpu.memory_space<vmem>>
    %dma_wait3A_55 = arith.constant 0 : i32
    %dma_wait3A_56 = arith.constant 0 : i32
    %dma_wait3A_57 = tpu.memref_slice %arg2[%dma_wait3A_55, %dma_wait3A_56] : memref<10240x128xf32, #tpu.memory_space<hbm>> -> memref<10240x128xf32, #tpu.memory_space<hbm>>
    tpu.wait_indirect_dma semaphore(%arg12 : memref<!tpu.dma_semaphore, #tpu.memory_space<semaphore_mem>>) src(%dma_wait3A_57 : memref<10240x128xf32, #tpu.memory_space<hbm>>) dst(%arg5 : memref<128x128xf32, #tpu.memory_space<vmem>>)
    %dma_start3A_58 = arith.constant 1 : i32
    %dma_start3A_59 = arith.constant 0 : i32
    %dma_start3A_60 = tpu.memref_slice %arg7[%dma_start3A_58, %dma_start3A_59] : memref<2x128xi32, #tpu.memory_space<vmem>> -> memref<1x128xi32, #tpu.memory_space<vmem>>
    %dma_start3A_61 = tpu.memref_squeeze %dma_start3A_60 : memref<1x128xi32, #tpu.memory_space<vmem>> -> memref<128xi32, #tpu.memory_space<vmem>>
    %dma_start3A_62 = arith.constant 0 : i32
    %dma_start3A_63 = arith.constant 0 : i32
    %dma_start3A_64 = tpu.memref_slice %arg11[%dma_start3A_62, %dma_start3A_63] : memref<10240x128xf32, #tpu.memory_space<vmem_shared>> -> memref<10240x128xf32, #tpu.memory_space<vmem_shared>>
    tpu.enqueue_indirect_dma source(%arg5 : memref<128x128xf32, #tpu.memory_space<vmem>>) target(%dma_start3A_64 : memref<10240x128xf32, #tpu.memory_space<vmem_shared>>) offsets(%dma_start3A_61 : memref<128xi32, #tpu.memory_space<vmem>>) semaphore(%arg14 : memref<!tpu.dma_semaphore, #tpu.memory_space<semaphore_mem>>) {add = true}
    %dma_start3A_65 = arith.constant 3 : i32
    %dma_start3A_66 = arith.constant 0 : i32
    %dma_start3A_67 = arith.constant 0 : i32
    %dma_start3A_68 = tpu.memref_slice %arg3[%add3A, %dma_start3A_65, %dma_start3A_66, %dma_start3A_67] : memref<32x82x2x128xi32, #tpu.memory_space<hbm>> -> memref<1x1x2x128xi32, #tpu.memory_space<hbm>>
    %dma_start3A_69 = tpu.memref_squeeze %dma_start3A_68 : memref<1x1x2x128xi32, #tpu.memory_space<hbm>> -> memref<2x128xi32, #tpu.memory_space<hbm>>
    %dma_start3A_70 = arith.constant 0 : i32
    %dma_start3A_71 = arith.constant 0 : i32
    %dma_start3A_72 = tpu.memref_slice %arg3[%add3A, %dma_start3A_65, %dma_start3A_70, %dma_start3A_71] : memref<32x82x2x128xi32, #tpu.memory_space<hbm>> -> memref<1x1x2x128xi32, #tpu.memory_space<hbm>>
    %dma_start3A_73 = tpu.memref_squeeze %dma_start3A_72 : memref<1x1x2x128xi32, #tpu.memory_space<hbm>> -> memref<2x128xi32, #tpu.memory_space<hbm>>
    tpu.enqueue_dma source(%dma_start3A_73 : memref<2x128xi32, #tpu.memory_space<hbm>>) target(%arg10 : memref<2x128xi32, #tpu.memory_space<vmem>>) target_semaphore(%arg19 : memref<!tpu.dma_semaphore, #tpu.memory_space<semaphore_mem>>)
    %dma_wait3A_74 = arith.constant 0 : i32
    %dma_wait3A_75 = arith.constant 0 : i32
    %dma_wait3A_76 = arith.constant 0 : i32
    %dma_wait3A_77 = tpu.memref_slice %arg3[%add3A, %dma_wait3A_74, %dma_wait3A_75, %dma_wait3A_76] : memref<32x82x2x128xi32, #tpu.memory_space<hbm>> -> memref<1x1x2x128xi32, #tpu.memory_space<hbm>>
    %dma_wait3A_78 = tpu.memref_squeeze %dma_wait3A_77 : memref<1x1x2x128xi32, #tpu.memory_space<hbm>> -> memref<2x128xi32, #tpu.memory_space<hbm>>
    %dma_wait3A_79 = arith.constant 0 : i32
    %dma_wait3A_80 = arith.constant 0 : i32
    %dma_wait3A_81 = tpu.memref_slice %arg3[%add3A, %dma_wait3A_74, %dma_wait3A_79, %dma_wait3A_80] : memref<32x82x2x128xi32, #tpu.memory_space<hbm>> -> memref<1x1x2x128xi32, #tpu.memory_space<hbm>>
    %dma_wait3A_82 = tpu.memref_squeeze %dma_wait3A_81 : memref<1x1x2x128xi32, #tpu.memory_space<hbm>> -> memref<2x128xi32, #tpu.memory_space<hbm>>
    tpu.wait_dma2 semaphore(%arg17 : memref<!tpu.dma_semaphore, #tpu.memory_space<semaphore_mem>>) src(%dma_wait3A_82 : memref<2x128xi32, #tpu.memory_space<hbm>>) dst(%arg8 : memref<2x128xi32, #tpu.memory_space<vmem>>)
    %dma_start3A_83 = arith.constant 0 : i32
    %dma_start3A_84 = arith.constant 0 : i32
    %dma_start3A_85 = tpu.memref_slice %arg8[%dma_start3A_83, %dma_start3A_84] : memref<2x128xi32, #tpu.memory_space<vmem>> -> memref<1x128xi32, #tpu.memory_space<vmem>>
    %dma_start3A_86 = tpu.memref_squeeze %dma_start3A_85 : memref<1x128xi32, #tpu.memory_space<vmem>> -> memref<128xi32, #tpu.memory_space<vmem>>
    %dma_start3A_87 = arith.constant 0 : i32
    %dma_start3A_88 = arith.constant 0 : i32
    %dma_start3A_89 = tpu.memref_slice %arg2[%dma_start3A_87, %dma_start3A_88] : memref<10240x128xf32, #tpu.memory_space<hbm>> -> memref<10240x128xf32, #tpu.memory_space<hbm>>
    tpu.enqueue_indirect_dma source(%dma_start3A_89 : memref<10240x128xf32, #tpu.memory_space<hbm>>) target(%arg6 : memref<128x128xf32, #tpu.memory_space<vmem>>) offsets(%dma_start3A_86 : memref<128xi32, #tpu.memory_space<vmem>>) semaphore(%arg13 : memref<!tpu.dma_semaphore, #tpu.memory_space<semaphore_mem>>)
    %dma_wait3A_90 = arith.constant 0 : i32
    %dma_wait3A_91 = arith.constant 0 : i32
    %dma_wait3A_92 = tpu.memref_slice %arg8[%dma_wait3A_90, %dma_wait3A_91] : memref<2x128xi32, #tpu.memory_space<vmem>> -> memref<1x128xi32, #tpu.memory_space<vmem>>
    %dma_wait3A_93 = tpu.memref_squeeze %dma_wait3A_92 : memref<1x128xi32, #tpu.memory_space<vmem>> -> memref<128xi32, #tpu.memory_space<vmem>>
    %dma_wait3A_94 = arith.constant 0 : i32
    %dma_wait3A_95 = arith.constant 0 : i32
    %dma_wait3A_96 = tpu.memref_slice %arg2[%dma_wait3A_94, %dma_wait3A_95] : memref<10240x128xf32, #tpu.memory_space<hbm>> -> memref<10240x128xf32, #tpu.memory_space<hbm>>
    tpu.wait_indirect_dma semaphore(%arg13 : memref<!tpu.dma_semaphore, #tpu.memory_space<semaphore_mem>>) src(%dma_wait3A_96 : memref<10240x128xf32, #tpu.memory_space<hbm>>) dst(%arg6 : memref<128x128xf32, #tpu.memory_space<vmem>>)
    %dma_start3A_97 = arith.constant 1 : i32
    %dma_start3A_98 = arith.constant 0 : i32
    %dma_start3A_99 = tpu.memref_slice %arg8[%dma_start3A_97, %dma_start3A_98] : memref<2x128xi32, #tpu.memory_space<vmem>> -> memref<1x128xi32, #tpu.memory_space<vmem>>
    %dma_start3A_100 = tpu.memref_squeeze %dma_start3A_99 : memref<1x128xi32, #tpu.memory_space<vmem>> -> memref<128xi32, #tpu.memory_space<vmem>>
    %dma_start3A_101 = arith.constant 0 : i32
    %dma_start3A_102 = arith.constant 0 : i32
    %dma_start3A_103 = tpu.memref_slice %arg11[%dma_start3A_101, %dma_start3A_102] : memref<10240x128xf32, #tpu.memory_space<vmem_shared>> -> memref<10240x128xf32, #tpu.memory_space<vmem_shared>>
    tpu.enqueue_indirect_dma source(%arg6 : memref<128x128xf32, #tpu.memory_space<vmem>>) target(%dma_start3A_103 : memref<10240x128xf32, #tpu.memory_space<vmem_shared>>) offsets(%dma_start3A_100 : memref<128xi32, #tpu.memory_space<vmem>>) semaphore(%arg15 : memref<!tpu.dma_semaphore, #tpu.memory_space<semaphore_mem>>) {add = true}
    %dma_wait3A_104 = arith.constant 1 : i32
    %dma_wait3A_105 = arith.constant 0 : i32
    %dma_wait3A_106 = tpu.memref_slice %arg9[%dma_wait3A_104, %dma_wait3A_105] : memref<2x128xi32, #tpu.memory_space<vmem>> -> memref<1x128xi32, #tpu.memory_space<vmem>>
    %dma_wait3A_107 = tpu.memref_squeeze %dma_wait3A_106 : memref<1x128xi32, #tpu.memory_space<vmem>> -> memref<128xi32, #tpu.memory_space<vmem>>
    %dma_wait3A_108 = arith.constant 0 : i32
    %dma_wait3A_109 = arith.constant 0 : i32
    %dma_wait3A_110 = tpu.memref_slice %arg11[%dma_wait3A_108, %dma_wait3A_109] : memref<10240x128xf32, #tpu.memory_space<vmem_shared>> -> memref<10240x128xf32, #tpu.memory_space<vmem_shared>>
    tpu.wait_indirect_dma semaphore(%arg14 : memref<!tpu.dma_semaphore, #tpu.memory_space<semaphore_mem>>) src(%arg5 : memref<128x128xf32, #tpu.memory_space<vmem>>) dst(%dma_wait3A_110 : memref<10240x128xf32, #tpu.memory_space<vmem_shared>>)
    %dma_start3A_111 = arith.constant 4 : i32
    %dma_start3A_112 = arith.constant 0 : i32
    %dma_start3A_113 = arith.constant 0 : i32
    %dma_start3A_114 = tpu.memref_slice %arg3[%add3A, %dma_start3A_111, %dma_start3A_112, %dma_start3A_113] : memref<32x82x2x128xi32, #tpu.memory_space<hbm>> -> memref<1x1x2x128xi32, #tpu.memory_space<hbm>>
    %dma_start3A_115 = tpu.memref_squeeze %dma_start3A_114 : memref<1x1x2x128xi32, #tpu.memory_space<hbm>> -> memref<2x128xi32, #tpu.memory_space<hbm>>
    %dma_start3A_116 = arith.constant 0 : i32
    %dma_start3A_117 = arith.constant 0 : i32
    %dma_start3A_118 = tpu.memref_slice %arg3[%add3A, %dma_start3A_111, %dma_start3A_116, %dma_start3A_117] : memref<32x82x2x128xi32, #tpu.memory_space<hbm>> -> memref<1x1x2x128xi32, #tpu.memory_space<hbm>>
    %dma_start3A_119 = tpu.memref_squeeze %dma_start3A_118 : memref<1x1x2x128xi32, #tpu.memory_space<hbm>> -> memref<2x128xi32, #tpu.memory_space<hbm>>
    tpu.enqueue_dma source(%dma_start3A_119 : memref<2x128xi32, #tpu.memory_space<hbm>>) target(%arg7 : memref<2x128xi32, #tpu.memory_space<vmem>>) target_semaphore(%arg16 : memref<!tpu.dma_semaphore, #tpu.memory_space<semaphore_mem>>)
    %dma_wait3A_120 = arith.constant 0 : i32
    %dma_wait3A_121 = arith.constant 0 : i32
    %dma_wait3A_122 = arith.constant 0 : i32
    %dma_wait3A_123 = tpu.memref_slice %arg3[%add3A, %dma_wait3A_120, %dma_wait3A_121, %dma_wait3A_122] : memref<32x82x2x128xi32, #tpu.memory_space<hbm>> -> memref<1x1x2x128xi32, #tpu.memory_space<hbm>>
    %dma_wait3A_124 = tpu.memref_squeeze %dma_wait3A_123 : memref<1x1x2x128xi32, #tpu.memory_space<hbm>> -> memref<2x128xi32, #tpu.memory_space<hbm>>
    %dma_wait3A_125 = arith.constant 0 : i32
    %dma_wait3A_126 = arith.constant 0 : i32
    %dma_wait3A_127 = tpu.memref_slice %arg3[%add3A, %dma_wait3A_120, %dma_wait3A_125, %dma_wait3A_126] : memref<32x82x2x128xi32, #tpu.memory_space<hbm>> -> memref<1x1x2x128xi32, #tpu.memory_space<hbm>>
    %dma_wait3A_128 = tpu.memref_squeeze %dma_wait3A_127 : memref<1x1x2x128xi32, #tpu.memory_space<hbm>> -> memref<2x128xi32, #tpu.memory_space<hbm>>
    tpu.wait_dma2 semaphore(%arg18 : memref<!tpu.dma_semaphore, #tpu.memory_space<semaphore_mem>>) src(%dma_wait3A_128 : memref<2x128xi32, #tpu.memory_space<hbm>>) dst(%arg9 : memref<2x128xi32, #tpu.memory_space<vmem>>)
    %dma_start3A_129 = arith.constant 0 : i32
    %dma_start3A_130 = arith.constant 0 : i32
    %dma_start3A_131 = tpu.memref_slice %arg9[%dma_start3A_129, %dma_start3A_130] : memref<2x128xi32, #tpu.memory_space<vmem>> -> memref<1x128xi32, #tpu.memory_space<vmem>>
    %dma_start3A_132 = tpu.memref_squeeze %dma_start3A_131 : memref<1x128xi32, #tpu.memory_space<vmem>> -> memref<128xi32, #tpu.memory_space<vmem>>
    %dma_start3A_133 = arith.constant 0 : i32
    %dma_start3A_134 = arith.constant 0 : i32
    %dma_start3A_135 = tpu.memref_slice %arg2[%dma_start3A_133, %dma_start3A_134] : memref<10240x128xf32, #tpu.memory_space<hbm>> -> memref<10240x128xf32, #tpu.memory_space<hbm>>
    tpu.enqueue_indirect_dma source(%dma_start3A_135 : memref<10240x128xf32, #tpu.memory_space<hbm>>) target(%arg5 : memref<128x128xf32, #tpu.memory_space<vmem>>) offsets(%dma_start3A_132 : memref<128xi32, #tpu.memory_space<vmem>>) semaphore(%arg12 : memref<!tpu.dma_semaphore, #tpu.memory_space<semaphore_mem>>)
    %dma_wait3A_136 = arith.constant 0 : i32
    %dma_wait3A_137 = arith.constant 0 : i32
    %dma_wait3A_138 = tpu.memref_slice %arg9[%dma_wait3A_136, %dma_wait3A_137] : memref<2x128xi32, #tpu.memory_space<vmem>> -> memref<1x128xi32, #tpu.memory_space<vmem>>
    %dma_wait3A_139 = tpu.memref_squeeze %dma_wait3A_138 : memref<1x128xi32, #tpu.memory_space<vmem>> -> memref<128xi32, #tpu.memory_space<vmem>>
    %dma_wait3A_140 = arith.constant 0 : i32
    %dma_wait3A_141 = arith.constant 0 : i32
    %dma_wait3A_142 = tpu.memref_slice %arg2[%dma_wait3A_140, %dma_wait3A_141] : memref<10240x128xf32, #tpu.memory_space<hbm>> -> memref<10240x128xf32, #tpu.memory_space<hbm>>
    tpu.wait_indirect_dma semaphore(%arg12 : memref<!tpu.dma_semaphore, #tpu.memory_space<semaphore_mem>>) src(%dma_wait3A_142 : memref<10240x128xf32, #tpu.memory_space<hbm>>) dst(%arg5 : memref<128x128xf32, #tpu.memory_space<vmem>>)
    %dma_start3A_143 = arith.constant 1 : i32
    %dma_start3A_144 = arith.constant 0 : i32
    %dma_start3A_145 = tpu.memref_slice %arg9[%dma_start3A_143, %dma_start3A_144] : memref<2x128xi32, #tpu.memory_space<vmem>> -> memref<1x128xi32, #tpu.memory_space<vmem>>
    %dma_start3A_146 = tpu.memref_squeeze %dma_start3A_145 : memref<1x128xi32, #tpu.memory_space<vmem>> -> memref<128xi32, #tpu.memory_space<vmem>>
    %dma_start3A_147 = arith.constant 0 : i32
    %dma_start3A_148 = arith.constant 0 : i32
    %dma_start3A_149 = tpu.memref_slice %arg11[%dma_start3A_147, %dma_start3A_148] : memref<10240x128xf32, #tpu.memory_space<vmem_shared>> -> memref<10240x128xf32, #tpu.memory_space<vmem_shared>>
    tpu.enqueue_indirect_dma source(%arg5 : memref<128x128xf32, #tpu.memory_space<vmem>>) target(%dma_start3A_149 : memref<10240x128xf32, #tpu.memory_space<vmem_shared>>) offsets(%dma_start3A_146 : memref<128xi32, #tpu.memory_space<vmem>>) semaphore(%arg14 : memref<!tpu.dma_semaphore, #tpu.memory_space<semaphore_mem>>) {add = true}
    %dma_wait3A_150 = arith.constant 1 : i32
    %dma_wait3A_151 = arith.constant 0 : i32
    %dma_wait3A_152 = tpu.memref_slice %arg10[%dma_wait3A_150, %dma_wait3A_151] : memref<2x128xi32, #tpu.memory_space<vmem>> -> memref<1x128xi32, #tpu.memory_space<vmem>>
    %dma_wait3A_153 = tpu.memref_squeeze %dma_wait3A_152 : memref<1x128xi32, #tpu.memory_space<vmem>> -> memref<128xi32, #tpu.memory_space<vmem>>
    %dma_wait3A_154 = arith.constant 0 : i32
    %dma_wait3A_155 = arith.constant 0 : i32
    %dma_wait3A_156 = tpu.memref_slice %arg11[%dma_wait3A_154, %dma_wait3A_155] : memref<10240x128xf32, #tpu.memory_space<vmem_shared>> -> memref<10240x128xf32, #tpu.memory_space<vmem_shared>>
    tpu.wait_indirect_dma semaphore(%arg15 : memref<!tpu.dma_semaphore, #tpu.memory_space<semaphore_mem>>) src(%arg6 : memref<128x128xf32, #tpu.memory_space<vmem>>) dst(%dma_wait3A_156 : memref<10240x128xf32, #tpu.memory_space<vmem_shared>>)
    %dma_start3A_157 = arith.constant 5 : i32
    %dma_start3A_158 = arith.constant 0 : i32
    %dma_start3A_159 = arith.constant 0 : i32
    %dma_start3A_160 = tpu.memref_slice %arg3[%add3A, %dma_start3A_157, %dma_start3A_158, %dma_start3A_159] : memref<32x82x2x128xi32, #tpu.memory_space<hbm>> -> memref<1x1x2x128xi32, #tpu.memory_space<hbm>>
    %dma_start3A_161 = tpu.memref_squeeze %dma_start3A_160 : memref<1x1x2x128xi32, #tpu.memory_space<hbm>> -> memref<2x128xi32, #tpu.memory_space<hbm>>
    %dma_start3A_162 = arith.constant 0 : i32
    %dma_start3A_163 = arith.constant 0 : i32
    %dma_start3A_164 = tpu.memref_slice %arg3[%add3A, %dma_start3A_157, %dma_start3A_162, %dma_start3A_163] : memref<32x82x2x128xi32, #tpu.memory_space<hbm>> -> memref<1x1x2x128xi32, #tpu.memory_space<hbm>>
    %dma_start3A_165 = tpu.memref_squeeze %dma_start3A_164 : memref<1x1x2x128xi32, #tpu.memory_space<hbm>> -> memref<2x128xi32, #tpu.memory_space<hbm>>
    tpu.enqueue_dma source(%dma_start3A_165 : memref<2x128xi32, #tpu.memory_space<hbm>>) target(%arg8 : memref<2x128xi32, #tpu.memory_space<vmem>>) target_semaphore(%arg17 : memref<!tpu.dma_semaphore, #tpu.memory_space<semaphore_mem>>)
    %dma_wait3A_166 = arith.constant 0 : i32
    %dma_wait3A_167 = arith.constant 0 : i32
    %dma_wait3A_168 = arith.constant 0 : i32
    %dma_wait3A_169 = tpu.memref_slice %arg3[%add3A, %dma_wait3A_166, %dma_wait3A_167, %dma_wait3A_168] : memref<32x82x2x128xi32, #tpu.memory_space<hbm>> -> memref<1x1x2x128xi32, #tpu.memory_space<hbm>>
    %dma_wait3A_170 = tpu.memref_squeeze %dma_wait3A_169 : memref<1x1x2x128xi32, #tpu.memory_space<hbm>> -> memref<2x128xi32, #tpu.memory_space<hbm>>
    %dma_wait3A_171 = arith.constant 0 : i32
    %dma_wait3A_172 = arith.constant 0 : i32
    %dma_wait3A_173 = tpu.memref_slice %arg3[%add3A, %dma_wait3A_166, %dma_wait3A_171, %dma_wait3A_172] : memref<32x82x2x128xi32, #tpu.memory_space<hbm>> -> memref<1x1x2x128xi32, #tpu.memory_space<hbm>>
    %dma_wait3A_174 = tpu.memref_squeeze %dma_wait3A_173 : memref<1x1x2x128xi32, #tpu.memory_space<hbm>> -> memref<2x128xi32, #tpu.memory_space<hbm>>
    tpu.wait_dma2 semaphore(%arg19 : memref<!tpu.dma_semaphore, #tpu.memory_space<semaphore_mem>>) src(%dma_wait3A_174 : memref<2x128xi32, #tpu.memory_space<hbm>>) dst(%arg10 : memref<2x128xi32, #tpu.memory_space<vmem>>)
    %dma_start3A_175 = arith.constant 0 : i32
    %dma_start3A_176 = arith.constant 0 : i32
    %dma_start3A_177 = tpu.memref_slice %arg10[%dma_start3A_175, %dma_start3A_176] : memref<2x128xi32, #tpu.memory_space<vmem>> -> memref<1x128xi32, #tpu.memory_space<vmem>>
    %dma_start3A_178 = tpu.memref_squeeze %dma_start3A_177 : memref<1x128xi32, #tpu.memory_space<vmem>> -> memref<128xi32, #tpu.memory_space<vmem>>
    %dma_start3A_179 = arith.constant 0 : i32
    %dma_start3A_180 = arith.constant 0 : i32
    %dma_start3A_181 = tpu.memref_slice %arg2[%dma_start3A_179, %dma_start3A_180] : memref<10240x128xf32, #tpu.memory_space<hbm>> -> memref<10240x128xf32, #tpu.memory_space<hbm>>
    tpu.enqueue_indirect_dma source(%dma_start3A_181 : memref<10240x128xf32, #tpu.memory_space<hbm>>) target(%arg6 : memref<128x128xf32, #tpu.memory_space<vmem>>) offsets(%dma_start3A_178 : memref<128xi32, #tpu.memory_space<vmem>>) semaphore(%arg13 : memref<!tpu.dma_semaphore, #tpu.memory_space<semaphore_mem>>)
    %dma_wait3A_182 = arith.constant 0 : i32
    %dma_wait3A_183 = arith.constant 0 : i32
    %dma_wait3A_184 = tpu.memref_slice %arg10[%dma_wait3A_182, %dma_wait3A_183] : memref<2x128xi32, #tpu.memory_space<vmem>> -> memref<1x128xi32, #tpu.memory_space<vmem>>
    %dma_wait3A_185 = tpu.memref_squeeze %dma_wait3A_184 : memref<1x128xi32, #tpu.memory_space<vmem>> -> memref<128xi32, #tpu.memory_space<vmem>>
    %dma_wait3A_186 = arith.constant 0 : i32
    %dma_wait3A_187 = arith.constant 0 : i32
    %dma_wait3A_188 = tpu.memref_slice %arg2[%dma_wait3A_186, %dma_wait3A_187] : memref<10240x128xf32, #tpu.memory_space<hbm>> -> memref<10240x128xf32, #tpu.memory_space<hbm>>
    tpu.wait_indirect_dma semaphore(%arg13 : memref<!tpu.dma_semaphore, #tpu.memory_space<semaphore_mem>>) src(%dma_wait3A_188 : memref<10240x128xf32, #tpu.memory_space<hbm>>) dst(%arg6 : memref<128x128xf32, #tpu.memory_space<vmem>>)
    %dma_start3A_189 = arith.constant 1 : i32
    %dma_start3A_190 = arith.constant 0 : i32
    %dma_start3A_191 = tpu.memref_slice %arg10[%dma_start3A_189, %dma_start3A_190] : memref<2x128xi32, #tpu.memory_space<vmem>> -> memref<1x128xi32, #tpu.memory_space<vmem>>
    %dma_start3A_192 = tpu.memref_squeeze %dma_start3A_191 : memref<1x128xi32, #tpu.memory_space<vmem>> -> memref<128xi32, #tpu.memory_space<vmem>>
    %dma_start3A_193 = arith.constant 0 : i32
    %dma_start3A_194 = arith.constant 0 : i32
    %dma_start3A_195 = tpu.memref_slice %arg11[%dma_start3A_193, %dma_start3A_194] : memref<10240x128xf32, #tpu.memory_space<vmem_shared>> -> memref<10240x128xf32, #tpu.memory_space<vmem_shared>>
    tpu.enqueue_indirect_dma source(%arg6 : memref<128x128xf32, #tpu.memory_space<vmem>>) target(%dma_start3A_195 : memref<10240x128xf32, #tpu.memory_space<vmem_shared>>) offsets(%dma_start3A_192 : memref<128xi32, #tpu.memory_space<vmem>>) semaphore(%arg15 : memref<!tpu.dma_semaphore, #tpu.memory_space<semaphore_mem>>) {add = true}
    %scan3A = arith.constant 0 : i32
    %scan3A_196 = arith.constant 19 : i32
    %scan3A_197 = arith.addi %scan3A, %scan3A_196 : i32
    %scan3A_198 = arith.constant 1 : i32
    scf.for %scan3A_237 = %scan3A to %scan3A_197 step %scan3A_198  : i32 {
      %mul3A_238 = arith.constant 4 : i32
      %mul3A_239 = arith.muli %scan3A_237, %mul3A_238 : i32
      %add3A_240 = arith.constant 4 : i32
      %add3A_241 = arith.addi %add3A_240, %mul3A_239 : i32
      %dma_wait3A_242 = arith.constant 1 : i32
      %dma_wait3A_243 = arith.constant 0 : i32
      %dma_wait3A_244 = tpu.memref_slice %arg7[%dma_wait3A_242, %dma_wait3A_243] : memref<2x128xi32, #tpu.memory_space<vmem>> -> memref<1x128xi32, #tpu.memory_space<vmem>>
      %dma_wait3A_245 = tpu.memref_squeeze %dma_wait3A_244 : memref<1x128xi32, #tpu.memory_space<vmem>> -> memref<128xi32, #tpu.memory_space<vmem>>
      %dma_wait3A_246 = arith.constant 0 : i32
      %dma_wait3A_247 = arith.constant 0 : i32
      %dma_wait3A_248 = tpu.memref_slice %arg11[%dma_wait3A_246, %dma_wait3A_247] : memref<10240x128xf32, #tpu.memory_space<vmem_shared>> -> memref<10240x128xf32, #tpu.memory_space<vmem_shared>>
      tpu.wait_indirect_dma semaphore(%arg14 : memref<!tpu.dma_semaphore, #tpu.memory_space<semaphore_mem>>) src(%arg5 : memref<128x128xf32, #tpu.memory_space<vmem>>) dst(%dma_wait3A_248 : memref<10240x128xf32, #tpu.memory_space<vmem_shared>>)
      %add3A_249 = arith.constant 2 : i32
      %add3A_250 = arith.addi %add3A_241, %add3A_249 : i32
      %dma_start3A_251 = arith.constant 0 : i32
      %dma_start3A_252 = arith.constant 0 : i32
      %dma_start3A_253 = tpu.memref_slice %arg3[%add3A, %add3A_250, %dma_start3A_251, %dma_start3A_252] : memref<32x82x2x128xi32, #tpu.memory_space<hbm>> -> memref<1x1x2x128xi32, #tpu.memory_space<hbm>>
      %dma_start3A_254 = tpu.memref_squeeze %dma_start3A_253 : memref<1x1x2x128xi32, #tpu.memory_space<hbm>> -> memref<2x128xi32, #tpu.memory_space<hbm>>
      %dma_start3A_255 = arith.constant 0 : i32
      %dma_start3A_256 = arith.constant 0 : i32
      %dma_start3A_257 = tpu.memref_slice %arg3[%add3A, %add3A_250, %dma_start3A_255, %dma_start3A_256] : memref<32x82x2x128xi32, #tpu.memory_space<hbm>> -> memref<1x1x2x128xi32, #tpu.memory_space<hbm>>
      %dma_start3A_258 = tpu.memref_squeeze %dma_start3A_257 : memref<1x1x2x128xi32, #tpu.memory_space<hbm>> -> memref<2x128xi32, #tpu.memory_space<hbm>>
      tpu.enqueue_dma source(%dma_start3A_258 : memref<2x128xi32, #tpu.memory_space<hbm>>) target(%arg9 : memref<2x128xi32, #tpu.memory_space<vmem>>) target_semaphore(%arg18 : memref<!tpu.dma_semaphore, #tpu.memory_space<semaphore_mem>>)
      %dma_wait3A_259 = arith.constant 0 : i32
      %dma_wait3A_260 = arith.constant 0 : i32
      %dma_wait3A_261 = arith.constant 0 : i32
      %dma_wait3A_262 = tpu.memref_slice %arg3[%add3A, %dma_wait3A_259, %dma_wait3A_260, %dma_wait3A_261] : memref<32x82x2x128xi32, #tpu.memory_space<hbm>> -> memref<1x1x2x128xi32, #tpu.memory_space<hbm>>
      %dma_wait3A_263 = tpu.memref_squeeze %dma_wait3A_262 : memref<1x1x2x128xi32, #tpu.memory_space<hbm>> -> memref<2x128xi32, #tpu.memory_space<hbm>>
      %dma_wait3A_264 = arith.constant 0 : i32
      %dma_wait3A_265 = arith.constant 0 : i32
      %dma_wait3A_266 = tpu.memref_slice %arg3[%add3A, %dma_wait3A_259, %dma_wait3A_264, %dma_wait3A_265] : memref<32x82x2x128xi32, #tpu.memory_space<hbm>> -> memref<1x1x2x128xi32, #tpu.memory_space<hbm>>
      %dma_wait3A_267 = tpu.memref_squeeze %dma_wait3A_266 : memref<1x1x2x128xi32, #tpu.memory_space<hbm>> -> memref<2x128xi32, #tpu.memory_space<hbm>>
      tpu.wait_dma2 semaphore(%arg16 : memref<!tpu.dma_semaphore, #tpu.memory_space<semaphore_mem>>) src(%dma_wait3A_267 : memref<2x128xi32, #tpu.memory_space<hbm>>) dst(%arg7 : memref<2x128xi32, #tpu.memory_space<vmem>>)
      %dma_start3A_268 = arith.constant 0 : i32
      %dma_start3A_269 = arith.constant 0 : i32
      %dma_start3A_270 = tpu.memref_slice %arg7[%dma_start3A_268, %dma_start3A_269] : memref<2x128xi32, #tpu.memory_space<vmem>> -> memref<1x128xi32, #tpu.memory_space<vmem>>
      %dma_start3A_271 = tpu.memref_squeeze %dma_start3A_270 : memref<1x128xi32, #tpu.memory_space<vmem>> -> memref<128xi32, #tpu.memory_space<vmem>>
      %dma_start3A_272 = arith.constant 0 : i32
      %dma_start3A_273 = arith.constant 0 : i32
      %dma_start3A_274 = tpu.memref_slice %arg2[%dma_start3A_272, %dma_start3A_273] : memref<10240x128xf32, #tpu.memory_space<hbm>> -> memref<10240x128xf32, #tpu.memory_space<hbm>>
      tpu.enqueue_indirect_dma source(%dma_start3A_274 : memref<10240x128xf32, #tpu.memory_space<hbm>>) target(%arg5 : memref<128x128xf32, #tpu.memory_space<vmem>>) offsets(%dma_start3A_271 : memref<128xi32, #tpu.memory_space<vmem>>) semaphore(%arg12 : memref<!tpu.dma_semaphore, #tpu.memory_space<semaphore_mem>>)
      %dma_wait3A_275 = arith.constant 0 : i32
      %dma_wait3A_276 = arith.constant 0 : i32
      %dma_wait3A_277 = tpu.memref_slice %arg7[%dma_wait3A_275, %dma_wait3A_276] : memref<2x128xi32, #tpu.memory_space<vmem>> -> memref<1x128xi32, #tpu.memory_space<vmem>>
      %dma_wait3A_278 = tpu.memref_squeeze %dma_wait3A_277 : memref<1x128xi32, #tpu.memory_space<vmem>> -> memref<128xi32, #tpu.memory_space<vmem>>
      %dma_wait3A_279 = arith.constant 0 : i32
      %dma_wait3A_280 = arith.constant 0 : i32
      %dma_wait3A_281 = tpu.memref_slice %arg2[%dma_wait3A_279, %dma_wait3A_280] : memref<10240x128xf32, #tpu.memory_space<hbm>> -> memref<10240x128xf32, #tpu.memory_space<hbm>>
      tpu.wait_indirect_dma semaphore(%arg12 : memref<!tpu.dma_semaphore, #tpu.memory_space<semaphore_mem>>) src(%dma_wait3A_281 : memref<10240x128xf32, #tpu.memory_space<hbm>>) dst(%arg5 : memref<128x128xf32, #tpu.memory_space<vmem>>)
      %dma_start3A_282 = arith.constant 1 : i32
      %dma_start3A_283 = arith.constant 0 : i32
      %dma_start3A_284 = tpu.memref_slice %arg7[%dma_start3A_282, %dma_start3A_283] : memref<2x128xi32, #tpu.memory_space<vmem>> -> memref<1x128xi32, #tpu.memory_space<vmem>>
      %dma_start3A_285 = tpu.memref_squeeze %dma_start3A_284 : memref<1x128xi32, #tpu.memory_space<vmem>> -> memref<128xi32, #tpu.memory_space<vmem>>
      %dma_start3A_286 = arith.constant 0 : i32
      %dma_start3A_287 = arith.constant 0 : i32
      %dma_start3A_288 = tpu.memref_slice %arg11[%dma_start3A_286, %dma_start3A_287] : memref<10240x128xf32, #tpu.memory_space<vmem_shared>> -> memref<10240x128xf32, #tpu.memory_space<vmem_shared>>
      tpu.enqueue_indirect_dma source(%arg5 : memref<128x128xf32, #tpu.memory_space<vmem>>) target(%dma_start3A_288 : memref<10240x128xf32, #tpu.memory_space<vmem_shared>>) offsets(%dma_start3A_285 : memref<128xi32, #tpu.memory_space<vmem>>) semaphore(%arg14 : memref<!tpu.dma_semaphore, #tpu.memory_space<semaphore_mem>>) {add = true}
      %add3A_289 = arith.constant 1 : i32
      %add3A_290 = arith.addi %add3A_241, %add3A_289 : i32
      %dma_wait3A_291 = arith.constant 1 : i32
      %dma_wait3A_292 = arith.constant 0 : i32
      %dma_wait3A_293 = tpu.memref_slice %arg8[%dma_wait3A_291, %dma_wait3A_292] : memref<2x128xi32, #tpu.memory_space<vmem>> -> memref<1x128xi32, #tpu.memory_space<vmem>>
      %dma_wait3A_294 = tpu.memref_squeeze %dma_wait3A_293 : memref<1x128xi32, #tpu.memory_space<vmem>> -> memref<128xi32, #tpu.memory_space<vmem>>
      %dma_wait3A_295 = arith.constant 0 : i32
      %dma_wait3A_296 = arith.constant 0 : i32
      %dma_wait3A_297 = tpu.memref_slice %arg11[%dma_wait3A_295, %dma_wait3A_296] : memref<10240x128xf32, #tpu.memory_space<vmem_shared>> -> memref<10240x128xf32, #tpu.memory_space<vmem_shared>>
      tpu.wait_indirect_dma semaphore(%arg15 : memref<!tpu.dma_semaphore, #tpu.memory_space<semaphore_mem>>) src(%arg6 : memref<128x128xf32, #tpu.memory_space<vmem>>) dst(%dma_wait3A_297 : memref<10240x128xf32, #tpu.memory_space<vmem_shared>>)
      %add3A_298 = arith.constant 2 : i32
      %add3A_299 = arith.addi %add3A_290, %add3A_298 : i32
      %dma_start3A_300 = arith.constant 0 : i32
      %dma_start3A_301 = arith.constant 0 : i32
      %dma_start3A_302 = tpu.memref_slice %arg3[%add3A, %add3A_299, %dma_start3A_300, %dma_start3A_301] : memref<32x82x2x128xi32, #tpu.memory_space<hbm>> -> memref<1x1x2x128xi32, #tpu.memory_space<hbm>>
      %dma_start3A_303 = tpu.memref_squeeze %dma_start3A_302 : memref<1x1x2x128xi32, #tpu.memory_space<hbm>> -> memref<2x128xi32, #tpu.memory_space<hbm>>
      %dma_start3A_304 = arith.constant 0 : i32
      %dma_start3A_305 = arith.constant 0 : i32
      %dma_start3A_306 = tpu.memref_slice %arg3[%add3A, %add3A_299, %dma_start3A_304, %dma_start3A_305] : memref<32x82x2x128xi32, #tpu.memory_space<hbm>> -> memref<1x1x2x128xi32, #tpu.memory_space<hbm>>
      %dma_start3A_307 = tpu.memref_squeeze %dma_start3A_306 : memref<1x1x2x128xi32, #tpu.memory_space<hbm>> -> memref<2x128xi32, #tpu.memory_space<hbm>>
      tpu.enqueue_dma source(%dma_start3A_307 : memref<2x128xi32, #tpu.memory_space<hbm>>) target(%arg10 : memref<2x128xi32, #tpu.memory_space<vmem>>) target_semaphore(%arg19 : memref<!tpu.dma_semaphore, #tpu.memory_space<semaphore_mem>>)
      %dma_wait3A_308 = arith.constant 0 : i32
      %dma_wait3A_309 = arith.constant 0 : i32
      %dma_wait3A_310 = arith.constant 0 : i32
      %dma_wait3A_311 = tpu.memref_slice %arg3[%add3A, %dma_wait3A_308, %dma_wait3A_309, %dma_wait3A_310] : memref<32x82x2x128xi32, #tpu.memory_space<hbm>> -> memref<1x1x2x128xi32, #tpu.memory_space<hbm>>
      %dma_wait3A_312 = tpu.memref_squeeze %dma_wait3A_311 : memref<1x1x2x128xi32, #tpu.memory_space<hbm>> -> memref<2x128xi32, #tpu.memory_space<hbm>>
      %dma_wait3A_313 = arith.constant 0 : i32
      %dma_wait3A_314 = arith.constant 0 : i32
      %dma_wait3A_315 = tpu.memref_slice %arg3[%add3A, %dma_wait3A_308, %dma_wait3A_313, %dma_wait3A_314] : memref<32x82x2x128xi32, #tpu.memory_space<hbm>> -> memref<1x1x2x128xi32, #tpu.memory_space<hbm>>
      %dma_wait3A_316 = tpu.memref_squeeze %dma_wait3A_315 : memref<1x1x2x128xi32, #tpu.memory_space<hbm>> -> memref<2x128xi32, #tpu.memory_space<hbm>>
      tpu.wait_dma2 semaphore(%arg17 : memref<!tpu.dma_semaphore, #tpu.memory_space<semaphore_mem>>) src(%dma_wait3A_316 : memref<2x128xi32, #tpu.memory_space<hbm>>) dst(%arg8 : memref<2x128xi32, #tpu.memory_space<vmem>>)
      %dma_start3A_317 = arith.constant 0 : i32
      %dma_start3A_318 = arith.constant 0 : i32
      %dma_start3A_319 = tpu.memref_slice %arg8[%dma_start3A_317, %dma_start3A_318] : memref<2x128xi32, #tpu.memory_space<vmem>> -> memref<1x128xi32, #tpu.memory_space<vmem>>
      %dma_start3A_320 = tpu.memref_squeeze %dma_start3A_319 : memref<1x128xi32, #tpu.memory_space<vmem>> -> memref<128xi32, #tpu.memory_space<vmem>>
      %dma_start3A_321 = arith.constant 0 : i32
      %dma_start3A_322 = arith.constant 0 : i32
      %dma_start3A_323 = tpu.memref_slice %arg2[%dma_start3A_321, %dma_start3A_322] : memref<10240x128xf32, #tpu.memory_space<hbm>> -> memref<10240x128xf32, #tpu.memory_space<hbm>>
      tpu.enqueue_indirect_dma source(%dma_start3A_323 : memref<10240x128xf32, #tpu.memory_space<hbm>>) target(%arg6 : memref<128x128xf32, #tpu.memory_space<vmem>>) offsets(%dma_start3A_320 : memref<128xi32, #tpu.memory_space<vmem>>) semaphore(%arg13 : memref<!tpu.dma_semaphore, #tpu.memory_space<semaphore_mem>>)
      %dma_wait3A_324 = arith.constant 0 : i32
      %dma_wait3A_325 = arith.constant 0 : i32
      %dma_wait3A_326 = tpu.memref_slice %arg8[%dma_wait3A_324, %dma_wait3A_325] : memref<2x128xi32, #tpu.memory_space<vmem>> -> memref<1x128xi32, #tpu.memory_space<vmem>>
      %dma_wait3A_327 = tpu.memref_squeeze %dma_wait3A_326 : memref<1x128xi32, #tpu.memory_space<vmem>> -> memref<128xi32, #tpu.memory_space<vmem>>
      %dma_wait3A_328 = arith.constant 0 : i32
      %dma_wait3A_329 = arith.constant 0 : i32
      %dma_wait3A_330 = tpu.memref_slice %arg2[%dma_wait3A_328, %dma_wait3A_329] : memref<10240x128xf32, #tpu.memory_space<hbm>> -> memref<10240x128xf32, #tpu.memory_space<hbm>>
      tpu.wait_indirect_dma semaphore(%arg13 : memref<!tpu.dma_semaphore, #tpu.memory_space<semaphore_mem>>) src(%dma_wait3A_330 : memref<10240x128xf32, #tpu.memory_space<hbm>>) dst(%arg6 : memref<128x128xf32, #tpu.memory_space<vmem>>)
      %dma_start3A_331 = arith.constant 1 : i32
      %dma_start3A_332 = arith.constant 0 : i32
      %dma_start3A_333 = tpu.memref_slice %arg8[%dma_start3A_331, %dma_start3A_332] : memref<2x128xi32, #tpu.memory_space<vmem>> -> memref<1x128xi32, #tpu.memory_space<vmem>>
      %dma_start3A_334 = tpu.memref_squeeze %dma_start3A_333 : memref<1x128xi32, #tpu.memory_space<vmem>> -> memref<128xi32, #tpu.memory_space<vmem>>
      %dma_start3A_335 = arith.constant 0 : i32
      %dma_start3A_336 = arith.constant 0 : i32
      %dma_start3A_337 = tpu.memref_slice %arg11[%dma_start3A_335, %dma_start3A_336] : memref<10240x128xf32, #tpu.memory_space<vmem_shared>> -> memref<10240x128xf32, #tpu.memory_space<vmem_shared>>
      tpu.enqueue_indirect_dma source(%arg6 : memref<128x128xf32, #tpu.memory_space<vmem>>) target(%dma_start3A_337 : memref<10240x128xf32, #tpu.memory_space<vmem_shared>>) offsets(%dma_start3A_334 : memref<128xi32, #tpu.memory_space<vmem>>) semaphore(%arg15 : memref<!tpu.dma_semaphore, #tpu.memory_space<semaphore_mem>>) {add = true}
      %add3A_338 = arith.constant 2 : i32
      %add3A_339 = arith.addi %add3A_241, %add3A_338 : i32
      %dma_wait3A_340 = arith.constant 1 : i32
      %dma_wait3A_341 = arith.constant 0 : i32
      %dma_wait3A_342 = tpu.memref_slice %arg9[%dma_wait3A_340, %dma_wait3A_341] : memref<2x128xi32, #tpu.memory_space<vmem>> -> memref<1x128xi32, #tpu.memory_space<vmem>>
      %dma_wait3A_343 = tpu.memref_squeeze %dma_wait3A_342 : memref<1x128xi32, #tpu.memory_space<vmem>> -> memref<128xi32, #tpu.memory_space<vmem>>
      %dma_wait3A_344 = arith.constant 0 : i32
      %dma_wait3A_345 = arith.constant 0 : i32
      %dma_wait3A_346 = tpu.memref_slice %arg11[%dma_wait3A_344, %dma_wait3A_345] : memref<10240x128xf32, #tpu.memory_space<vmem_shared>> -> memref<10240x128xf32, #tpu.memory_space<vmem_shared>>
      tpu.wait_indirect_dma semaphore(%arg14 : memref<!tpu.dma_semaphore, #tpu.memory_space<semaphore_mem>>) src(%arg5 : memref<128x128xf32, #tpu.memory_space<vmem>>) dst(%dma_wait3A_346 : memref<10240x128xf32, #tpu.memory_space<vmem_shared>>)
      %add3A_347 = arith.constant 2 : i32
      %add3A_348 = arith.addi %add3A_339, %add3A_347 : i32
      %dma_start3A_349 = arith.constant 0 : i32
      %dma_start3A_350 = arith.constant 0 : i32
      %dma_start3A_351 = tpu.memref_slice %arg3[%add3A, %add3A_348, %dma_start3A_349, %dma_start3A_350] : memref<32x82x2x128xi32, #tpu.memory_space<hbm>> -> memref<1x1x2x128xi32, #tpu.memory_space<hbm>>
      %dma_start3A_352 = tpu.memref_squeeze %dma_start3A_351 : memref<1x1x2x128xi32, #tpu.memory_space<hbm>> -> memref<2x128xi32, #tpu.memory_space<hbm>>
      %dma_start3A_353 = arith.constant 0 : i32
      %dma_start3A_354 = arith.constant 0 : i32
      %dma_start3A_355 = tpu.memref_slice %arg3[%add3A, %add3A_348, %dma_start3A_353, %dma_start3A_354] : memref<32x82x2x128xi32, #tpu.memory_space<hbm>> -> memref<1x1x2x128xi32, #tpu.memory_space<hbm>>
      %dma_start3A_356 = tpu.memref_squeeze %dma_start3A_355 : memref<1x1x2x128xi32, #tpu.memory_space<hbm>> -> memref<2x128xi32, #tpu.memory_space<hbm>>
      tpu.enqueue_dma source(%dma_start3A_356 : memref<2x128xi32, #tpu.memory_space<hbm>>) target(%arg7 : memref<2x128xi32, #tpu.memory_space<vmem>>) target_semaphore(%arg16 : memref<!tpu.dma_semaphore, #tpu.memory_space<semaphore_mem>>)
      %dma_wait3A_357 = arith.constant 0 : i32
      %dma_wait3A_358 = arith.constant 0 : i32
      %dma_wait3A_359 = arith.constant 0 : i32
      %dma_wait3A_360 = tpu.memref_slice %arg3[%add3A, %dma_wait3A_357, %dma_wait3A_358, %dma_wait3A_359] : memref<32x82x2x128xi32, #tpu.memory_space<hbm>> -> memref<1x1x2x128xi32, #tpu.memory_space<hbm>>
      %dma_wait3A_361 = tpu.memref_squeeze %dma_wait3A_360 : memref<1x1x2x128xi32, #tpu.memory_space<hbm>> -> memref<2x128xi32, #tpu.memory_space<hbm>>
      %dma_wait3A_362 = arith.constant 0 : i32
      %dma_wait3A_363 = arith.constant 0 : i32
      %dma_wait3A_364 = tpu.memref_slice %arg3[%add3A, %dma_wait3A_357, %dma_wait3A_362, %dma_wait3A_363] : memref<32x82x2x128xi32, #tpu.memory_space<hbm>> -> memref<1x1x2x128xi32, #tpu.memory_space<hbm>>
      %dma_wait3A_365 = tpu.memref_squeeze %dma_wait3A_364 : memref<1x1x2x128xi32, #tpu.memory_space<hbm>> -> memref<2x128xi32, #tpu.memory_space<hbm>>
      tpu.wait_dma2 semaphore(%arg18 : memref<!tpu.dma_semaphore, #tpu.memory_space<semaphore_mem>>) src(%dma_wait3A_365 : memref<2x128xi32, #tpu.memory_space<hbm>>) dst(%arg9 : memref<2x128xi32, #tpu.memory_space<vmem>>)
      %dma_start3A_366 = arith.constant 0 : i32
      %dma_start3A_367 = arith.constant 0 : i32
      %dma_start3A_368 = tpu.memref_slice %arg9[%dma_start3A_366, %dma_start3A_367] : memref<2x128xi32, #tpu.memory_space<vmem>> -> memref<1x128xi32, #tpu.memory_space<vmem>>
      %dma_start3A_369 = tpu.memref_squeeze %dma_start3A_368 : memref<1x128xi32, #tpu.memory_space<vmem>> -> memref<128xi32, #tpu.memory_space<vmem>>
      %dma_start3A_370 = arith.constant 0 : i32
      %dma_start3A_371 = arith.constant 0 : i32
      %dma_start3A_372 = tpu.memref_slice %arg2[%dma_start3A_370, %dma_start3A_371] : memref<10240x128xf32, #tpu.memory_space<hbm>> -> memref<10240x128xf32, #tpu.memory_space<hbm>>
      tpu.enqueue_indirect_dma source(%dma_start3A_372 : memref<10240x128xf32, #tpu.memory_space<hbm>>) target(%arg5 : memref<128x128xf32, #tpu.memory_space<vmem>>) offsets(%dma_start3A_369 : memref<128xi32, #tpu.memory_space<vmem>>) semaphore(%arg12 : memref<!tpu.dma_semaphore, #tpu.memory_space<semaphore_mem>>)
      %dma_wait3A_373 = arith.constant 0 : i32
      %dma_wait3A_374 = arith.constant 0 : i32
      %dma_wait3A_375 = tpu.memref_slice %arg9[%dma_wait3A_373, %dma_wait3A_374] : memref<2x128xi32, #tpu.memory_space<vmem>> -> memref<1x128xi32, #tpu.memory_space<vmem>>
      %dma_wait3A_376 = tpu.memref_squeeze %dma_wait3A_375 : memref<1x128xi32, #tpu.memory_space<vmem>> -> memref<128xi32, #tpu.memory_space<vmem>>
      %dma_wait3A_377 = arith.constant 0 : i32
      %dma_wait3A_378 = arith.constant 0 : i32
      %dma_wait3A_379 = tpu.memref_slice %arg2[%dma_wait3A_377, %dma_wait3A_378] : memref<10240x128xf32, #tpu.memory_space<hbm>> -> memref<10240x128xf32, #tpu.memory_space<hbm>>
      tpu.wait_indirect_dma semaphore(%arg12 : memref<!tpu.dma_semaphore, #tpu.memory_space<semaphore_mem>>) src(%dma_wait3A_379 : memref<10240x128xf32, #tpu.memory_space<hbm>>) dst(%arg5 : memref<128x128xf32, #tpu.memory_space<vmem>>)
      %dma_start3A_380 = arith.constant 1 : i32
      %dma_start3A_381 = arith.constant 0 : i32
      %dma_start3A_382 = tpu.memref_slice %arg9[%dma_start3A_380, %dma_start3A_381] : memref<2x128xi32, #tpu.memory_space<vmem>> -> memref<1x128xi32, #tpu.memory_space<vmem>>
      %dma_start3A_383 = tpu.memref_squeeze %dma_start3A_382 : memref<1x128xi32, #tpu.memory_space<vmem>> -> memref<128xi32, #tpu.memory_space<vmem>>
      %dma_start3A_384 = arith.constant 0 : i32
      %dma_start3A_385 = arith.constant 0 : i32
      %dma_start3A_386 = tpu.memref_slice %arg11[%dma_start3A_384, %dma_start3A_385] : memref<10240x128xf32, #tpu.memory_space<vmem_shared>> -> memref<10240x128xf32, #tpu.memory_space<vmem_shared>>
      tpu.enqueue_indirect_dma source(%arg5 : memref<128x128xf32, #tpu.memory_space<vmem>>) target(%dma_start3A_386 : memref<10240x128xf32, #tpu.memory_space<vmem_shared>>) offsets(%dma_start3A_383 : memref<128xi32, #tpu.memory_space<vmem>>) semaphore(%arg14 : memref<!tpu.dma_semaphore, #tpu.memory_space<semaphore_mem>>) {add = true}
      %add3A_387 = arith.constant 3 : i32
      %add3A_388 = arith.addi %add3A_241, %add3A_387 : i32
      %dma_wait3A_389 = arith.constant 1 : i32
      %dma_wait3A_390 = arith.constant 0 : i32
      %dma_wait3A_391 = tpu.memref_slice %arg10[%dma_wait3A_389, %dma_wait3A_390] : memref<2x128xi32, #tpu.memory_space<vmem>> -> memref<1x128xi32, #tpu.memory_space<vmem>>
      %dma_wait3A_392 = tpu.memref_squeeze %dma_wait3A_391 : memref<1x128xi32, #tpu.memory_space<vmem>> -> memref<128xi32, #tpu.memory_space<vmem>>
      %dma_wait3A_393 = arith.constant 0 : i32
      %dma_wait3A_394 = arith.constant 0 : i32
      %dma_wait3A_395 = tpu.memref_slice %arg11[%dma_wait3A_393, %dma_wait3A_394] : memref<10240x128xf32, #tpu.memory_space<vmem_shared>> -> memref<10240x128xf32, #tpu.memory_space<vmem_shared>>
      tpu.wait_indirect_dma semaphore(%arg15 : memref<!tpu.dma_semaphore, #tpu.memory_space<semaphore_mem>>) src(%arg6 : memref<128x128xf32, #tpu.memory_space<vmem>>) dst(%dma_wait3A_395 : memref<10240x128xf32, #tpu.memory_space<vmem_shared>>)
      %add3A_396 = arith.constant 2 : i32
      %add3A_397 = arith.addi %add3A_388, %add3A_396 : i32
      %dma_start3A_398 = arith.constant 0 : i32
      %dma_start3A_399 = arith.constant 0 : i32
      %dma_start3A_400 = tpu.memref_slice %arg3[%add3A, %add3A_397, %dma_start3A_398, %dma_start3A_399] : memref<32x82x2x128xi32, #tpu.memory_space<hbm>> -> memref<1x1x2x128xi32, #tpu.memory_space<hbm>>
      %dma_start3A_401 = tpu.memref_squeeze %dma_start3A_400 : memref<1x1x2x128xi32, #tpu.memory_space<hbm>> -> memref<2x128xi32, #tpu.memory_space<hbm>>
      %dma_start3A_402 = arith.constant 0 : i32
      %dma_start3A_403 = arith.constant 0 : i32
      %dma_start3A_404 = tpu.memref_slice %arg3[%add3A, %add3A_397, %dma_start3A_402, %dma_start3A_403] : memref<32x82x2x128xi32, #tpu.memory_space<hbm>> -> memref<1x1x2x128xi32, #tpu.memory_space<hbm>>
      %dma_start3A_405 = tpu.memref_squeeze %dma_start3A_404 : memref<1x1x2x128xi32, #tpu.memory_space<hbm>> -> memref<2x128xi32, #tpu.memory_space<hbm>>
      tpu.enqueue_dma source(%dma_start3A_405 : memref<2x128xi32, #tpu.memory_space<hbm>>) target(%arg8 : memref<2x128xi32, #tpu.memory_space<vmem>>) target_semaphore(%arg17 : memref<!tpu.dma_semaphore, #tpu.memory_space<semaphore_mem>>)
      %dma_wait3A_406 = arith.constant 0 : i32
      %dma_wait3A_407 = arith.constant 0 : i32
      %dma_wait3A_408 = arith.constant 0 : i32
      %dma_wait3A_409 = tpu.memref_slice %arg3[%add3A, %dma_wait3A_406, %dma_wait3A_407, %dma_wait3A_408] : memref<32x82x2x128xi32, #tpu.memory_space<hbm>> -> memref<1x1x2x128xi32, #tpu.memory_space<hbm>>
      %dma_wait3A_410 = tpu.memref_squeeze %dma_wait3A_409 : memref<1x1x2x128xi32, #tpu.memory_space<hbm>> -> memref<2x128xi32, #tpu.memory_space<hbm>>
      %dma_wait3A_411 = arith.constant 0 : i32
      %dma_wait3A_412 = arith.constant 0 : i32
      %dma_wait3A_413 = tpu.memref_slice %arg3[%add3A, %dma_wait3A_406, %dma_wait3A_411, %dma_wait3A_412] : memref<32x82x2x128xi32, #tpu.memory_space<hbm>> -> memref<1x1x2x128xi32, #tpu.memory_space<hbm>>
      %dma_wait3A_414 = tpu.memref_squeeze %dma_wait3A_413 : memref<1x1x2x128xi32, #tpu.memory_space<hbm>> -> memref<2x128xi32, #tpu.memory_space<hbm>>
      tpu.wait_dma2 semaphore(%arg19 : memref<!tpu.dma_semaphore, #tpu.memory_space<semaphore_mem>>) src(%dma_wait3A_414 : memref<2x128xi32, #tpu.memory_space<hbm>>) dst(%arg10 : memref<2x128xi32, #tpu.memory_space<vmem>>)
      %dma_start3A_415 = arith.constant 0 : i32
      %dma_start3A_416 = arith.constant 0 : i32
      %dma_start3A_417 = tpu.memref_slice %arg10[%dma_start3A_415, %dma_start3A_416] : memref<2x128xi32, #tpu.memory_space<vmem>> -> memref<1x128xi32, #tpu.memory_space<vmem>>
      %dma_start3A_418 = tpu.memref_squeeze %dma_start3A_417 : memref<1x128xi32, #tpu.memory_space<vmem>> -> memref<128xi32, #tpu.memory_space<vmem>>
      %dma_start3A_419 = arith.constant 0 : i32
      %dma_start3A_420 = arith.constant 0 : i32
      %dma_start3A_421 = tpu.memref_slice %arg2[%dma_start3A_419, %dma_start3A_420] : memref<10240x128xf32, #tpu.memory_space<hbm>> -> memref<10240x128xf32, #tpu.memory_space<hbm>>
      tpu.enqueue_indirect_dma source(%dma_start3A_421 : memref<10240x128xf32, #tpu.memory_space<hbm>>) target(%arg6 : memref<128x128xf32, #tpu.memory_space<vmem>>) offsets(%dma_start3A_418 : memref<128xi32, #tpu.memory_space<vmem>>) semaphore(%arg13 : memref<!tpu.dma_semaphore, #tpu.memory_space<semaphore_mem>>)
      %dma_wait3A_422 = arith.constant 0 : i32
      %dma_wait3A_423 = arith.constant 0 : i32
      %dma_wait3A_424 = tpu.memref_slice %arg10[%dma_wait3A_422, %dma_wait3A_423] : memref<2x128xi32, #tpu.memory_space<vmem>> -> memref<1x128xi32, #tpu.memory_space<vmem>>
      %dma_wait3A_425 = tpu.memref_squeeze %dma_wait3A_424 : memref<1x128xi32, #tpu.memory_space<vmem>> -> memref<128xi32, #tpu.memory_space<vmem>>
      %dma_wait3A_426 = arith.constant 0 : i32
      %dma_wait3A_427 = arith.constant 0 : i32
      %dma_wait3A_428 = tpu.memref_slice %arg2[%dma_wait3A_426, %dma_wait3A_427] : memref<10240x128xf32, #tpu.memory_space<hbm>> -> memref<10240x128xf32, #tpu.memory_space<hbm>>
      tpu.wait_indirect_dma semaphore(%arg13 : memref<!tpu.dma_semaphore, #tpu.memory_space<semaphore_mem>>) src(%dma_wait3A_428 : memref<10240x128xf32, #tpu.memory_space<hbm>>) dst(%arg6 : memref<128x128xf32, #tpu.memory_space<vmem>>)
      %dma_start3A_429 = arith.constant 1 : i32
      %dma_start3A_430 = arith.constant 0 : i32
      %dma_start3A_431 = tpu.memref_slice %arg10[%dma_start3A_429, %dma_start3A_430] : memref<2x128xi32, #tpu.memory_space<vmem>> -> memref<1x128xi32, #tpu.memory_space<vmem>>
      %dma_start3A_432 = tpu.memref_squeeze %dma_start3A_431 : memref<1x128xi32, #tpu.memory_space<vmem>> -> memref<128xi32, #tpu.memory_space<vmem>>
      %dma_start3A_433 = arith.constant 0 : i32
      %dma_start3A_434 = arith.constant 0 : i32
      %dma_start3A_435 = tpu.memref_slice %arg11[%dma_start3A_433, %dma_start3A_434] : memref<10240x128xf32, #tpu.memory_space<vmem_shared>> -> memref<10240x128xf32, #tpu.memory_space<vmem_shared>>
      tpu.enqueue_indirect_dma source(%arg6 : memref<128x128xf32, #tpu.memory_space<vmem>>) target(%dma_start3A_435 : memref<10240x128xf32, #tpu.memory_space<vmem_shared>>) offsets(%dma_start3A_432 : memref<128xi32, #tpu.memory_space<vmem>>) semaphore(%arg15 : memref<!tpu.dma_semaphore, #tpu.memory_space<semaphore_mem>>) {add = true}
    }
    %scan3A_199 = arith.constant 19 : i32
    %dma_wait3A_200 = arith.constant 1 : i32
    %dma_wait3A_201 = arith.constant 0 : i32
    %dma_wait3A_202 = tpu.memref_slice %arg7[%dma_wait3A_200, %dma_wait3A_201] : memref<2x128xi32, #tpu.memory_space<vmem>> -> memref<1x128xi32, #tpu.memory_space<vmem>>
    %dma_wait3A_203 = tpu.memref_squeeze %dma_wait3A_202 : memref<1x128xi32, #tpu.memory_space<vmem>> -> memref<128xi32, #tpu.memory_space<vmem>>
    %dma_wait3A_204 = arith.constant 0 : i32
    %dma_wait3A_205 = arith.constant 0 : i32
    %dma_wait3A_206 = tpu.memref_slice %arg11[%dma_wait3A_204, %dma_wait3A_205] : memref<10240x128xf32, #tpu.memory_space<vmem_shared>> -> memref<10240x128xf32, #tpu.memory_space<vmem_shared>>
    tpu.wait_indirect_dma semaphore(%arg14 : memref<!tpu.dma_semaphore, #tpu.memory_space<semaphore_mem>>) src(%arg5 : memref<128x128xf32, #tpu.memory_space<vmem>>) dst(%dma_wait3A_206 : memref<10240x128xf32, #tpu.memory_space<vmem_shared>>)
    %dma_wait3A_207 = arith.constant 1 : i32
    %dma_wait3A_208 = arith.constant 0 : i32
    %dma_wait3A_209 = tpu.memref_slice %arg8[%dma_wait3A_207, %dma_wait3A_208] : memref<2x128xi32, #tpu.memory_space<vmem>> -> memref<1x128xi32, #tpu.memory_space<vmem>>
    %dma_wait3A_210 = tpu.memref_squeeze %dma_wait3A_209 : memref<1x128xi32, #tpu.memory_space<vmem>> -> memref<128xi32, #tpu.memory_space<vmem>>
    %dma_wait3A_211 = arith.constant 0 : i32
    %dma_wait3A_212 = arith.constant 0 : i32
    %dma_wait3A_213 = tpu.memref_slice %arg11[%dma_wait3A_211, %dma_wait3A_212] : memref<10240x128xf32, #tpu.memory_space<vmem_shared>> -> memref<10240x128xf32, #tpu.memory_space<vmem_shared>>
    tpu.wait_indirect_dma semaphore(%arg15 : memref<!tpu.dma_semaphore, #tpu.memory_space<semaphore_mem>>) src(%arg6 : memref<128x128xf32, #tpu.memory_space<vmem>>) dst(%dma_wait3A_213 : memref<10240x128xf32, #tpu.memory_space<vmem_shared>>)
    %dma_wait3A_214 = arith.constant 0 : i32
    %dma_wait3A_215 = arith.constant 0 : i32
    %dma_wait3A_216 = arith.constant 0 : i32
    %dma_wait3A_217 = tpu.memref_slice %arg3[%add3A, %dma_wait3A_214, %dma_wait3A_215, %dma_wait3A_216] : memref<32x82x2x128xi32, #tpu.memory_space<hbm>> -> memref<1x1x2x128xi32, #tpu.memory_space<hbm>>
    %dma_wait3A_218 = tpu.memref_squeeze %dma_wait3A_217 : memref<1x1x2x128xi32, #tpu.memory_space<hbm>> -> memref<2x128xi32, #tpu.memory_space<hbm>>
    %dma_wait3A_219 = arith.constant 0 : i32
    %dma_wait3A_220 = arith.constant 0 : i32
    %dma_wait3A_221 = tpu.memref_slice %arg3[%add3A, %dma_wait3A_214, %dma_wait3A_219, %dma_wait3A_220] : memref<32x82x2x128xi32, #tpu.memory_space<hbm>> -> memref<1x1x2x128xi32, #tpu.memory_space<hbm>>
    %dma_wait3A_222 = tpu.memref_squeeze %dma_wait3A_221 : memref<1x1x2x128xi32, #tpu.memory_space<hbm>> -> memref<2x128xi32, #tpu.memory_space<hbm>>
    tpu.wait_dma2 semaphore(%arg16 : memref<!tpu.dma_semaphore, #tpu.memory_space<semaphore_mem>>) src(%dma_wait3A_222 : memref<2x128xi32, #tpu.memory_space<hbm>>) dst(%arg7 : memref<2x128xi32, #tpu.memory_space<vmem>>)
    %dma_wait3A_223 = arith.constant 0 : i32
    %dma_wait3A_224 = arith.constant 0 : i32
    %dma_wait3A_225 = arith.constant 0 : i32
    %dma_wait3A_226 = tpu.memref_slice %arg3[%add3A, %dma_wait3A_223, %dma_wait3A_224, %dma_wait3A_225] : memref<32x82x2x128xi32, #tpu.memory_space<hbm>> -> memref<1x1x2x128xi32, #tpu.memory_space<hbm>>
    %dma_wait3A_227 = tpu.memref_squeeze %dma_wait3A_226 : memref<1x1x2x128xi32, #tpu.memory_space<hbm>> -> memref<2x128xi32, #tpu.memory_space<hbm>>
    %dma_wait3A_228 = arith.constant 0 : i32
    %dma_wait3A_229 = arith.constant 0 : i32
    %dma_wait3A_230 = tpu.memref_slice %arg3[%add3A, %dma_wait3A_223, %dma_wait3A_228, %dma_wait3A_229] : memref<32x82x2x128xi32, #tpu.memory_space<hbm>> -> memref<1x1x2x128xi32, #tpu.memory_space<hbm>>
    %dma_wait3A_231 = tpu.memref_squeeze %dma_wait3A_230 : memref<1x1x2x128xi32, #tpu.memory_space<hbm>> -> memref<2x128xi32, #tpu.memory_space<hbm>>
    tpu.wait_dma2 semaphore(%arg17 : memref<!tpu.dma_semaphore, #tpu.memory_space<semaphore_mem>>) src(%dma_wait3A_231 : memref<2x128xi32, #tpu.memory_space<hbm>>) dst(%arg8 : memref<2x128xi32, #tpu.memory_space<vmem>>)
    %barrier3A_232 = arith.constant 0 : index
    tpu.barrier barrier_id(%barrier3A_232)
    %mul3A_233 = arith.constant 640 : i32
    %mul3A_234 = arith.muli %arg1, %mul3A_233 : i32
    %mul3A_235 = arith.constant 640 : i32
    %mul3A_236 = arith.muli %arg1, %mul3A_235 : i32
    "tpu.region"() ({
      %run_scoped3A = tpu.sem_alloc : memref<!tpu.dma_semaphore, #tpu.memory_space<semaphore_mem>>
      %dma_start3A_237 = arith.constant 0 : i32
      %dma_start3A_238 = tpu.memref_slice %arg4[%arg0, %mul3A_236, %dma_start3A_237] : memref<2x10240x128xf32, #tpu.memory_space<hbm>> -> memref<1x640x128xf32, #tpu.memory_space<hbm>>
      %dma_start3A_239 = tpu.memref_squeeze %dma_start3A_238 : memref<1x640x128xf32, #tpu.memory_space<hbm>> -> memref<640x128xf32, #tpu.memory_space<hbm>>
      %dma_start3A_240 = arith.constant 0 : i32
      %dma_start3A_241 = tpu.memref_slice %arg11[%mul3A_234, %dma_start3A_240] : memref<10240x128xf32, #tpu.memory_space<vmem_shared>> -> memref<640x128xf32, #tpu.memory_space<vmem_shared>>
      tpu.enqueue_dma source(%dma_start3A_241 : memref<640x128xf32, #tpu.memory_space<vmem_shared>>) target(%dma_start3A_239 : memref<640x128xf32, #tpu.memory_space<hbm>>) target_semaphore(%run_scoped3A : memref<!tpu.dma_semaphore, #tpu.memory_space<semaphore_mem>>)
      %dma_wait3A_242 = arith.constant 0 : i32
      %dma_wait3A_243 = tpu.memref_slice %arg4[%arg0, %mul3A_236, %dma_wait3A_242] : memref<2x10240x128xf32, #tpu.memory_space<hbm>> -> memref<1x640x128xf32, #tpu.memory_space<hbm>>
      %dma_wait3A_244 = tpu.memref_squeeze %dma_wait3A_243 : memref<1x640x128xf32, #tpu.memory_space<hbm>> -> memref<640x128xf32, #tpu.memory_space<hbm>>
      %dma_wait3A_245 = arith.constant 0 : i32
      %dma_wait3A_246 = tpu.memref_slice %arg11[%mul3A_234, %dma_wait3A_245] : memref<10240x128xf32, #tpu.memory_space<vmem_shared>> -> memref<640x128xf32, #tpu.memory_space<vmem_shared>>
      tpu.wait_dma2 semaphore(%run_scoped3A : memref<!tpu.dma_semaphore, #tpu.memory_space<semaphore_mem>>) src(%dma_wait3A_246 : memref<640x128xf32, #tpu.memory_space<vmem_shared>>) dst(%dma_wait3A_244 : memref<640x128xf32, #tpu.memory_space<hbm>>)
      tpu.yield
    }) : () -> ()
    return
  }
}

#map = affine_map<(d0, d1) -> (0, 0, 0, 0)>
#map1 = affine_map<(d0, d1) -> (0, 0)>
module attributes {stable_mosaic.version = 14 : i64} {
  func.func @_deg_body(%arg0: i32, %arg1: i32, %arg2: memref<32x82x2x128xi32, #tpu.memory_space<hbm>>, %arg3: memref<2x10240xf32, #tpu.memory_space<hbm>>, %arg4: memref<82x2x128xi32, #tpu.memory_space<vmem>>, %arg5: memref<128xf32, #tpu.memory_space<vmem>>, %arg6: memref<128xf32, #tpu.memory_space<vmem>>, %arg7: memref<10240xf32, #tpu.memory_space<vmem_shared>>, %arg8: memref<!tpu.dma_semaphore, #tpu.memory_space<semaphore_mem>>, %arg9: memref<!tpu.dma_semaphore, #tpu.memory_space<semaphore_mem>>) attributes {dimension_semantics = [#tpu.dimension_semantics<core_parallel>, #tpu.dimension_semantics<subcore_parallel>], iteration_bounds = array<i64: 2, 16>, scalar_prefetch = 0 : i64, scratch_operands = 6 : i64, tpu.core_type = #tpu.core_type<sc_vector_subcore>, window_params = [{transform_indices = #map}, {transform_indices = #map1}]} {
    %mul3A = arith.constant 2 : i32
    %mul3A_0 = arith.muli %arg1, %mul3A : i32
    %add3A = arith.addi %mul3A_0, %arg0 : i32
    %broadcast_in_dim3A = arith.constant 1.000000e+00 : f32
    %broadcast_in_dim3A_1 = vector.broadcast %broadcast_in_dim3A : f32 to vector<16xf32>
    %swap3A = arith.constant 0 : index
    %swap3A_2 = tpu.vector_load %arg5[%swap3A] {strides = array<i32>} : memref<128xf32, #tpu.memory_space<vmem>>, vector<16xf32>,
    %swap3A_3 = vector.shape_cast %swap3A_2 : vector<16xf32> to vector<16xf32>
    %swap3A_4 = vector.shape_cast %broadcast_in_dim3A_1 : vector<16xf32> to vector<16xf32>
    tpu.vector_store %arg5[%swap3A], %swap3A_4 {strides = array<i32>} : memref<128xf32, #tpu.memory_space<vmem>>, vector<16xf32>,
    %broadcast_in_dim3A_5 = arith.constant 0.000000e+00 : f32
    %broadcast_in_dim3A_6 = vector.broadcast %broadcast_in_dim3A_5 : f32 to vector<16xf32>
    %swap3A_7 = arith.constant 0 : index
    %swap3A_8 = tpu.vector_load %arg6[%swap3A_7] {strides = array<i32>} : memref<128xf32, #tpu.memory_space<vmem>>, vector<16xf32>,
    %swap3A_9 = vector.shape_cast %swap3A_8 : vector<16xf32> to vector<16xf32>
    %swap3A_10 = vector.shape_cast %broadcast_in_dim3A_6 : vector<16xf32> to vector<16xf32>
    tpu.vector_store %arg6[%swap3A_7], %swap3A_10 {strides = array<i32>} : memref<128xf32, #tpu.memory_space<vmem>>, vector<16xf32>,
    %broadcast_in_dim3A_11 = arith.constant 1.000000e+00 : f32
    %broadcast_in_dim3A_12 = vector.broadcast %broadcast_in_dim3A_11 : f32 to vector<16xf32>
    %swap3A_13 = arith.constant 16 : index
    %swap3A_14 = tpu.vector_load %arg5[%swap3A_13] {strides = array<i32>} : memref<128xf32, #tpu.memory_space<vmem>>, vector<16xf32>,
    %swap3A_15 = vector.shape_cast %swap3A_14 : vector<16xf32> to vector<16xf32>
    %swap3A_16 = vector.shape_cast %broadcast_in_dim3A_12 : vector<16xf32> to vector<16xf32>
    tpu.vector_store %arg5[%swap3A_13], %swap3A_16 {strides = array<i32>} : memref<128xf32, #tpu.memory_space<vmem>>, vector<16xf32>,
    %broadcast_in_dim3A_17 = arith.constant 0.000000e+00 : f32
    %broadcast_in_dim3A_18 = vector.broadcast %broadcast_in_dim3A_17 : f32 to vector<16xf32>
    %swap3A_19 = arith.constant 16 : index
    %swap3A_20 = tpu.vector_load %arg6[%swap3A_19] {strides = array<i32>} : memref<128xf32, #tpu.memory_space<vmem>>, vector<16xf32>,
    %swap3A_21 = vector.shape_cast %swap3A_20 : vector<16xf32> to vector<16xf32>
    %swap3A_22 = vector.shape_cast %broadcast_in_dim3A_18 : vector<16xf32> to vector<16xf32>
    tpu.vector_store %arg6[%swap3A_19], %swap3A_22 {strides = array<i32>} : memref<128xf32, #tpu.memory_space<vmem>>, vector<16xf32>,
    %broadcast_in_dim3A_23 = arith.constant 1.000000e+00 : f32
    %broadcast_in_dim3A_24 = vector.broadcast %broadcast_in_dim3A_23 : f32 to vector<16xf32>
    %swap3A_25 = arith.constant 32 : index
    %swap3A_26 = tpu.vector_load %arg5[%swap3A_25] {strides = array<i32>} : memref<128xf32, #tpu.memory_space<vmem>>, vector<16xf32>,
    %swap3A_27 = vector.shape_cast %swap3A_26 : vector<16xf32> to vector<16xf32>
    %swap3A_28 = vector.shape_cast %broadcast_in_dim3A_24 : vector<16xf32> to vector<16xf32>
    tpu.vector_store %arg5[%swap3A_25], %swap3A_28 {strides = array<i32>} : memref<128xf32, #tpu.memory_space<vmem>>, vector<16xf32>,
    %broadcast_in_dim3A_29 = arith.constant 0.000000e+00 : f32
    %broadcast_in_dim3A_30 = vector.broadcast %broadcast_in_dim3A_29 : f32 to vector<16xf32>
    %swap3A_31 = arith.constant 32 : index
    %swap3A_32 = tpu.vector_load %arg6[%swap3A_31] {strides = array<i32>} : memref<128xf32, #tpu.memory_space<vmem>>, vector<16xf32>,
    %swap3A_33 = vector.shape_cast %swap3A_32 : vector<16xf32> to vector<16xf32>
    %swap3A_34 = vector.shape_cast %broadcast_in_dim3A_30 : vector<16xf32> to vector<16xf32>
    tpu.vector_store %arg6[%swap3A_31], %swap3A_34 {strides = array<i32>} : memref<128xf32, #tpu.memory_space<vmem>>, vector<16xf32>,
    %broadcast_in_dim3A_35 = arith.constant 1.000000e+00 : f32
    %broadcast_in_dim3A_36 = vector.broadcast %broadcast_in_dim3A_35 : f32 to vector<16xf32>
    %swap3A_37 = arith.constant 48 : index
    %swap3A_38 = tpu.vector_load %arg5[%swap3A_37] {strides = array<i32>} : memref<128xf32, #tpu.memory_space<vmem>>, vector<16xf32>,
    %swap3A_39 = vector.shape_cast %swap3A_38 : vector<16xf32> to vector<16xf32>
    %swap3A_40 = vector.shape_cast %broadcast_in_dim3A_36 : vector<16xf32> to vector<16xf32>
    tpu.vector_store %arg5[%swap3A_37], %swap3A_40 {strides = array<i32>} : memref<128xf32, #tpu.memory_space<vmem>>, vector<16xf32>,
    %broadcast_in_dim3A_41 = arith.constant 0.000000e+00 : f32
    %broadcast_in_dim3A_42 = vector.broadcast %broadcast_in_dim3A_41 : f32 to vector<16xf32>
    %swap3A_43 = arith.constant 48 : index
    %swap3A_44 = tpu.vector_load %arg6[%swap3A_43] {strides = array<i32>} : memref<128xf32, #tpu.memory_space<vmem>>, vector<16xf32>,
    %swap3A_45 = vector.shape_cast %swap3A_44 : vector<16xf32> to vector<16xf32>
    %swap3A_46 = vector.shape_cast %broadcast_in_dim3A_42 : vector<16xf32> to vector<16xf32>
    tpu.vector_store %arg6[%swap3A_43], %swap3A_46 {strides = array<i32>} : memref<128xf32, #tpu.memory_space<vmem>>, vector<16xf32>,
    %broadcast_in_dim3A_47 = arith.constant 1.000000e+00 : f32
    %broadcast_in_dim3A_48 = vector.broadcast %broadcast_in_dim3A_47 : f32 to vector<16xf32>
    %swap3A_49 = arith.constant 64 : index
    %swap3A_50 = tpu.vector_load %arg5[%swap3A_49] {strides = array<i32>} : memref<128xf32, #tpu.memory_space<vmem>>, vector<16xf32>,
    %swap3A_51 = vector.shape_cast %swap3A_50 : vector<16xf32> to vector<16xf32>
    %swap3A_52 = vector.shape_cast %broadcast_in_dim3A_48 : vector<16xf32> to vector<16xf32>
    tpu.vector_store %arg5[%swap3A_49], %swap3A_52 {strides = array<i32>} : memref<128xf32, #tpu.memory_space<vmem>>, vector<16xf32>,
    %broadcast_in_dim3A_53 = arith.constant 0.000000e+00 : f32
    %broadcast_in_dim3A_54 = vector.broadcast %broadcast_in_dim3A_53 : f32 to vector<16xf32>
    %swap3A_55 = arith.constant 64 : index
    %swap3A_56 = tpu.vector_load %arg6[%swap3A_55] {strides = array<i32>} : memref<128xf32, #tpu.memory_space<vmem>>, vector<16xf32>,
    %swap3A_57 = vector.shape_cast %swap3A_56 : vector<16xf32> to vector<16xf32>
    %swap3A_58 = vector.shape_cast %broadcast_in_dim3A_54 : vector<16xf32> to vector<16xf32>
    tpu.vector_store %arg6[%swap3A_55], %swap3A_58 {strides = array<i32>} : memref<128xf32, #tpu.memory_space<vmem>>, vector<16xf32>,
    %broadcast_in_dim3A_59 = arith.constant 1.000000e+00 : f32
    %broadcast_in_dim3A_60 = vector.broadcast %broadcast_in_dim3A_59 : f32 to vector<16xf32>
    %swap3A_61 = arith.constant 80 : index
    %swap3A_62 = tpu.vector_load %arg5[%swap3A_61] {strides = array<i32>} : memref<128xf32, #tpu.memory_space<vmem>>, vector<16xf32>,
    %swap3A_63 = vector.shape_cast %swap3A_62 : vector<16xf32> to vector<16xf32>
    %swap3A_64 = vector.shape_cast %broadcast_in_dim3A_60 : vector<16xf32> to vector<16xf32>
    tpu.vector_store %arg5[%swap3A_61], %swap3A_64 {strides = array<i32>} : memref<128xf32, #tpu.memory_space<vmem>>, vector<16xf32>,
    %broadcast_in_dim3A_65 = arith.constant 0.000000e+00 : f32
    %broadcast_in_dim3A_66 = vector.broadcast %broadcast_in_dim3A_65 : f32 to vector<16xf32>
    %swap3A_67 = arith.constant 80 : index
    %swap3A_68 = tpu.vector_load %arg6[%swap3A_67] {strides = array<i32>} : memref<128xf32, #tpu.memory_space<vmem>>, vector<16xf32>,
    %swap3A_69 = vector.shape_cast %swap3A_68 : vector<16xf32> to vector<16xf32>
    %swap3A_70 = vector.shape_cast %broadcast_in_dim3A_66 : vector<16xf32> to vector<16xf32>
    tpu.vector_store %arg6[%swap3A_67], %swap3A_70 {strides = array<i32>} : memref<128xf32, #tpu.memory_space<vmem>>, vector<16xf32>,
    %broadcast_in_dim3A_71 = arith.constant 1.000000e+00 : f32
    %broadcast_in_dim3A_72 = vector.broadcast %broadcast_in_dim3A_71 : f32 to vector<16xf32>
    %swap3A_73 = arith.constant 96 : index
    %swap3A_74 = tpu.vector_load %arg5[%swap3A_73] {strides = array<i32>} : memref<128xf32, #tpu.memory_space<vmem>>, vector<16xf32>,
    %swap3A_75 = vector.shape_cast %swap3A_74 : vector<16xf32> to vector<16xf32>
    %swap3A_76 = vector.shape_cast %broadcast_in_dim3A_72 : vector<16xf32> to vector<16xf32>
    tpu.vector_store %arg5[%swap3A_73], %swap3A_76 {strides = array<i32>} : memref<128xf32, #tpu.memory_space<vmem>>, vector<16xf32>,
    %broadcast_in_dim3A_77 = arith.constant 0.000000e+00 : f32
    %broadcast_in_dim3A_78 = vector.broadcast %broadcast_in_dim3A_77 : f32 to vector<16xf32>
    %swap3A_79 = arith.constant 96 : index
    %swap3A_80 = tpu.vector_load %arg6[%swap3A_79] {strides = array<i32>} : memref<128xf32, #tpu.memory_space<vmem>>, vector<16xf32>,
    %swap3A_81 = vector.shape_cast %swap3A_80 : vector<16xf32> to vector<16xf32>
    %swap3A_82 = vector.shape_cast %broadcast_in_dim3A_78 : vector<16xf32> to vector<16xf32>
    tpu.vector_store %arg6[%swap3A_79], %swap3A_82 {strides = array<i32>} : memref<128xf32, #tpu.memory_space<vmem>>, vector<16xf32>,
    %broadcast_in_dim3A_83 = arith.constant 1.000000e+00 : f32
    %broadcast_in_dim3A_84 = vector.broadcast %broadcast_in_dim3A_83 : f32 to vector<16xf32>
    %swap3A_85 = arith.constant 112 : index
    %swap3A_86 = tpu.vector_load %arg5[%swap3A_85] {strides = array<i32>} : memref<128xf32, #tpu.memory_space<vmem>>, vector<16xf32>,
    %swap3A_87 = vector.shape_cast %swap3A_86 : vector<16xf32> to vector<16xf32>
    %swap3A_88 = vector.shape_cast %broadcast_in_dim3A_84 : vector<16xf32> to vector<16xf32>
    tpu.vector_store %arg5[%swap3A_85], %swap3A_88 {strides = array<i32>} : memref<128xf32, #tpu.memory_space<vmem>>, vector<16xf32>,
    %broadcast_in_dim3A_89 = arith.constant 0.000000e+00 : f32
    %broadcast_in_dim3A_90 = vector.broadcast %broadcast_in_dim3A_89 : f32 to vector<16xf32>
    %swap3A_91 = arith.constant 112 : index
    %swap3A_92 = tpu.vector_load %arg6[%swap3A_91] {strides = array<i32>} : memref<128xf32, #tpu.memory_space<vmem>>, vector<16xf32>,
    %swap3A_93 = vector.shape_cast %swap3A_92 : vector<16xf32> to vector<16xf32>
    %swap3A_94 = vector.shape_cast %broadcast_in_dim3A_90 : vector<16xf32> to vector<16xf32>
    tpu.vector_store %arg6[%swap3A_91], %swap3A_94 {strides = array<i32>} : memref<128xf32, #tpu.memory_space<vmem>>, vector<16xf32>,
    %mul3A_95 = arith.constant 640 : i32
    %mul3A_96 = arith.muli %arg1, %mul3A_95 : i32
    %add3A_97 = arith.constant 0 : i32
    %add3A_98 = arith.addi %mul3A_96, %add3A_97 : i32
    "tpu.region"() ({
      %run_scoped3A = tpu.sem_alloc : memref<!tpu.dma_semaphore, #tpu.memory_space<semaphore_mem>>
      %dma_start3A_150 = tpu.memref_slice %arg7[%add3A_98] : memref<10240xf32, #tpu.memory_space<vmem_shared>> -> memref<128xf32, #tpu.memory_space<vmem_shared>>
      %dma_start3A_151 = tpu.memref_slice %arg7[%add3A_98] : memref<10240xf32, #tpu.memory_space<vmem_shared>> -> memref<128xf32, #tpu.memory_space<vmem_shared>>
      tpu.enqueue_dma source(%arg6 : memref<128xf32, #tpu.memory_space<vmem>>) target(%dma_start3A_151 : memref<128xf32, #tpu.memory_space<vmem_shared>>) target_semaphore(%run_scoped3A : memref<!tpu.dma_semaphore, #tpu.memory_space<semaphore_mem>>)
      %dma_wait3A_152 = tpu.memref_slice %arg7[%add3A_98] : memref<10240xf32, #tpu.memory_space<vmem_shared>> -> memref<128xf32, #tpu.memory_space<vmem_shared>>
      %dma_wait3A_153 = tpu.memref_slice %arg7[%add3A_98] : memref<10240xf32, #tpu.memory_space<vmem_shared>> -> memref<128xf32, #tpu.memory_space<vmem_shared>>
      tpu.wait_dma2 semaphore(%run_scoped3A : memref<!tpu.dma_semaphore, #tpu.memory_space<semaphore_mem>>) src(%arg6 : memref<128xf32, #tpu.memory_space<vmem>>) dst(%dma_wait3A_153 : memref<128xf32, #tpu.memory_space<vmem_shared>>)
      tpu.yield
    }) : () -> ()
    %mul3A_99 = arith.constant 640 : i32
    %mul3A_100 = arith.muli %arg1, %mul3A_99 : i32
    %add3A_101 = arith.constant 128 : i32
    %add3A_102 = arith.addi %mul3A_100, %add3A_101 : i32
    "tpu.region"() ({
      %run_scoped3A = tpu.sem_alloc : memref<!tpu.dma_semaphore, #tpu.memory_space<semaphore_mem>>
      %dma_start3A_150 = tpu.memref_slice %arg7[%add3A_102] : memref<10240xf32, #tpu.memory_space<vmem_shared>> -> memref<128xf32, #tpu.memory_space<vmem_shared>>
      %dma_start3A_151 = tpu.memref_slice %arg7[%add3A_102] : memref<10240xf32, #tpu.memory_space<vmem_shared>> -> memref<128xf32, #tpu.memory_space<vmem_shared>>
      tpu.enqueue_dma source(%arg6 : memref<128xf32, #tpu.memory_space<vmem>>) target(%dma_start3A_151 : memref<128xf32, #tpu.memory_space<vmem_shared>>) target_semaphore(%run_scoped3A : memref<!tpu.dma_semaphore, #tpu.memory_space<semaphore_mem>>)
      %dma_wait3A_152 = tpu.memref_slice %arg7[%add3A_102] : memref<10240xf32, #tpu.memory_space<vmem_shared>> -> memref<128xf32, #tpu.memory_space<vmem_shared>>
      %dma_wait3A_153 = tpu.memref_slice %arg7[%add3A_102] : memref<10240xf32, #tpu.memory_space<vmem_shared>> -> memref<128xf32, #tpu.memory_space<vmem_shared>>
      tpu.wait_dma2 semaphore(%run_scoped3A : memref<!tpu.dma_semaphore, #tpu.memory_space<semaphore_mem>>) src(%arg6 : memref<128xf32, #tpu.memory_space<vmem>>) dst(%dma_wait3A_153 : memref<128xf32, #tpu.memory_space<vmem_shared>>)
      tpu.yield
    }) : () -> ()
    %mul3A_103 = arith.constant 640 : i32
    %mul3A_104 = arith.muli %arg1, %mul3A_103 : i32
    %add3A_105 = arith.constant 256 : i32
    %add3A_106 = arith.addi %mul3A_104, %add3A_105 : i32
    "tpu.region"() ({
      %run_scoped3A = tpu.sem_alloc : memref<!tpu.dma_semaphore, #tpu.memory_space<semaphore_mem>>
      %dma_start3A_150 = tpu.memref_slice %arg7[%add3A_106] : memref<10240xf32, #tpu.memory_space<vmem_shared>> -> memref<128xf32, #tpu.memory_space<vmem_shared>>
      %dma_start3A_151 = tpu.memref_slice %arg7[%add3A_106] : memref<10240xf32, #tpu.memory_space<vmem_shared>> -> memref<128xf32, #tpu.memory_space<vmem_shared>>
      tpu.enqueue_dma source(%arg6 : memref<128xf32, #tpu.memory_space<vmem>>) target(%dma_start3A_151 : memref<128xf32, #tpu.memory_space<vmem_shared>>) target_semaphore(%run_scoped3A : memref<!tpu.dma_semaphore, #tpu.memory_space<semaphore_mem>>)
      %dma_wait3A_152 = tpu.memref_slice %arg7[%add3A_106] : memref<10240xf32, #tpu.memory_space<vmem_shared>> -> memref<128xf32, #tpu.memory_space<vmem_shared>>
      %dma_wait3A_153 = tpu.memref_slice %arg7[%add3A_106] : memref<10240xf32, #tpu.memory_space<vmem_shared>> -> memref<128xf32, #tpu.memory_space<vmem_shared>>
      tpu.wait_dma2 semaphore(%run_scoped3A : memref<!tpu.dma_semaphore, #tpu.memory_space<semaphore_mem>>) src(%arg6 : memref<128xf32, #tpu.memory_space<vmem>>) dst(%dma_wait3A_153 : memref<128xf32, #tpu.memory_space<vmem_shared>>)
      tpu.yield
    }) : () -> ()
    %mul3A_107 = arith.constant 640 : i32
    %mul3A_108 = arith.muli %arg1, %mul3A_107 : i32
    %add3A_109 = arith.constant 384 : i32
    %add3A_110 = arith.addi %mul3A_108, %add3A_109 : i32
    "tpu.region"() ({
      %run_scoped3A = tpu.sem_alloc : memref<!tpu.dma_semaphore, #tpu.memory_space<semaphore_mem>>
      %dma_start3A_150 = tpu.memref_slice %arg7[%add3A_110] : memref<10240xf32, #tpu.memory_space<vmem_shared>> -> memref<128xf32, #tpu.memory_space<vmem_shared>>
      %dma_start3A_151 = tpu.memref_slice %arg7[%add3A_110] : memref<10240xf32, #tpu.memory_space<vmem_shared>> -> memref<128xf32, #tpu.memory_space<vmem_shared>>
      tpu.enqueue_dma source(%arg6 : memref<128xf32, #tpu.memory_space<vmem>>) target(%dma_start3A_151 : memref<128xf32, #tpu.memory_space<vmem_shared>>) target_semaphore(%run_scoped3A : memref<!tpu.dma_semaphore, #tpu.memory_space<semaphore_mem>>)
      %dma_wait3A_152 = tpu.memref_slice %arg7[%add3A_110] : memref<10240xf32, #tpu.memory_space<vmem_shared>> -> memref<128xf32, #tpu.memory_space<vmem_shared>>
      %dma_wait3A_153 = tpu.memref_slice %arg7[%add3A_110] : memref<10240xf32, #tpu.memory_space<vmem_shared>> -> memref<128xf32, #tpu.memory_space<vmem_shared>>
      tpu.wait_dma2 semaphore(%run_scoped3A : memref<!tpu.dma_semaphore, #tpu.memory_space<semaphore_mem>>) src(%arg6 : memref<128xf32, #tpu.memory_space<vmem>>) dst(%dma_wait3A_153 : memref<128xf32, #tpu.memory_space<vmem_shared>>)
      tpu.yield
    }) : () -> ()
    %mul3A_111 = arith.constant 640 : i32
    %mul3A_112 = arith.muli %arg1, %mul3A_111 : i32
    %add3A_113 = arith.constant 512 : i32
    %add3A_114 = arith.addi %mul3A_112, %add3A_113 : i32
    "tpu.region"() ({
      %run_scoped3A = tpu.sem_alloc : memref<!tpu.dma_semaphore, #tpu.memory_space<semaphore_mem>>
      %dma_start3A_150 = tpu.memref_slice %arg7[%add3A_114] : memref<10240xf32, #tpu.memory_space<vmem_shared>> -> memref<128xf32, #tpu.memory_space<vmem_shared>>
      %dma_start3A_151 = tpu.memref_slice %arg7[%add3A_114] : memref<10240xf32, #tpu.memory_space<vmem_shared>> -> memref<128xf32, #tpu.memory_space<vmem_shared>>
      tpu.enqueue_dma source(%arg6 : memref<128xf32, #tpu.memory_space<vmem>>) target(%dma_start3A_151 : memref<128xf32, #tpu.memory_space<vmem_shared>>) target_semaphore(%run_scoped3A : memref<!tpu.dma_semaphore, #tpu.memory_space<semaphore_mem>>)
      %dma_wait3A_152 = tpu.memref_slice %arg7[%add3A_114] : memref<10240xf32, #tpu.memory_space<vmem_shared>> -> memref<128xf32, #tpu.memory_space<vmem_shared>>
      %dma_wait3A_153 = tpu.memref_slice %arg7[%add3A_114] : memref<10240xf32, #tpu.memory_space<vmem_shared>> -> memref<128xf32, #tpu.memory_space<vmem_shared>>
      tpu.wait_dma2 semaphore(%run_scoped3A : memref<!tpu.dma_semaphore, #tpu.memory_space<semaphore_mem>>) src(%arg6 : memref<128xf32, #tpu.memory_space<vmem>>) dst(%dma_wait3A_153 : memref<128xf32, #tpu.memory_space<vmem_shared>>)
      tpu.yield
    }) : () -> ()
    "tpu.region"() ({
      %run_scoped3A = tpu.sem_alloc : memref<!tpu.dma_semaphore, #tpu.memory_space<semaphore_mem>>
      %dma_start3A_150 = arith.constant 0 : i32
      %dma_start3A_151 = arith.constant 0 : i32
      %dma_start3A_152 = arith.constant 0 : i32
      %dma_start3A_153 = tpu.memref_slice %arg2[%add3A, %dma_start3A_150, %dma_start3A_151, %dma_start3A_152] : memref<32x82x2x128xi32, #tpu.memory_space<hbm>> -> memref<1x82x2x128xi32, #tpu.memory_space<hbm>>
      %dma_start3A_154 = tpu.memref_squeeze %dma_start3A_153 : memref<1x82x2x128xi32, #tpu.memory_space<hbm>> -> memref<82x2x128xi32, #tpu.memory_space<hbm>>
      %dma_start3A_155 = arith.constant 0 : i32
      %dma_start3A_156 = arith.constant 0 : i32
      %dma_start3A_157 = arith.constant 0 : i32
      %dma_start3A_158 = tpu.memref_slice %arg2[%add3A, %dma_start3A_155, %dma_start3A_156, %dma_start3A_157] : memref<32x82x2x128xi32, #tpu.memory_space<hbm>> -> memref<1x82x2x128xi32, #tpu.memory_space<hbm>>
      %dma_start3A_159 = tpu.memref_squeeze %dma_start3A_158 : memref<1x82x2x128xi32, #tpu.memory_space<hbm>> -> memref<82x2x128xi32, #tpu.memory_space<hbm>>
      tpu.enqueue_dma source(%dma_start3A_159 : memref<82x2x128xi32, #tpu.memory_space<hbm>>) target(%arg4 : memref<82x2x128xi32, #tpu.memory_space<vmem>>) target_semaphore(%run_scoped3A : memref<!tpu.dma_semaphore, #tpu.memory_space<semaphore_mem>>)
      %dma_wait3A_160 = arith.constant 0 : i32
      %dma_wait3A_161 = arith.constant 0 : i32
      %dma_wait3A_162 = arith.constant 0 : i32
      %dma_wait3A_163 = tpu.memref_slice %arg2[%add3A, %dma_wait3A_160, %dma_wait3A_161, %dma_wait3A_162] : memref<32x82x2x128xi32, #tpu.memory_space<hbm>> -> memref<1x82x2x128xi32, #tpu.memory_space<hbm>>
      %dma_wait3A_164 = tpu.memref_squeeze %dma_wait3A_163 : memref<1x82x2x128xi32, #tpu.memory_space<hbm>> -> memref<82x2x128xi32, #tpu.memory_space<hbm>>
      %dma_wait3A_165 = arith.constant 0 : i32
      %dma_wait3A_166 = arith.constant 0 : i32
      %dma_wait3A_167 = arith.constant 0 : i32
      %dma_wait3A_168 = tpu.memref_slice %arg2[%add3A, %dma_wait3A_165, %dma_wait3A_166, %dma_wait3A_167] : memref<32x82x2x128xi32, #tpu.memory_space<hbm>> -> memref<1x82x2x128xi32, #tpu.memory_space<hbm>>
      %dma_wait3A_169 = tpu.memref_squeeze %dma_wait3A_168 : memref<1x82x2x128xi32, #tpu.memory_space<hbm>> -> memref<82x2x128xi32, #tpu.memory_space<hbm>>
      tpu.wait_dma2 semaphore(%run_scoped3A : memref<!tpu.dma_semaphore, #tpu.memory_space<semaphore_mem>>) src(%dma_wait3A_169 : memref<82x2x128xi32, #tpu.memory_space<hbm>>) dst(%arg4 : memref<82x2x128xi32, #tpu.memory_space<vmem>>)
      tpu.yield
    }) : () -> ()
    %barrier3A = arith.constant 0 : index
    tpu.barrier barrier_id(%barrier3A)
    %dma_start3A = arith.constant 0 : i32
    %dma_start3A_115 = arith.constant 1 : i32
    %dma_start3A_116 = arith.constant 0 : i32
    %dma_start3A_117 = tpu.memref_slice %arg4[%dma_start3A, %dma_start3A_115, %dma_start3A_116] : memref<82x2x128xi32, #tpu.memory_space<vmem>> -> memref<1x1x128xi32, #tpu.memory_space<vmem>>
    %dma_start3A_118 = tpu.memref_squeeze %dma_start3A_117 : memref<1x1x128xi32, #tpu.memory_space<vmem>> -> memref<128xi32, #tpu.memory_space<vmem>>
    %dma_start3A_119 = arith.constant 0 : i32
    %dma_start3A_120 = tpu.memref_slice %arg7[%dma_start3A_119] : memref<10240xf32, #tpu.memory_space<vmem_shared>> -> memref<10240xf32, #tpu.memory_space<vmem_shared>>
    tpu.enqueue_indirect_dma source(%arg5 : memref<128xf32, #tpu.memory_space<vmem>>) target(%dma_start3A_120 : memref<10240xf32, #tpu.memory_space<vmem_shared>>) offsets(%dma_start3A_118 : memref<128xi32, #tpu.memory_space<vmem>>) semaphore(%arg8 : memref<!tpu.dma_semaphore, #tpu.memory_space<semaphore_mem>>) {add = true}
    %dma_start3A_121 = arith.constant 1 : i32
    %dma_start3A_122 = arith.constant 1 : i32
    %dma_start3A_123 = arith.constant 0 : i32
    %dma_start3A_124 = tpu.memref_slice %arg4[%dma_start3A_121, %dma_start3A_122, %dma_start3A_123] : memref<82x2x128xi32, #tpu.memory_space<vmem>> -> memref<1x1x128xi32, #tpu.memory_space<vmem>>
    %dma_start3A_125 = tpu.memref_squeeze %dma_start3A_124 : memref<1x1x128xi32, #tpu.memory_space<vmem>> -> memref<128xi32, #tpu.memory_space<vmem>>
    %dma_start3A_126 = arith.constant 0 : i32
    %dma_start3A_127 = tpu.memref_slice %arg7[%dma_start3A_126] : memref<10240xf32, #tpu.memory_space<vmem_shared>> -> memref<10240xf32, #tpu.memory_space<vmem_shared>>
    tpu.enqueue_indirect_dma source(%arg5 : memref<128xf32, #tpu.memory_space<vmem>>) target(%dma_start3A_127 : memref<10240xf32, #tpu.memory_space<vmem_shared>>) offsets(%dma_start3A_125 : memref<128xi32, #tpu.memory_space<vmem>>) semaphore(%arg9 : memref<!tpu.dma_semaphore, #tpu.memory_space<semaphore_mem>>) {add = true}
    %scan3A = arith.constant 0 : i32
    %scan3A_128 = arith.constant 39 : i32
    %scan3A_129 = arith.addi %scan3A, %scan3A_128 : i32
    %scan3A_130 = arith.constant 1 : i32
    scf.for %scan3A_150 = %scan3A to %scan3A_129 step %scan3A_130  : i32 {
      %mul3A_151 = arith.constant 2 : i32
      %mul3A_152 = arith.muli %scan3A_150, %mul3A_151 : i32
      %add3A_153 = arith.constant 2 : i32
      %add3A_154 = arith.addi %add3A_153, %mul3A_152 : i32
      %dma_wait3A_155 = arith.constant 1 : i32
      %dma_wait3A_156 = arith.constant 0 : i32
      %dma_wait3A_157 = tpu.memref_slice %arg4[%add3A_154, %dma_wait3A_155, %dma_wait3A_156] : memref<82x2x128xi32, #tpu.memory_space<vmem>> -> memref<1x1x128xi32, #tpu.memory_space<vmem>>
      %dma_wait3A_158 = tpu.memref_squeeze %dma_wait3A_157 : memref<1x1x128xi32, #tpu.memory_space<vmem>> -> memref<128xi32, #tpu.memory_space<vmem>>
      %dma_wait3A_159 = arith.constant 0 : i32
      %dma_wait3A_160 = tpu.memref_slice %arg7[%dma_wait3A_159] : memref<10240xf32, #tpu.memory_space<vmem_shared>> -> memref<10240xf32, #tpu.memory_space<vmem_shared>>
      tpu.wait_indirect_dma semaphore(%arg8 : memref<!tpu.dma_semaphore, #tpu.memory_space<semaphore_mem>>) src(%arg5 : memref<128xf32, #tpu.memory_space<vmem>>) dst(%dma_wait3A_160 : memref<10240xf32, #tpu.memory_space<vmem_shared>>)
      %dma_start3A_161 = arith.constant 1 : i32
      %dma_start3A_162 = arith.constant 0 : i32
      %dma_start3A_163 = tpu.memref_slice %arg4[%add3A_154, %dma_start3A_161, %dma_start3A_162] : memref<82x2x128xi32, #tpu.memory_space<vmem>> -> memref<1x1x128xi32, #tpu.memory_space<vmem>>
      %dma_start3A_164 = tpu.memref_squeeze %dma_start3A_163 : memref<1x1x128xi32, #tpu.memory_space<vmem>> -> memref<128xi32, #tpu.memory_space<vmem>>
      %dma_start3A_165 = arith.constant 0 : i32
      %dma_start3A_166 = tpu.memref_slice %arg7[%dma_start3A_165] : memref<10240xf32, #tpu.memory_space<vmem_shared>> -> memref<10240xf32, #tpu.memory_space<vmem_shared>>
      tpu.enqueue_indirect_dma source(%arg5 : memref<128xf32, #tpu.memory_space<vmem>>) target(%dma_start3A_166 : memref<10240xf32, #tpu.memory_space<vmem_shared>>) offsets(%dma_start3A_164 : memref<128xi32, #tpu.memory_space<vmem>>) semaphore(%arg8 : memref<!tpu.dma_semaphore, #tpu.memory_space<semaphore_mem>>) {add = true}
      %add3A_167 = arith.constant 1 : i32
      %add3A_168 = arith.addi %add3A_154, %add3A_167 : i32
      %dma_wait3A_169 = arith.constant 1 : i32
      %dma_wait3A_170 = arith.constant 0 : i32
      %dma_wait3A_171 = tpu.memref_slice %arg4[%add3A_168, %dma_wait3A_169, %dma_wait3A_170] : memref<82x2x128xi32, #tpu.memory_space<vmem>> -> memref<1x1x128xi32, #tpu.memory_space<vmem>>
      %dma_wait3A_172 = tpu.memref_squeeze %dma_wait3A_171 : memref<1x1x128xi32, #tpu.memory_space<vmem>> -> memref<128xi32, #tpu.memory_space<vmem>>
      %dma_wait3A_173 = arith.constant 0 : i32
      %dma_wait3A_174 = tpu.memref_slice %arg7[%dma_wait3A_173] : memref<10240xf32, #tpu.memory_space<vmem_shared>> -> memref<10240xf32, #tpu.memory_space<vmem_shared>>
      tpu.wait_indirect_dma semaphore(%arg9 : memref<!tpu.dma_semaphore, #tpu.memory_space<semaphore_mem>>) src(%arg5 : memref<128xf32, #tpu.memory_space<vmem>>) dst(%dma_wait3A_174 : memref<10240xf32, #tpu.memory_space<vmem_shared>>)
      %add3A_175 = arith.constant 1 : i32
      %add3A_176 = arith.addi %add3A_154, %add3A_175 : i32
      %dma_start3A_177 = arith.constant 1 : i32
      %dma_start3A_178 = arith.constant 0 : i32
      %dma_start3A_179 = tpu.memref_slice %arg4[%add3A_176, %dma_start3A_177, %dma_start3A_178] : memref<82x2x128xi32, #tpu.memory_space<vmem>> -> memref<1x1x128xi32, #tpu.memory_space<vmem>>
      %dma_start3A_180 = tpu.memref_squeeze %dma_start3A_179 : memref<1x1x128xi32, #tpu.memory_space<vmem>> -> memref<128xi32, #tpu.memory_space<vmem>>
      %dma_start3A_181 = arith.constant 0 : i32
      %dma_start3A_182 = tpu.memref_slice %arg7[%dma_start3A_181] : memref<10240xf32, #tpu.memory_space<vmem_shared>> -> memref<10240xf32, #tpu.memory_space<vmem_shared>>
      tpu.enqueue_indirect_dma source(%arg5 : memref<128xf32, #tpu.memory_space<vmem>>) target(%dma_start3A_182 : memref<10240xf32, #tpu.memory_space<vmem_shared>>) offsets(%dma_start3A_180 : memref<128xi32, #tpu.memory_space<vmem>>) semaphore(%arg9 : memref<!tpu.dma_semaphore, #tpu.memory_space<semaphore_mem>>) {add = true}
    }
    %scan3A_131 = arith.constant 39 : i32
    %dma_wait3A = arith.constant 0 : i32
    %dma_wait3A_132 = arith.constant 1 : i32
    %dma_wait3A_133 = arith.constant 0 : i32
    %dma_wait3A_134 = tpu.memref_slice %arg4[%dma_wait3A, %dma_wait3A_132, %dma_wait3A_133] : memref<82x2x128xi32, #tpu.memory_space<vmem>> -> memref<1x1x128xi32, #tpu.memory_space<vmem>>
    %dma_wait3A_135 = tpu.memref_squeeze %dma_wait3A_134 : memref<1x1x128xi32, #tpu.memory_space<vmem>> -> memref<128xi32, #tpu.memory_space<vmem>>
    %dma_wait3A_136 = arith.constant 0 : i32
    %dma_wait3A_137 = tpu.memref_slice %arg7[%dma_wait3A_136] : memref<10240xf32, #tpu.memory_space<vmem_shared>> -> memref<10240xf32, #tpu.memory_space<vmem_shared>>
    tpu.wait_indirect_dma semaphore(%arg8 : memref<!tpu.dma_semaphore, #tpu.memory_space<semaphore_mem>>) src(%arg5 : memref<128xf32, #tpu.memory_space<vmem>>) dst(%dma_wait3A_137 : memref<10240xf32, #tpu.memory_space<vmem_shared>>)
    %dma_wait3A_138 = arith.constant 1 : i32
    %dma_wait3A_139 = arith.constant 1 : i32
    %dma_wait3A_140 = arith.constant 0 : i32
    %dma_wait3A_141 = tpu.memref_slice %arg4[%dma_wait3A_138, %dma_wait3A_139, %dma_wait3A_140] : memref<82x2x128xi32, #tpu.memory_space<vmem>> -> memref<1x1x128xi32, #tpu.memory_space<vmem>>
    %dma_wait3A_142 = tpu.memref_squeeze %dma_wait3A_141 : memref<1x1x128xi32, #tpu.memory_space<vmem>> -> memref<128xi32, #tpu.memory_space<vmem>>
    %dma_wait3A_143 = arith.constant 0 : i32
    %dma_wait3A_144 = tpu.memref_slice %arg7[%dma_wait3A_143] : memref<10240xf32, #tpu.memory_space<vmem_shared>> -> memref<10240xf32, #tpu.memory_space<vmem_shared>>
    tpu.wait_indirect_dma semaphore(%arg9 : memref<!tpu.dma_semaphore, #tpu.memory_space<semaphore_mem>>) src(%arg5 : memref<128xf32, #tpu.memory_space<vmem>>) dst(%dma_wait3A_144 : memref<10240xf32, #tpu.memory_space<vmem_shared>>)
    %barrier3A_145 = arith.constant 0 : index
    tpu.barrier barrier_id(%barrier3A_145)
    %mul3A_146 = arith.constant 640 : i32
    %mul3A_147 = arith.muli %arg1, %mul3A_146 : i32
    %mul3A_148 = arith.constant 640 : i32
    %mul3A_149 = arith.muli %arg1, %mul3A_148 : i32
    "tpu.region"() ({
      %run_scoped3A = tpu.sem_alloc : memref<!tpu.dma_semaphore, #tpu.memory_space<semaphore_mem>>
      %dma_start3A_150 = tpu.memref_slice %arg3[%arg0, %mul3A_149] : memref<2x10240xf32, #tpu.memory_space<hbm>> -> memref<1x640xf32, #tpu.memory_space<hbm>>
      %dma_start3A_151 = tpu.memref_squeeze %dma_start3A_150 : memref<1x640xf32, #tpu.memory_space<hbm>> -> memref<640xf32, #tpu.memory_space<hbm>>
      %dma_start3A_152 = tpu.memref_slice %arg7[%mul3A_147] : memref<10240xf32, #tpu.memory_space<vmem_shared>> -> memref<640xf32, #tpu.memory_space<vmem_shared>>
      tpu.enqueue_dma source(%dma_start3A_152 : memref<640xf32, #tpu.memory_space<vmem_shared>>) target(%dma_start3A_151 : memref<640xf32, #tpu.memory_space<hbm>>) target_semaphore(%run_scoped3A : memref<!tpu.dma_semaphore, #tpu.memory_space<semaphore_mem>>)
      %dma_wait3A_153 = tpu.memref_slice %arg3[%arg0, %mul3A_149] : memref<2x10240xf32, #tpu.memory_space<hbm>> -> memref<1x640xf32, #tpu.memory_space<hbm>>
      %dma_wait3A_154 = tpu.memref_squeeze %dma_wait3A_153 : memref<1x640xf32, #tpu.memory_space<hbm>> -> memref<640xf32, #tpu.memory_space<hbm>>
      %dma_wait3A_155 = tpu.memref_slice %arg7[%mul3A_147] : memref<10240xf32, #tpu.memory_space<vmem_shared>> -> memref<640xf32, #tpu.memory_space<vmem_shared>>
      tpu.wait_dma2 semaphore(%run_scoped3A : memref<!tpu.dma_semaphore, #tpu.memory_space<semaphore_mem>>) src(%dma_wait3A_155 : memref<640xf32, #tpu.memory_space<vmem_shared>>) dst(%dma_wait3A_154 : memref<640xf32, #tpu.memory_space<hbm>>)
      tpu.yield
    }) : () -> ()
    return
  }
}

#map = affine_map<(d0, d1) -> (0, 0)>
#map1 = affine_map<(d0, d1) -> (0, 0, 0, 0)>
#map2 = affine_map<(d0, d1) -> (0, 0, 0)>
module attributes {stable_mosaic.version = 14 : i64} {
  func.func @_scat_body(%arg0: i32, %arg1: i32, %arg2: memref<10240x128xf32, #tpu.memory_space<hbm>>, %arg3: memref<32x82x2x128xi32, #tpu.memory_space<hbm>>, %arg4: memref<2x10240x128xf32, #tpu.memory_space<hbm>>, %arg5: memref<128x128xf32, #tpu.memory_space<vmem>>, %arg6: memref<128x128xf32, #tpu.memory_space<vmem>>, %arg7: memref<2x128xi32, #tpu.memory_space<vmem>>, %arg8: memref<2x128xi32, #tpu.memory_space<vmem>>, %arg9: memref<2x128xi32, #tpu.memory_space<vmem>>, %arg10: memref<2x128xi32, #tpu.memory_space<vmem>>, %arg11: memref<10240x128xf32, #tpu.memory_space<vmem_shared>>, %arg12: memref<!tpu.dma_semaphore, #tpu.memory_space<semaphore_mem>>, %arg13: memref<!tpu.dma_semaphore, #tpu.memory_space<semaphore_mem>>, %arg14: memref<!tpu.dma_semaphore, #tpu.memory_space<semaphore_mem>>, %arg15: memref<!tpu.dma_semaphore, #tpu.memory_space<semaphore_mem>>, %arg16: memref<!tpu.dma_semaphore, #tpu.memory_space<semaphore_mem>>, %arg17: memref<!tpu.dma_semaphore, #tpu.memory_space<semaphore_mem>>, %arg18: memref<!tpu.dma_semaphore, #tpu.memory_space<semaphore_mem>>, %arg19: memref<!tpu.dma_semaphore, #tpu.memory_space<semaphore_mem>>) attributes {dimension_semantics = [#tpu.dimension_semantics<core_parallel>, #tpu.dimension_semantics<subcore_parallel>], iteration_bounds = array<i64: 2, 16>, scalar_prefetch = 0 : i64, scratch_operands = 15 : i64, tpu.core_type = #tpu.core_type<sc_vector_subcore>, window_params = [{transform_indices = #map}, {transform_indices = #map1}, {transform_indices = #map2}]} {
    %mul3A = arith.constant 2 : i32
    %mul3A_0 = arith.muli %arg1, %mul3A : i32
    %add3A = arith.addi %mul3A_0, %arg0 : i32
    %mul3A_1 = arith.constant 640 : i32
    %mul3A_2 = arith.muli %arg1, %mul3A_1 : i32
    %eq3A = arith.constant 0 : i32
    %eq3A_3 = arith.cmpi eq, %arg0, %eq3A : i32
    %convert_element_type3A = arith.extui %eq3A_3 : i1 to i32
    %cond3A = arith.constant 0 : i32
    %cond3A_4 = arith.cmpi ne, %convert_element_type3A, %cond3A : i32
    scf.if %cond3A_4 {
      "tpu.region"() ({
        %run_scoped3A = tpu.sem_alloc : memref<!tpu.dma_semaphore, #tpu.memory_space<semaphore_mem>>
        %dma_start3A_237 = arith.constant 0 : i32
        %dma_start3A_238 = tpu.memref_slice %arg11[%mul3A_2, %dma_start3A_237] : memref<10240x128xf32, #tpu.memory_space<vmem_shared>> -> memref<640x128xf32, #tpu.memory_space<vmem_shared>>
        %dma_start3A_239 = arith.constant 0 : i32
        %dma_start3A_240 = tpu.memref_slice %arg2[%mul3A_2, %dma_start3A_239] : memref<10240x128xf32, #tpu.memory_space<hbm>> -> memref<640x128xf32, #tpu.memory_space<hbm>>
        tpu.enqueue_dma source(%dma_start3A_240 : memref<640x128xf32, #tpu.memory_space<hbm>>) target(%dma_start3A_238 : memref<640x128xf32, #tpu.memory_space<vmem_shared>>) target_semaphore(%run_scoped3A : memref<!tpu.dma_semaphore, #tpu.memory_space<semaphore_mem>>)
        %dma_wait3A_241 = arith.constant 0 : i32
        %dma_wait3A_242 = tpu.memref_slice %arg11[%mul3A_2, %dma_wait3A_241] : memref<10240x128xf32, #tpu.memory_space<vmem_shared>> -> memref<640x128xf32, #tpu.memory_space<vmem_shared>>
        %dma_wait3A_243 = arith.constant 0 : i32
        %dma_wait3A_244 = tpu.memref_slice %arg2[%mul3A_2, %dma_wait3A_243] : memref<10240x128xf32, #tpu.memory_space<hbm>> -> memref<640x128xf32, #tpu.memory_space<hbm>>
        tpu.wait_dma2 semaphore(%run_scoped3A : memref<!tpu.dma_semaphore, #tpu.memory_space<semaphore_mem>>) src(%dma_wait3A_244 : memref<640x128xf32, #tpu.memory_space<hbm>>) dst(%dma_wait3A_242 : memref<640x128xf32, #tpu.memory_space<vmem_shared>>)
        tpu.yield
      }) : () -> ()
    } else {
    }
    %eq3A_5 = arith.constant 1 : i32
    %eq3A_6 = arith.cmpi eq, %arg0, %eq3A_5 : i32
    %convert_element_type3A_7 = arith.extui %eq3A_6 : i1 to i32
    %cond3A_8 = arith.constant 0 : i32
    %cond3A_9 = arith.cmpi ne, %convert_element_type3A_7, %cond3A_8 : i32
    scf.if %cond3A_9 {
      %scan3A_237 = arith.constant 0 : i32
      %scan3A_238 = arith.constant 128 : i32
      %scan3A_239 = arith.addi %scan3A_237, %scan3A_238 : i32
      %scan3A_240 = arith.constant 1 : i32
      scf.for %scan3A_262 = %scan3A_237 to %scan3A_239 step %scan3A_240  : i32 {
        %mul3A_263 = arith.constant 1 : i32
        %mul3A_264 = arith.muli %scan3A_262, %mul3A_263 : i32
        %add3A_265 = arith.constant 0 : i32
        %add3A_266 = arith.addi %add3A_265, %mul3A_264 : i32
        %broadcast_in_dim3A = arith.constant 0.000000e+00 : f32
        %broadcast_in_dim3A_267 = vector.broadcast %broadcast_in_dim3A : f32 to vector<16xf32>
        %swap3A = arith.constant 0 : i32
        %swap3A_268 = tpu.memref_slice %arg5[%add3A_266, %swap3A] : memref<128x128xf32, #tpu.memory_space<vmem>> -> memref<1x128xf32, #tpu.memory_space<vmem>>
        %swap3A_269 = tpu.memref_squeeze %swap3A_268 : memref<1x128xf32, #tpu.memory_space<vmem>> -> memref<128xf32, #tpu.memory_space<vmem>>
        %swap3A_270 = arith.constant 0 : index
        %swap3A_271 = tpu.vector_load %swap3A_269[%swap3A_270] {strides = array<i32>} : memref<128xf32, #tpu.memory_space<vmem>>, vector<16xf32>,
        %swap3A_272 = vector.shape_cast %swap3A_271 : vector<16xf32> to vector<16xf32>
        %swap3A_273 = vector.shape_cast %broadcast_in_dim3A_267 : vector<16xf32> to vector<16xf32>
        tpu.vector_store %swap3A_269[%swap3A_270], %swap3A_273 {strides = array<i32>} : memref<128xf32, #tpu.memory_space<vmem>>, vector<16xf32>,
        %broadcast_in_dim3A_274 = arith.constant 0.000000e+00 : f32
        %broadcast_in_dim3A_275 = vector.broadcast %broadcast_in_dim3A_274 : f32 to vector<16xf32>
        %swap3A_276 = arith.constant 0 : i32
        %swap3A_277 = tpu.memref_slice %arg5[%add3A_266, %swap3A_276] : memref<128x128xf32, #tpu.memory_space<vmem>> -> memref<1x128xf32, #tpu.memory_space<vmem>>
        %swap3A_278 = tpu.memref_squeeze %swap3A_277 : memref<1x128xf32, #tpu.memory_space<vmem>> -> memref<128xf32, #tpu.memory_space<vmem>>
        %swap3A_279 = arith.constant 16 : index
        %swap3A_280 = tpu.vector_load %swap3A_278[%swap3A_279] {strides = array<i32>} : memref<128xf32, #tpu.memory_space<vmem>>, vector<16xf32>,
        %swap3A_281 = vector.shape_cast %swap3A_280 : vector<16xf32> to vector<16xf32>
        %swap3A_282 = vector.shape_cast %broadcast_in_dim3A_275 : vector<16xf32> to vector<16xf32>
        tpu.vector_store %swap3A_278[%swap3A_279], %swap3A_282 {strides = array<i32>} : memref<128xf32, #tpu.memory_space<vmem>>, vector<16xf32>,
        %broadcast_in_dim3A_283 = arith.constant 0.000000e+00 : f32
        %broadcast_in_dim3A_284 = vector.broadcast %broadcast_in_dim3A_283 : f32 to vector<16xf32>
        %swap3A_285 = arith.constant 0 : i32
        %swap3A_286 = tpu.memref_slice %arg5[%add3A_266, %swap3A_285] : memref<128x128xf32, #tpu.memory_space<vmem>> -> memref<1x128xf32, #tpu.memory_space<vmem>>
        %swap3A_287 = tpu.memref_squeeze %swap3A_286 : memref<1x128xf32, #tpu.memory_space<vmem>> -> memref<128xf32, #tpu.memory_space<vmem>>
        %swap3A_288 = arith.constant 32 : index
        %swap3A_289 = tpu.vector_load %swap3A_287[%swap3A_288] {strides = array<i32>} : memref<128xf32, #tpu.memory_space<vmem>>, vector<16xf32>,
        %swap3A_290 = vector.shape_cast %swap3A_289 : vector<16xf32> to vector<16xf32>
        %swap3A_291 = vector.shape_cast %broadcast_in_dim3A_284 : vector<16xf32> to vector<16xf32>
        tpu.vector_store %swap3A_287[%swap3A_288], %swap3A_291 {strides = array<i32>} : memref<128xf32, #tpu.memory_space<vmem>>, vector<16xf32>,
        %broadcast_in_dim3A_292 = arith.constant 0.000000e+00 : f32
        %broadcast_in_dim3A_293 = vector.broadcast %broadcast_in_dim3A_292 : f32 to vector<16xf32>
        %swap3A_294 = arith.constant 0 : i32
        %swap3A_295 = tpu.memref_slice %arg5[%add3A_266, %swap3A_294] : memref<128x128xf32, #tpu.memory_space<vmem>> -> memref<1x128xf32, #tpu.memory_space<vmem>>
        %swap3A_296 = tpu.memref_squeeze %swap3A_295 : memref<1x128xf32, #tpu.memory_space<vmem>> -> memref<128xf32, #tpu.memory_space<vmem>>
        %swap3A_297 = arith.constant 48 : index
        %swap3A_298 = tpu.vector_load %swap3A_296[%swap3A_297] {strides = array<i32>} : memref<128xf32, #tpu.memory_space<vmem>>, vector<16xf32>,
        %swap3A_299 = vector.shape_cast %swap3A_298 : vector<16xf32> to vector<16xf32>
        %swap3A_300 = vector.shape_cast %broadcast_in_dim3A_293 : vector<16xf32> to vector<16xf32>
        tpu.vector_store %swap3A_296[%swap3A_297], %swap3A_300 {strides = array<i32>} : memref<128xf32, #tpu.memory_space<vmem>>, vector<16xf32>,
        %broadcast_in_dim3A_301 = arith.constant 0.000000e+00 : f32
        %broadcast_in_dim3A_302 = vector.broadcast %broadcast_in_dim3A_301 : f32 to vector<16xf32>
        %swap3A_303 = arith.constant 0 : i32
        %swap3A_304 = tpu.memref_slice %arg5[%add3A_266, %swap3A_303] : memref<128x128xf32, #tpu.memory_space<vmem>> -> memref<1x128xf32, #tpu.memory_space<vmem>>
        %swap3A_305 = tpu.memref_squeeze %swap3A_304 : memref<1x128xf32, #tpu.memory_space<vmem>> -> memref<128xf32, #tpu.memory_space<vmem>>
        %swap3A_306 = arith.constant 64 : index
        %swap3A_307 = tpu.vector_load %swap3A_305[%swap3A_306] {strides = array<i32>} : memref<128xf32, #tpu.memory_space<vmem>>, vector<16xf32>,
        %swap3A_308 = vector.shape_cast %swap3A_307 : vector<16xf32> to vector<16xf32>
        %swap3A_309 = vector.shape_cast %broadcast_in_dim3A_302 : vector<16xf32> to vector<16xf32>
        tpu.vector_store %swap3A_305[%swap3A_306], %swap3A_309 {strides = array<i32>} : memref<128xf32, #tpu.memory_space<vmem>>, vector<16xf32>,
        %broadcast_in_dim3A_310 = arith.constant 0.000000e+00 : f32
        %broadcast_in_dim3A_311 = vector.broadcast %broadcast_in_dim3A_310 : f32 to vector<16xf32>
        %swap3A_312 = arith.constant 0 : i32
        %swap3A_313 = tpu.memref_slice %arg5[%add3A_266, %swap3A_312] : memref<128x128xf32, #tpu.memory_space<vmem>> -> memref<1x128xf32, #tpu.memory_space<vmem>>
        %swap3A_314 = tpu.memref_squeeze %swap3A_313 : memref<1x128xf32, #tpu.memory_space<vmem>> -> memref<128xf32, #tpu.memory_space<vmem>>
        %swap3A_315 = arith.constant 80 : index
        %swap3A_316 = tpu.vector_load %swap3A_314[%swap3A_315] {strides = array<i32>} : memref<128xf32, #tpu.memory_space<vmem>>, vector<16xf32>,
        %swap3A_317 = vector.shape_cast %swap3A_316 : vector<16xf32> to vector<16xf32>
        %swap3A_318 = vector.shape_cast %broadcast_in_dim3A_311 : vector<16xf32> to vector<16xf32>
        tpu.vector_store %swap3A_314[%swap3A_315], %swap3A_318 {strides = array<i32>} : memref<128xf32, #tpu.memory_space<vmem>>, vector<16xf32>,
        %broadcast_in_dim3A_319 = arith.constant 0.000000e+00 : f32
        %broadcast_in_dim3A_320 = vector.broadcast %broadcast_in_dim3A_319 : f32 to vector<16xf32>
        %swap3A_321 = arith.constant 0 : i32
        %swap3A_322 = tpu.memref_slice %arg5[%add3A_266, %swap3A_321] : memref<128x128xf32, #tpu.memory_space<vmem>> -> memref<1x128xf32, #tpu.memory_space<vmem>>
        %swap3A_323 = tpu.memref_squeeze %swap3A_322 : memref<1x128xf32, #tpu.memory_space<vmem>> -> memref<128xf32, #tpu.memory_space<vmem>>
        %swap3A_324 = arith.constant 96 : index
        %swap3A_325 = tpu.vector_load %swap3A_323[%swap3A_324] {strides = array<i32>} : memref<128xf32, #tpu.memory_space<vmem>>, vector<16xf32>,
        %swap3A_326 = vector.shape_cast %swap3A_325 : vector<16xf32> to vector<16xf32>
        %swap3A_327 = vector.shape_cast %broadcast_in_dim3A_320 : vector<16xf32> to vector<16xf32>
        tpu.vector_store %swap3A_323[%swap3A_324], %swap3A_327 {strides = array<i32>} : memref<128xf32, #tpu.memory_space<vmem>>, vector<16xf32>,
        %broadcast_in_dim3A_328 = arith.constant 0.000000e+00 : f32
        %broadcast_in_dim3A_329 = vector.broadcast %broadcast_in_dim3A_328 : f32 to vector<16xf32>
        %swap3A_330 = arith.constant 0 : i32
        %swap3A_331 = tpu.memref_slice %arg5[%add3A_266, %swap3A_330] : memref<128x128xf32, #tpu.memory_space<vmem>> -> memref<1x128xf32, #tpu.memory_space<vmem>>
        %swap3A_332 = tpu.memref_squeeze %swap3A_331 : memref<1x128xf32, #tpu.memory_space<vmem>> -> memref<128xf32, #tpu.memory_space<vmem>>
        %swap3A_333 = arith.constant 112 : index
        %swap3A_334 = tpu.vector_load %swap3A_332[%swap3A_333] {strides = array<i32>} : memref<128xf32, #tpu.memory_space<vmem>>, vector<16xf32>,
        %swap3A_335 = vector.shape_cast %swap3A_334 : vector<16xf32> to vector<16xf32>
        %swap3A_336 = vector.shape_cast %broadcast_in_dim3A_329 : vector<16xf32> to vector<16xf32>
        tpu.vector_store %swap3A_332[%swap3A_333], %swap3A_336 {strides = array<i32>} : memref<128xf32, #tpu.memory_space<vmem>>, vector<16xf32>,
      }
      %scan3A_241 = arith.constant 128 : i32
      %mul3A_242 = arith.constant 640 : i32
      %mul3A_243 = arith.muli %arg1, %mul3A_242 : i32
      %add3A_244 = arith.constant 0 : i32
      %add3A_245 = arith.addi %mul3A_243, %add3A_244 : i32
      "tpu.region"() ({
        %run_scoped3A = tpu.sem_alloc : memref<!tpu.dma_semaphore, #tpu.memory_space<semaphore_mem>>
        %dma_start3A_262 = arith.constant 0 : i32
        %dma_start3A_263 = tpu.memref_slice %arg11[%add3A_245, %dma_start3A_262] : memref<10240x128xf32, #tpu.memory_space<vmem_shared>> -> memref<128x128xf32, #tpu.memory_space<vmem_shared>>
        %dma_start3A_264 = arith.constant 0 : i32
        %dma_start3A_265 = tpu.memref_slice %arg11[%add3A_245, %dma_start3A_264] : memref<10240x128xf32, #tpu.memory_space<vmem_shared>> -> memref<128x128xf32, #tpu.memory_space<vmem_shared>>
        tpu.enqueue_dma source(%arg5 : memref<128x128xf32, #tpu.memory_space<vmem>>) target(%dma_start3A_265 : memref<128x128xf32, #tpu.memory_space<vmem_shared>>) target_semaphore(%run_scoped3A : memref<!tpu.dma_semaphore, #tpu.memory_space<semaphore_mem>>)
        %dma_wait3A_266 = arith.constant 0 : i32
        %dma_wait3A_267 = tpu.memref_slice %arg11[%add3A_245, %dma_wait3A_266] : memref<10240x128xf32, #tpu.memory_space<vmem_shared>> -> memref<128x128xf32, #tpu.memory_space<vmem_shared>>
        %dma_wait3A_268 = arith.constant 0 : i32
        %dma_wait3A_269 = tpu.memref_slice %arg11[%add3A_245, %dma_wait3A_268] : memref<10240x128xf32, #tpu.memory_space<vmem_shared>> -> memref<128x128xf32, #tpu.memory_space<vmem_shared>>
        tpu.wait_dma2 semaphore(%run_scoped3A : memref<!tpu.dma_semaphore, #tpu.memory_space<semaphore_mem>>) src(%arg5 : memref<128x128xf32, #tpu.memory_space<vmem>>) dst(%dma_wait3A_269 : memref<128x128xf32, #tpu.memory_space<vmem_shared>>)
        tpu.yield
      }) : () -> ()
      %mul3A_246 = arith.constant 640 : i32
      %mul3A_247 = arith.muli %arg1, %mul3A_246 : i32
      %add3A_248 = arith.constant 128 : i32
      %add3A_249 = arith.addi %mul3A_247, %add3A_248 : i32
      "tpu.region"() ({
        %run_scoped3A = tpu.sem_alloc : memref<!tpu.dma_semaphore, #tpu.memory_space<semaphore_mem>>
        %dma_start3A_262 = arith.constant 0 : i32
        %dma_start3A_263 = tpu.memref_slice %arg11[%add3A_249, %dma_start3A_262] : memref<10240x128xf32, #tpu.memory_space<vmem_shared>> -> memref<128x128xf32, #tpu.memory_space<vmem_shared>>
        %dma_start3A_264 = arith.constant 0 : i32
        %dma_start3A_265 = tpu.memref_slice %arg11[%add3A_249, %dma_start3A_264] : memref<10240x128xf32, #tpu.memory_space<vmem_shared>> -> memref<128x128xf32, #tpu.memory_space<vmem_shared>>
        tpu.enqueue_dma source(%arg5 : memref<128x128xf32, #tpu.memory_space<vmem>>) target(%dma_start3A_265 : memref<128x128xf32, #tpu.memory_space<vmem_shared>>) target_semaphore(%run_scoped3A : memref<!tpu.dma_semaphore, #tpu.memory_space<semaphore_mem>>)
        %dma_wait3A_266 = arith.constant 0 : i32
        %dma_wait3A_267 = tpu.memref_slice %arg11[%add3A_249, %dma_wait3A_266] : memref<10240x128xf32, #tpu.memory_space<vmem_shared>> -> memref<128x128xf32, #tpu.memory_space<vmem_shared>>
        %dma_wait3A_268 = arith.constant 0 : i32
        %dma_wait3A_269 = tpu.memref_slice %arg11[%add3A_249, %dma_wait3A_268] : memref<10240x128xf32, #tpu.memory_space<vmem_shared>> -> memref<128x128xf32, #tpu.memory_space<vmem_shared>>
        tpu.wait_dma2 semaphore(%run_scoped3A : memref<!tpu.dma_semaphore, #tpu.memory_space<semaphore_mem>>) src(%arg5 : memref<128x128xf32, #tpu.memory_space<vmem>>) dst(%dma_wait3A_269 : memref<128x128xf32, #tpu.memory_space<vmem_shared>>)
        tpu.yield
      }) : () -> ()
      %mul3A_250 = arith.constant 640 : i32
      %mul3A_251 = arith.muli %arg1, %mul3A_250 : i32
      %add3A_252 = arith.constant 256 : i32
      %add3A_253 = arith.addi %mul3A_251, %add3A_252 : i32
      "tpu.region"() ({
        %run_scoped3A = tpu.sem_alloc : memref<!tpu.dma_semaphore, #tpu.memory_space<semaphore_mem>>
        %dma_start3A_262 = arith.constant 0 : i32
        %dma_start3A_263 = tpu.memref_slice %arg11[%add3A_253, %dma_start3A_262] : memref<10240x128xf32, #tpu.memory_space<vmem_shared>> -> memref<128x128xf32, #tpu.memory_space<vmem_shared>>
        %dma_start3A_264 = arith.constant 0 : i32
        %dma_start3A_265 = tpu.memref_slice %arg11[%add3A_253, %dma_start3A_264] : memref<10240x128xf32, #tpu.memory_space<vmem_shared>> -> memref<128x128xf32, #tpu.memory_space<vmem_shared>>
        tpu.enqueue_dma source(%arg5 : memref<128x128xf32, #tpu.memory_space<vmem>>) target(%dma_start3A_265 : memref<128x128xf32, #tpu.memory_space<vmem_shared>>) target_semaphore(%run_scoped3A : memref<!tpu.dma_semaphore, #tpu.memory_space<semaphore_mem>>)
        %dma_wait3A_266 = arith.constant 0 : i32
        %dma_wait3A_267 = tpu.memref_slice %arg11[%add3A_253, %dma_wait3A_266] : memref<10240x128xf32, #tpu.memory_space<vmem_shared>> -> memref<128x128xf32, #tpu.memory_space<vmem_shared>>
        %dma_wait3A_268 = arith.constant 0 : i32
        %dma_wait3A_269 = tpu.memref_slice %arg11[%add3A_253, %dma_wait3A_268] : memref<10240x128xf32, #tpu.memory_space<vmem_shared>> -> memref<128x128xf32, #tpu.memory_space<vmem_shared>>
        tpu.wait_dma2 semaphore(%run_scoped3A : memref<!tpu.dma_semaphore, #tpu.memory_space<semaphore_mem>>) src(%arg5 : memref<128x128xf32, #tpu.memory_space<vmem>>) dst(%dma_wait3A_269 : memref<128x128xf32, #tpu.memory_space<vmem_shared>>)
        tpu.yield
      }) : () -> ()
      %mul3A_254 = arith.constant 640 : i32
      %mul3A_255 = arith.muli %arg1, %mul3A_254 : i32
      %add3A_256 = arith.constant 384 : i32
      %add3A_257 = arith.addi %mul3A_255, %add3A_256 : i32
      "tpu.region"() ({
        %run_scoped3A = tpu.sem_alloc : memref<!tpu.dma_semaphore, #tpu.memory_space<semaphore_mem>>
        %dma_start3A_262 = arith.constant 0 : i32
        %dma_start3A_263 = tpu.memref_slice %arg11[%add3A_257, %dma_start3A_262] : memref<10240x128xf32, #tpu.memory_space<vmem_shared>> -> memref<128x128xf32, #tpu.memory_space<vmem_shared>>
        %dma_start3A_264 = arith.constant 0 : i32
        %dma_start3A_265 = tpu.memref_slice %arg11[%add3A_257, %dma_start3A_264] : memref<10240x128xf32, #tpu.memory_space<vmem_shared>> -> memref<128x128xf32, #tpu.memory_space<vmem_shared>>
        tpu.enqueue_dma source(%arg5 : memref<128x128xf32, #tpu.memory_space<vmem>>) target(%dma_start3A_265 : memref<128x128xf32, #tpu.memory_space<vmem_shared>>) target_semaphore(%run_scoped3A : memref<!tpu.dma_semaphore, #tpu.memory_space<semaphore_mem>>)
        %dma_wait3A_266 = arith.constant 0 : i32
        %dma_wait3A_267 = tpu.memref_slice %arg11[%add3A_257, %dma_wait3A_266] : memref<10240x128xf32, #tpu.memory_space<vmem_shared>> -> memref<128x128xf32, #tpu.memory_space<vmem_shared>>
        %dma_wait3A_268 = arith.constant 0 : i32
        %dma_wait3A_269 = tpu.memref_slice %arg11[%add3A_257, %dma_wait3A_268] : memref<10240x128xf32, #tpu.memory_space<vmem_shared>> -> memref<128x128xf32, #tpu.memory_space<vmem_shared>>
        tpu.wait_dma2 semaphore(%run_scoped3A : memref<!tpu.dma_semaphore, #tpu.memory_space<semaphore_mem>>) src(%arg5 : memref<128x128xf32, #tpu.memory_space<vmem>>) dst(%dma_wait3A_269 : memref<128x128xf32, #tpu.memory_space<vmem_shared>>)
        tpu.yield
      }) : () -> ()
      %mul3A_258 = arith.constant 640 : i32
      %mul3A_259 = arith.muli %arg1, %mul3A_258 : i32
      %add3A_260 = arith.constant 512 : i32
      %add3A_261 = arith.addi %mul3A_259, %add3A_260 : i32
      "tpu.region"() ({
        %run_scoped3A = tpu.sem_alloc : memref<!tpu.dma_semaphore, #tpu.memory_space<semaphore_mem>>
        %dma_start3A_262 = arith.constant 0 : i32
        %dma_start3A_263 = tpu.memref_slice %arg11[%add3A_261, %dma_start3A_262] : memref<10240x128xf32, #tpu.memory_space<vmem_shared>> -> memref<128x128xf32, #tpu.memory_space<vmem_shared>>
        %dma_start3A_264 = arith.constant 0 : i32
        %dma_start3A_265 = tpu.memref_slice %arg11[%add3A_261, %dma_start3A_264] : memref<10240x128xf32, #tpu.memory_space<vmem_shared>> -> memref<128x128xf32, #tpu.memory_space<vmem_shared>>
        tpu.enqueue_dma source(%arg5 : memref<128x128xf32, #tpu.memory_space<vmem>>) target(%dma_start3A_265 : memref<128x128xf32, #tpu.memory_space<vmem_shared>>) target_semaphore(%run_scoped3A : memref<!tpu.dma_semaphore, #tpu.memory_space<semaphore_mem>>)
        %dma_wait3A_266 = arith.constant 0 : i32
        %dma_wait3A_267 = tpu.memref_slice %arg11[%add3A_261, %dma_wait3A_266] : memref<10240x128xf32, #tpu.memory_space<vmem_shared>> -> memref<128x128xf32, #tpu.memory_space<vmem_shared>>
        %dma_wait3A_268 = arith.constant 0 : i32
        %dma_wait3A_269 = tpu.memref_slice %arg11[%add3A_261, %dma_wait3A_268] : memref<10240x128xf32, #tpu.memory_space<vmem_shared>> -> memref<128x128xf32, #tpu.memory_space<vmem_shared>>
        tpu.wait_dma2 semaphore(%run_scoped3A : memref<!tpu.dma_semaphore, #tpu.memory_space<semaphore_mem>>) src(%arg5 : memref<128x128xf32, #tpu.memory_space<vmem>>) dst(%dma_wait3A_269 : memref<128x128xf32, #tpu.memory_space<vmem_shared>>)
        tpu.yield
      }) : () -> ()
    } else {
    }
    %barrier3A = arith.constant 0 : index
    tpu.barrier barrier_id(%barrier3A)
    %dma_start3A = arith.constant 0 : i32
    %dma_start3A_10 = arith.constant 0 : i32
    %dma_start3A_11 = arith.constant 0 : i32
    %dma_start3A_12 = tpu.memref_slice %arg3[%add3A, %dma_start3A, %dma_start3A_10, %dma_start3A_11] : memref<32x82x2x128xi32, #tpu.memory_space<hbm>> -> memref<1x1x2x128xi32, #tpu.memory_space<hbm>>
    %dma_start3A_13 = tpu.memref_squeeze %dma_start3A_12 : memref<1x1x2x128xi32, #tpu.memory_space<hbm>> -> memref<2x128xi32, #tpu.memory_space<hbm>>
    %dma_start3A_14 = arith.constant 0 : i32
    %dma_start3A_15 = arith.constant 0 : i32
    %dma_start3A_16 = tpu.memref_slice %arg3[%add3A, %dma_start3A, %dma_start3A_14, %dma_start3A_15] : memref<32x82x2x128xi32, #tpu.memory_space<hbm>> -> memref<1x1x2x128xi32, #tpu.memory_space<hbm>>
    %dma_start3A_17 = tpu.memref_squeeze %dma_start3A_16 : memref<1x1x2x128xi32, #tpu.memory_space<hbm>> -> memref<2x128xi32, #tpu.memory_space<hbm>>
    tpu.enqueue_dma source(%dma_start3A_17 : memref<2x128xi32, #tpu.memory_space<hbm>>) target(%arg7 : memref<2x128xi32, #tpu.memory_space<vmem>>) target_semaphore(%arg16 : memref<!tpu.dma_semaphore, #tpu.memory_space<semaphore_mem>>)
    %dma_start3A_18 = arith.constant 1 : i32
    %dma_start3A_19 = arith.constant 0 : i32
    %dma_start3A_20 = arith.constant 0 : i32
    %dma_start3A_21 = tpu.memref_slice %arg3[%add3A, %dma_start3A_18, %dma_start3A_19, %dma_start3A_20] : memref<32x82x2x128xi32, #tpu.memory_space<hbm>> -> memref<1x1x2x128xi32, #tpu.memory_space<hbm>>
    %dma_start3A_22 = tpu.memref_squeeze %dma_start3A_21 : memref<1x1x2x128xi32, #tpu.memory_space<hbm>> -> memref<2x128xi32, #tpu.memory_space<hbm>>
    %dma_start3A_23 = arith.constant 0 : i32
    %dma_start3A_24 = arith.constant 0 : i32
    %dma_start3A_25 = tpu.memref_slice %arg3[%add3A, %dma_start3A_18, %dma_start3A_23, %dma_start3A_24] : memref<32x82x2x128xi32, #tpu.memory_space<hbm>> -> memref<1x1x2x128xi32, #tpu.memory_space<hbm>>
    %dma_start3A_26 = tpu.memref_squeeze %dma_start3A_25 : memref<1x1x2x128xi32, #tpu.memory_space<hbm>> -> memref<2x128xi32, #tpu.memory_space<hbm>>
    tpu.enqueue_dma source(%dma_start3A_26 : memref<2x128xi32, #tpu.memory_space<hbm>>) target(%arg8 : memref<2x128xi32, #tpu.memory_space<vmem>>) target_semaphore(%arg17 : memref<!tpu.dma_semaphore, #tpu.memory_space<semaphore_mem>>)
    %dma_start3A_27 = arith.constant 2 : i32
    %dma_start3A_28 = arith.constant 0 : i32
    %dma_start3A_29 = arith.constant 0 : i32
    %dma_start3A_30 = tpu.memref_slice %arg3[%add3A, %dma_start3A_27, %dma_start3A_28, %dma_start3A_29] : memref<32x82x2x128xi32, #tpu.memory_space<hbm>> -> memref<1x1x2x128xi32, #tpu.memory_space<hbm>>
    %dma_start3A_31 = tpu.memref_squeeze %dma_start3A_30 : memref<1x1x2x128xi32, #tpu.memory_space<hbm>> -> memref<2x128xi32, #tpu.memory_space<hbm>>
    %dma_start3A_32 = arith.constant 0 : i32
    %dma_start3A_33 = arith.constant 0 : i32
    %dma_start3A_34 = tpu.memref_slice %arg3[%add3A, %dma_start3A_27, %dma_start3A_32, %dma_start3A_33] : memref<32x82x2x128xi32, #tpu.memory_space<hbm>> -> memref<1x1x2x128xi32, #tpu.memory_space<hbm>>
    %dma_start3A_35 = tpu.memref_squeeze %dma_start3A_34 : memref<1x1x2x128xi32, #tpu.memory_space<hbm>> -> memref<2x128xi32, #tpu.memory_space<hbm>>
    tpu.enqueue_dma source(%dma_start3A_35 : memref<2x128xi32, #tpu.memory_space<hbm>>) target(%arg9 : memref<2x128xi32, #tpu.memory_space<vmem>>) target_semaphore(%arg18 : memref<!tpu.dma_semaphore, #tpu.memory_space<semaphore_mem>>)
    %dma_wait3A = arith.constant 0 : i32
    %dma_wait3A_36 = arith.constant 0 : i32
    %dma_wait3A_37 = arith.constant 0 : i32
    %dma_wait3A_38 = tpu.memref_slice %arg3[%add3A, %dma_wait3A, %dma_wait3A_36, %dma_wait3A_37] : memref<32x82x2x128xi32, #tpu.memory_space<hbm>> -> memref<1x1x2x128xi32, #tpu.memory_space<hbm>>
    %dma_wait3A_39 = tpu.memref_squeeze %dma_wait3A_38 : memref<1x1x2x128xi32, #tpu.memory_space<hbm>> -> memref<2x128xi32, #tpu.memory_space<hbm>>
    %dma_wait3A_40 = arith.constant 0 : i32
    %dma_wait3A_41 = arith.constant 0 : i32
    %dma_wait3A_42 = tpu.memref_slice %arg3[%add3A, %dma_wait3A, %dma_wait3A_40, %dma_wait3A_41] : memref<32x82x2x128xi32, #tpu.memory_space<hbm>> -> memref<1x1x2x128xi32, #tpu.memory_space<hbm>>
    %dma_wait3A_43 = tpu.memref_squeeze %dma_wait3A_42 : memref<1x1x2x128xi32, #tpu.memory_space<hbm>> -> memref<2x128xi32, #tpu.memory_space<hbm>>
    tpu.wait_dma2 semaphore(%arg16 : memref<!tpu.dma_semaphore, #tpu.memory_space<semaphore_mem>>) src(%dma_wait3A_43 : memref<2x128xi32, #tpu.memory_space<hbm>>) dst(%arg7 : memref<2x128xi32, #tpu.memory_space<vmem>>)
    %dma_start3A_44 = arith.constant 0 : i32
    %dma_start3A_45 = arith.constant 0 : i32
    %dma_start3A_46 = tpu.memref_slice %arg7[%dma_start3A_44, %dma_start3A_45] : memref<2x128xi32, #tpu.memory_space<vmem>> -> memref<1x128xi32, #tpu.memory_space<vmem>>
    %dma_start3A_47 = tpu.memref_squeeze %dma_start3A_46 : memref<1x128xi32, #tpu.memory_space<vmem>> -> memref<128xi32, #tpu.memory_space<vmem>>
    %dma_start3A_48 = arith.constant 0 : i32
    %dma_start3A_49 = arith.constant 0 : i32
    %dma_start3A_50 = tpu.memref_slice %arg2[%dma_start3A_48, %dma_start3A_49] : memref<10240x128xf32, #tpu.memory_space<hbm>> -> memref<10240x128xf32, #tpu.memory_space<hbm>>
    tpu.enqueue_indirect_dma source(%dma_start3A_50 : memref<10240x128xf32, #tpu.memory_space<hbm>>) target(%arg5 : memref<128x128xf32, #tpu.memory_space<vmem>>) offsets(%dma_start3A_47 : memref<128xi32, #tpu.memory_space<vmem>>) semaphore(%arg12 : memref<!tpu.dma_semaphore, #tpu.memory_space<semaphore_mem>>)
    %dma_wait3A_51 = arith.constant 0 : i32
    %dma_wait3A_52 = arith.constant 0 : i32
    %dma_wait3A_53 = tpu.memref_slice %arg7[%dma_wait3A_51, %dma_wait3A_52] : memref<2x128xi32, #tpu.memory_space<vmem>> -> memref<1x128xi32, #tpu.memory_space<vmem>>
    %dma_wait3A_54 = tpu.memref_squeeze %dma_wait3A_53 : memref<1x128xi32, #tpu.memory_space<vmem>> -> memref<128xi32, #tpu.memory_space<vmem>>
    %dma_wait3A_55 = arith.constant 0 : i32
    %dma_wait3A_56 = arith.constant 0 : i32
    %dma_wait3A_57 = tpu.memref_slice %arg2[%dma_wait3A_55, %dma_wait3A_56] : memref<10240x128xf32, #tpu.memory_space<hbm>> -> memref<10240x128xf32, #tpu.memory_space<hbm>>
    tpu.wait_indirect_dma semaphore(%arg12 : memref<!tpu.dma_semaphore, #tpu.memory_space<semaphore_mem>>) src(%dma_wait3A_57 : memref<10240x128xf32, #tpu.memory_space<hbm>>) dst(%arg5 : memref<128x128xf32, #tpu.memory_space<vmem>>)
    %dma_start3A_58 = arith.constant 1 : i32
    %dma_start3A_59 = arith.constant 0 : i32
    %dma_start3A_60 = tpu.memref_slice %arg7[%dma_start3A_58, %dma_start3A_59] : memref<2x128xi32, #tpu.memory_space<vmem>> -> memref<1x128xi32, #tpu.memory_space<vmem>>
    %dma_start3A_61 = tpu.memref_squeeze %dma_start3A_60 : memref<1x128xi32, #tpu.memory_space<vmem>> -> memref<128xi32, #tpu.memory_space<vmem>>
    %dma_start3A_62 = arith.constant 0 : i32
    %dma_start3A_63 = arith.constant 0 : i32
    %dma_start3A_64 = tpu.memref_slice %arg11[%dma_start3A_62, %dma_start3A_63] : memref<10240x128xf32, #tpu.memory_space<vmem_shared>> -> memref<10240x128xf32, #tpu.memory_space<vmem_shared>>
    tpu.enqueue_indirect_dma source(%arg5 : memref<128x128xf32, #tpu.memory_space<vmem>>) target(%dma_start3A_64 : memref<10240x128xf32, #tpu.memory_space<vmem_shared>>) offsets(%dma_start3A_61 : memref<128xi32, #tpu.memory_space<vmem>>) semaphore(%arg14 : memref<!tpu.dma_semaphore, #tpu.memory_space<semaphore_mem>>) {add = true}
    %dma_start3A_65 = arith.constant 3 : i32
    %dma_start3A_66 = arith.constant 0 : i32
    %dma_start3A_67 = arith.constant 0 : i32
    %dma_start3A_68 = tpu.memref_slice %arg3[%add3A, %dma_start3A_65, %dma_start3A_66, %dma_start3A_67] : memref<32x82x2x128xi32, #tpu.memory_space<hbm>> -> memref<1x1x2x128xi32, #tpu.memory_space<hbm>>
    %dma_start3A_69 = tpu.memref_squeeze %dma_start3A_68 : memref<1x1x2x128xi32, #tpu.memory_space<hbm>> -> memref<2x128xi32, #tpu.memory_space<hbm>>
    %dma_start3A_70 = arith.constant 0 : i32
    %dma_start3A_71 = arith.constant 0 : i32
    %dma_start3A_72 = tpu.memref_slice %arg3[%add3A, %dma_start3A_65, %dma_start3A_70, %dma_start3A_71] : memref<32x82x2x128xi32, #tpu.memory_space<hbm>> -> memref<1x1x2x128xi32, #tpu.memory_space<hbm>>
    %dma_start3A_73 = tpu.memref_squeeze %dma_start3A_72 : memref<1x1x2x128xi32, #tpu.memory_space<hbm>> -> memref<2x128xi32, #tpu.memory_space<hbm>>
    tpu.enqueue_dma source(%dma_start3A_73 : memref<2x128xi32, #tpu.memory_space<hbm>>) target(%arg10 : memref<2x128xi32, #tpu.memory_space<vmem>>) target_semaphore(%arg19 : memref<!tpu.dma_semaphore, #tpu.memory_space<semaphore_mem>>)
    %dma_wait3A_74 = arith.constant 0 : i32
    %dma_wait3A_75 = arith.constant 0 : i32
    %dma_wait3A_76 = arith.constant 0 : i32
    %dma_wait3A_77 = tpu.memref_slice %arg3[%add3A, %dma_wait3A_74, %dma_wait3A_75, %dma_wait3A_76] : memref<32x82x2x128xi32, #tpu.memory_space<hbm>> -> memref<1x1x2x128xi32, #tpu.memory_space<hbm>>
    %dma_wait3A_78 = tpu.memref_squeeze %dma_wait3A_77 : memref<1x1x2x128xi32, #tpu.memory_space<hbm>> -> memref<2x128xi32, #tpu.memory_space<hbm>>
    %dma_wait3A_79 = arith.constant 0 : i32
    %dma_wait3A_80 = arith.constant 0 : i32
    %dma_wait3A_81 = tpu.memref_slice %arg3[%add3A, %dma_wait3A_74, %dma_wait3A_79, %dma_wait3A_80] : memref<32x82x2x128xi32, #tpu.memory_space<hbm>> -> memref<1x1x2x128xi32, #tpu.memory_space<hbm>>
    %dma_wait3A_82 = tpu.memref_squeeze %dma_wait3A_81 : memref<1x1x2x128xi32, #tpu.memory_space<hbm>> -> memref<2x128xi32, #tpu.memory_space<hbm>>
    tpu.wait_dma2 semaphore(%arg17 : memref<!tpu.dma_semaphore, #tpu.memory_space<semaphore_mem>>) src(%dma_wait3A_82 : memref<2x128xi32, #tpu.memory_space<hbm>>) dst(%arg8 : memref<2x128xi32, #tpu.memory_space<vmem>>)
    %dma_start3A_83 = arith.constant 0 : i32
    %dma_start3A_84 = arith.constant 0 : i32
    %dma_start3A_85 = tpu.memref_slice %arg8[%dma_start3A_83, %dma_start3A_84] : memref<2x128xi32, #tpu.memory_space<vmem>> -> memref<1x128xi32, #tpu.memory_space<vmem>>
    %dma_start3A_86 = tpu.memref_squeeze %dma_start3A_85 : memref<1x128xi32, #tpu.memory_space<vmem>> -> memref<128xi32, #tpu.memory_space<vmem>>
    %dma_start3A_87 = arith.constant 0 : i32
    %dma_start3A_88 = arith.constant 0 : i32
    %dma_start3A_89 = tpu.memref_slice %arg2[%dma_start3A_87, %dma_start3A_88] : memref<10240x128xf32, #tpu.memory_space<hbm>> -> memref<10240x128xf32, #tpu.memory_space<hbm>>
    tpu.enqueue_indirect_dma source(%dma_start3A_89 : memref<10240x128xf32, #tpu.memory_space<hbm>>) target(%arg6 : memref<128x128xf32, #tpu.memory_space<vmem>>) offsets(%dma_start3A_86 : memref<128xi32, #tpu.memory_space<vmem>>) semaphore(%arg13 : memref<!tpu.dma_semaphore, #tpu.memory_space<semaphore_mem>>)
    %dma_wait3A_90 = arith.constant 0 : i32
    %dma_wait3A_91 = arith.constant 0 : i32
    %dma_wait3A_92 = tpu.memref_slice %arg8[%dma_wait3A_90, %dma_wait3A_91] : memref<2x128xi32, #tpu.memory_space<vmem>> -> memref<1x128xi32, #tpu.memory_space<vmem>>
    %dma_wait3A_93 = tpu.memref_squeeze %dma_wait3A_92 : memref<1x128xi32, #tpu.memory_space<vmem>> -> memref<128xi32, #tpu.memory_space<vmem>>
    %dma_wait3A_94 = arith.constant 0 : i32
    %dma_wait3A_95 = arith.constant 0 : i32
    %dma_wait3A_96 = tpu.memref_slice %arg2[%dma_wait3A_94, %dma_wait3A_95] : memref<10240x128xf32, #tpu.memory_space<hbm>> -> memref<10240x128xf32, #tpu.memory_space<hbm>>
    tpu.wait_indirect_dma semaphore(%arg13 : memref<!tpu.dma_semaphore, #tpu.memory_space<semaphore_mem>>) src(%dma_wait3A_96 : memref<10240x128xf32, #tpu.memory_space<hbm>>) dst(%arg6 : memref<128x128xf32, #tpu.memory_space<vmem>>)
    %dma_start3A_97 = arith.constant 1 : i32
    %dma_start3A_98 = arith.constant 0 : i32
    %dma_start3A_99 = tpu.memref_slice %arg8[%dma_start3A_97, %dma_start3A_98] : memref<2x128xi32, #tpu.memory_space<vmem>> -> memref<1x128xi32, #tpu.memory_space<vmem>>
    %dma_start3A_100 = tpu.memref_squeeze %dma_start3A_99 : memref<1x128xi32, #tpu.memory_space<vmem>> -> memref<128xi32, #tpu.memory_space<vmem>>
    %dma_start3A_101 = arith.constant 0 : i32
    %dma_start3A_102 = arith.constant 0 : i32
    %dma_start3A_103 = tpu.memref_slice %arg11[%dma_start3A_101, %dma_start3A_102] : memref<10240x128xf32, #tpu.memory_space<vmem_shared>> -> memref<10240x128xf32, #tpu.memory_space<vmem_shared>>
    tpu.enqueue_indirect_dma source(%arg6 : memref<128x128xf32, #tpu.memory_space<vmem>>) target(%dma_start3A_103 : memref<10240x128xf32, #tpu.memory_space<vmem_shared>>) offsets(%dma_start3A_100 : memref<128xi32, #tpu.memory_space<vmem>>) semaphore(%arg15 : memref<!tpu.dma_semaphore, #tpu.memory_space<semaphore_mem>>) {add = true}
    %dma_wait3A_104 = arith.constant 1 : i32
    %dma_wait3A_105 = arith.constant 0 : i32
    %dma_wait3A_106 = tpu.memref_slice %arg9[%dma_wait3A_104, %dma_wait3A_105] : memref<2x128xi32, #tpu.memory_space<vmem>> -> memref<1x128xi32, #tpu.memory_space<vmem>>
    %dma_wait3A_107 = tpu.memref_squeeze %dma_wait3A_106 : memref<1x128xi32, #tpu.memory_space<vmem>> -> memref<128xi32, #tpu.memory_space<vmem>>
    %dma_wait3A_108 = arith.constant 0 : i32
    %dma_wait3A_109 = arith.constant 0 : i32
    %dma_wait3A_110 = tpu.memref_slice %arg11[%dma_wait3A_108, %dma_wait3A_109] : memref<10240x128xf32, #tpu.memory_space<vmem_shared>> -> memref<10240x128xf32, #tpu.memory_space<vmem_shared>>
    tpu.wait_indirect_dma semaphore(%arg14 : memref<!tpu.dma_semaphore, #tpu.memory_space<semaphore_mem>>) src(%arg5 : memref<128x128xf32, #tpu.memory_space<vmem>>) dst(%dma_wait3A_110 : memref<10240x128xf32, #tpu.memory_space<vmem_shared>>)
    %dma_start3A_111 = arith.constant 4 : i32
    %dma_start3A_112 = arith.constant 0 : i32
    %dma_start3A_113 = arith.constant 0 : i32
    %dma_start3A_114 = tpu.memref_slice %arg3[%add3A, %dma_start3A_111, %dma_start3A_112, %dma_start3A_113] : memref<32x82x2x128xi32, #tpu.memory_space<hbm>> -> memref<1x1x2x128xi32, #tpu.memory_space<hbm>>
    %dma_start3A_115 = tpu.memref_squeeze %dma_start3A_114 : memref<1x1x2x128xi32, #tpu.memory_space<hbm>> -> memref<2x128xi32, #tpu.memory_space<hbm>>
    %dma_start3A_116 = arith.constant 0 : i32
    %dma_start3A_117 = arith.constant 0 : i32
    %dma_start3A_118 = tpu.memref_slice %arg3[%add3A, %dma_start3A_111, %dma_start3A_116, %dma_start3A_117] : memref<32x82x2x128xi32, #tpu.memory_space<hbm>> -> memref<1x1x2x128xi32, #tpu.memory_space<hbm>>
    %dma_start3A_119 = tpu.memref_squeeze %dma_start3A_118 : memref<1x1x2x128xi32, #tpu.memory_space<hbm>> -> memref<2x128xi32, #tpu.memory_space<hbm>>
    tpu.enqueue_dma source(%dma_start3A_119 : memref<2x128xi32, #tpu.memory_space<hbm>>) target(%arg7 : memref<2x128xi32, #tpu.memory_space<vmem>>) target_semaphore(%arg16 : memref<!tpu.dma_semaphore, #tpu.memory_space<semaphore_mem>>)
    %dma_wait3A_120 = arith.constant 0 : i32
    %dma_wait3A_121 = arith.constant 0 : i32
    %dma_wait3A_122 = arith.constant 0 : i32
    %dma_wait3A_123 = tpu.memref_slice %arg3[%add3A, %dma_wait3A_120, %dma_wait3A_121, %dma_wait3A_122] : memref<32x82x2x128xi32, #tpu.memory_space<hbm>> -> memref<1x1x2x128xi32, #tpu.memory_space<hbm>>
    %dma_wait3A_124 = tpu.memref_squeeze %dma_wait3A_123 : memref<1x1x2x128xi32, #tpu.memory_space<hbm>> -> memref<2x128xi32, #tpu.memory_space<hbm>>
    %dma_wait3A_125 = arith.constant 0 : i32
    %dma_wait3A_126 = arith.constant 0 : i32
    %dma_wait3A_127 = tpu.memref_slice %arg3[%add3A, %dma_wait3A_120, %dma_wait3A_125, %dma_wait3A_126] : memref<32x82x2x128xi32, #tpu.memory_space<hbm>> -> memref<1x1x2x128xi32, #tpu.memory_space<hbm>>
    %dma_wait3A_128 = tpu.memref_squeeze %dma_wait3A_127 : memref<1x1x2x128xi32, #tpu.memory_space<hbm>> -> memref<2x128xi32, #tpu.memory_space<hbm>>
    tpu.wait_dma2 semaphore(%arg18 : memref<!tpu.dma_semaphore, #tpu.memory_space<semaphore_mem>>) src(%dma_wait3A_128 : memref<2x128xi32, #tpu.memory_space<hbm>>) dst(%arg9 : memref<2x128xi32, #tpu.memory_space<vmem>>)
    %dma_start3A_129 = arith.constant 0 : i32
    %dma_start3A_130 = arith.constant 0 : i32
    %dma_start3A_131 = tpu.memref_slice %arg9[%dma_start3A_129, %dma_start3A_130] : memref<2x128xi32, #tpu.memory_space<vmem>> -> memref<1x128xi32, #tpu.memory_space<vmem>>
    %dma_start3A_132 = tpu.memref_squeeze %dma_start3A_131 : memref<1x128xi32, #tpu.memory_space<vmem>> -> memref<128xi32, #tpu.memory_space<vmem>>
    %dma_start3A_133 = arith.constant 0 : i32
    %dma_start3A_134 = arith.constant 0 : i32
    %dma_start3A_135 = tpu.memref_slice %arg2[%dma_start3A_133, %dma_start3A_134] : memref<10240x128xf32, #tpu.memory_space<hbm>> -> memref<10240x128xf32, #tpu.memory_space<hbm>>
    tpu.enqueue_indirect_dma source(%dma_start3A_135 : memref<10240x128xf32, #tpu.memory_space<hbm>>) target(%arg5 : memref<128x128xf32, #tpu.memory_space<vmem>>) offsets(%dma_start3A_132 : memref<128xi32, #tpu.memory_space<vmem>>) semaphore(%arg12 : memref<!tpu.dma_semaphore, #tpu.memory_space<semaphore_mem>>)
    %dma_wait3A_136 = arith.constant 0 : i32
    %dma_wait3A_137 = arith.constant 0 : i32
    %dma_wait3A_138 = tpu.memref_slice %arg9[%dma_wait3A_136, %dma_wait3A_137] : memref<2x128xi32, #tpu.memory_space<vmem>> -> memref<1x128xi32, #tpu.memory_space<vmem>>
    %dma_wait3A_139 = tpu.memref_squeeze %dma_wait3A_138 : memref<1x128xi32, #tpu.memory_space<vmem>> -> memref<128xi32, #tpu.memory_space<vmem>>
    %dma_wait3A_140 = arith.constant 0 : i32
    %dma_wait3A_141 = arith.constant 0 : i32
    %dma_wait3A_142 = tpu.memref_slice %arg2[%dma_wait3A_140, %dma_wait3A_141] : memref<10240x128xf32, #tpu.memory_space<hbm>> -> memref<10240x128xf32, #tpu.memory_space<hbm>>
    tpu.wait_indirect_dma semaphore(%arg12 : memref<!tpu.dma_semaphore, #tpu.memory_space<semaphore_mem>>) src(%dma_wait3A_142 : memref<10240x128xf32, #tpu.memory_space<hbm>>) dst(%arg5 : memref<128x128xf32, #tpu.memory_space<vmem>>)
    %dma_start3A_143 = arith.constant 1 : i32
    %dma_start3A_144 = arith.constant 0 : i32
    %dma_start3A_145 = tpu.memref_slice %arg9[%dma_start3A_143, %dma_start3A_144] : memref<2x128xi32, #tpu.memory_space<vmem>> -> memref<1x128xi32, #tpu.memory_space<vmem>>
    %dma_start3A_146 = tpu.memref_squeeze %dma_start3A_145 : memref<1x128xi32, #tpu.memory_space<vmem>> -> memref<128xi32, #tpu.memory_space<vmem>>
    %dma_start3A_147 = arith.constant 0 : i32
    %dma_start3A_148 = arith.constant 0 : i32
    %dma_start3A_149 = tpu.memref_slice %arg11[%dma_start3A_147, %dma_start3A_148] : memref<10240x128xf32, #tpu.memory_space<vmem_shared>> -> memref<10240x128xf32, #tpu.memory_space<vmem_shared>>
    tpu.enqueue_indirect_dma source(%arg5 : memref<128x128xf32, #tpu.memory_space<vmem>>) target(%dma_start3A_149 : memref<10240x128xf32, #tpu.memory_space<vmem_shared>>) offsets(%dma_start3A_146 : memref<128xi32, #tpu.memory_space<vmem>>) semaphore(%arg14 : memref<!tpu.dma_semaphore, #tpu.memory_space<semaphore_mem>>) {add = true}
    %dma_wait3A_150 = arith.constant 1 : i32
    %dma_wait3A_151 = arith.constant 0 : i32
    %dma_wait3A_152 = tpu.memref_slice %arg10[%dma_wait3A_150, %dma_wait3A_151] : memref<2x128xi32, #tpu.memory_space<vmem>> -> memref<1x128xi32, #tpu.memory_space<vmem>>
    %dma_wait3A_153 = tpu.memref_squeeze %dma_wait3A_152 : memref<1x128xi32, #tpu.memory_space<vmem>> -> memref<128xi32, #tpu.memory_space<vmem>>
    %dma_wait3A_154 = arith.constant 0 : i32
    %dma_wait3A_155 = arith.constant 0 : i32
    %dma_wait3A_156 = tpu.memref_slice %arg11[%dma_wait3A_154, %dma_wait3A_155] : memref<10240x128xf32, #tpu.memory_space<vmem_shared>> -> memref<10240x128xf32, #tpu.memory_space<vmem_shared>>
    tpu.wait_indirect_dma semaphore(%arg15 : memref<!tpu.dma_semaphore, #tpu.memory_space<semaphore_mem>>) src(%arg6 : memref<128x128xf32, #tpu.memory_space<vmem>>) dst(%dma_wait3A_156 : memref<10240x128xf32, #tpu.memory_space<vmem_shared>>)
    %dma_start3A_157 = arith.constant 5 : i32
    %dma_start3A_158 = arith.constant 0 : i32
    %dma_start3A_159 = arith.constant 0 : i32
    %dma_start3A_160 = tpu.memref_slice %arg3[%add3A, %dma_start3A_157, %dma_start3A_158, %dma_start3A_159] : memref<32x82x2x128xi32, #tpu.memory_space<hbm>> -> memref<1x1x2x128xi32, #tpu.memory_space<hbm>>
    %dma_start3A_161 = tpu.memref_squeeze %dma_start3A_160 : memref<1x1x2x128xi32, #tpu.memory_space<hbm>> -> memref<2x128xi32, #tpu.memory_space<hbm>>
    %dma_start3A_162 = arith.constant 0 : i32
    %dma_start3A_163 = arith.constant 0 : i32
    %dma_start3A_164 = tpu.memref_slice %arg3[%add3A, %dma_start3A_157, %dma_start3A_162, %dma_start3A_163] : memref<32x82x2x128xi32, #tpu.memory_space<hbm>> -> memref<1x1x2x128xi32, #tpu.memory_space<hbm>>
    %dma_start3A_165 = tpu.memref_squeeze %dma_start3A_164 : memref<1x1x2x128xi32, #tpu.memory_space<hbm>> -> memref<2x128xi32, #tpu.memory_space<hbm>>
    tpu.enqueue_dma source(%dma_start3A_165 : memref<2x128xi32, #tpu.memory_space<hbm>>) target(%arg8 : memref<2x128xi32, #tpu.memory_space<vmem>>) target_semaphore(%arg17 : memref<!tpu.dma_semaphore, #tpu.memory_space<semaphore_mem>>)
    %dma_wait3A_166 = arith.constant 0 : i32
    %dma_wait3A_167 = arith.constant 0 : i32
    %dma_wait3A_168 = arith.constant 0 : i32
    %dma_wait3A_169 = tpu.memref_slice %arg3[%add3A, %dma_wait3A_166, %dma_wait3A_167, %dma_wait3A_168] : memref<32x82x2x128xi32, #tpu.memory_space<hbm>> -> memref<1x1x2x128xi32, #tpu.memory_space<hbm>>
    %dma_wait3A_170 = tpu.memref_squeeze %dma_wait3A_169 : memref<1x1x2x128xi32, #tpu.memory_space<hbm>> -> memref<2x128xi32, #tpu.memory_space<hbm>>
    %dma_wait3A_171 = arith.constant 0 : i32
    %dma_wait3A_172 = arith.constant 0 : i32
    %dma_wait3A_173 = tpu.memref_slice %arg3[%add3A, %dma_wait3A_166, %dma_wait3A_171, %dma_wait3A_172] : memref<32x82x2x128xi32, #tpu.memory_space<hbm>> -> memref<1x1x2x128xi32, #tpu.memory_space<hbm>>
    %dma_wait3A_174 = tpu.memref_squeeze %dma_wait3A_173 : memref<1x1x2x128xi32, #tpu.memory_space<hbm>> -> memref<2x128xi32, #tpu.memory_space<hbm>>
    tpu.wait_dma2 semaphore(%arg19 : memref<!tpu.dma_semaphore, #tpu.memory_space<semaphore_mem>>) src(%dma_wait3A_174 : memref<2x128xi32, #tpu.memory_space<hbm>>) dst(%arg10 : memref<2x128xi32, #tpu.memory_space<vmem>>)
    %dma_start3A_175 = arith.constant 0 : i32
    %dma_start3A_176 = arith.constant 0 : i32
    %dma_start3A_177 = tpu.memref_slice %arg10[%dma_start3A_175, %dma_start3A_176] : memref<2x128xi32, #tpu.memory_space<vmem>> -> memref<1x128xi32, #tpu.memory_space<vmem>>
    %dma_start3A_178 = tpu.memref_squeeze %dma_start3A_177 : memref<1x128xi32, #tpu.memory_space<vmem>> -> memref<128xi32, #tpu.memory_space<vmem>>
    %dma_start3A_179 = arith.constant 0 : i32
    %dma_start3A_180 = arith.constant 0 : i32
    %dma_start3A_181 = tpu.memref_slice %arg2[%dma_start3A_179, %dma_start3A_180] : memref<10240x128xf32, #tpu.memory_space<hbm>> -> memref<10240x128xf32, #tpu.memory_space<hbm>>
    tpu.enqueue_indirect_dma source(%dma_start3A_181 : memref<10240x128xf32, #tpu.memory_space<hbm>>) target(%arg6 : memref<128x128xf32, #tpu.memory_space<vmem>>) offsets(%dma_start3A_178 : memref<128xi32, #tpu.memory_space<vmem>>) semaphore(%arg13 : memref<!tpu.dma_semaphore, #tpu.memory_space<semaphore_mem>>)
    %dma_wait3A_182 = arith.constant 0 : i32
    %dma_wait3A_183 = arith.constant 0 : i32
    %dma_wait3A_184 = tpu.memref_slice %arg10[%dma_wait3A_182, %dma_wait3A_183] : memref<2x128xi32, #tpu.memory_space<vmem>> -> memref<1x128xi32, #tpu.memory_space<vmem>>
    %dma_wait3A_185 = tpu.memref_squeeze %dma_wait3A_184 : memref<1x128xi32, #tpu.memory_space<vmem>> -> memref<128xi32, #tpu.memory_space<vmem>>
    %dma_wait3A_186 = arith.constant 0 : i32
    %dma_wait3A_187 = arith.constant 0 : i32
    %dma_wait3A_188 = tpu.memref_slice %arg2[%dma_wait3A_186, %dma_wait3A_187] : memref<10240x128xf32, #tpu.memory_space<hbm>> -> memref<10240x128xf32, #tpu.memory_space<hbm>>
    tpu.wait_indirect_dma semaphore(%arg13 : memref<!tpu.dma_semaphore, #tpu.memory_space<semaphore_mem>>) src(%dma_wait3A_188 : memref<10240x128xf32, #tpu.memory_space<hbm>>) dst(%arg6 : memref<128x128xf32, #tpu.memory_space<vmem>>)
    %dma_start3A_189 = arith.constant 1 : i32
    %dma_start3A_190 = arith.constant 0 : i32
    %dma_start3A_191 = tpu.memref_slice %arg10[%dma_start3A_189, %dma_start3A_190] : memref<2x128xi32, #tpu.memory_space<vmem>> -> memref<1x128xi32, #tpu.memory_space<vmem>>
    %dma_start3A_192 = tpu.memref_squeeze %dma_start3A_191 : memref<1x128xi32, #tpu.memory_space<vmem>> -> memref<128xi32, #tpu.memory_space<vmem>>
    %dma_start3A_193 = arith.constant 0 : i32
    %dma_start3A_194 = arith.constant 0 : i32
    %dma_start3A_195 = tpu.memref_slice %arg11[%dma_start3A_193, %dma_start3A_194] : memref<10240x128xf32, #tpu.memory_space<vmem_shared>> -> memref<10240x128xf32, #tpu.memory_space<vmem_shared>>
    tpu.enqueue_indirect_dma source(%arg6 : memref<128x128xf32, #tpu.memory_space<vmem>>) target(%dma_start3A_195 : memref<10240x128xf32, #tpu.memory_space<vmem_shared>>) offsets(%dma_start3A_192 : memref<128xi32, #tpu.memory_space<vmem>>) semaphore(%arg15 : memref<!tpu.dma_semaphore, #tpu.memory_space<semaphore_mem>>) {add = true}
    %scan3A = arith.constant 0 : i32
    %scan3A_196 = arith.constant 19 : i32
    %scan3A_197 = arith.addi %scan3A, %scan3A_196 : i32
    %scan3A_198 = arith.constant 1 : i32
    scf.for %scan3A_237 = %scan3A to %scan3A_197 step %scan3A_198  : i32 {
      %mul3A_238 = arith.constant 4 : i32
      %mul3A_239 = arith.muli %scan3A_237, %mul3A_238 : i32
      %add3A_240 = arith.constant 4 : i32
      %add3A_241 = arith.addi %add3A_240, %mul3A_239 : i32
      %dma_wait3A_242 = arith.constant 1 : i32
      %dma_wait3A_243 = arith.constant 0 : i32
      %dma_wait3A_244 = tpu.memref_slice %arg7[%dma_wait3A_242, %dma_wait3A_243] : memref<2x128xi32, #tpu.memory_space<vmem>> -> memref<1x128xi32, #tpu.memory_space<vmem>>
      %dma_wait3A_245 = tpu.memref_squeeze %dma_wait3A_244 : memref<1x128xi32, #tpu.memory_space<vmem>> -> memref<128xi32, #tpu.memory_space<vmem>>
      %dma_wait3A_246 = arith.constant 0 : i32
      %dma_wait3A_247 = arith.constant 0 : i32
      %dma_wait3A_248 = tpu.memref_slice %arg11[%dma_wait3A_246, %dma_wait3A_247] : memref<10240x128xf32, #tpu.memory_space<vmem_shared>> -> memref<10240x128xf32, #tpu.memory_space<vmem_shared>>
      tpu.wait_indirect_dma semaphore(%arg14 : memref<!tpu.dma_semaphore, #tpu.memory_space<semaphore_mem>>) src(%arg5 : memref<128x128xf32, #tpu.memory_space<vmem>>) dst(%dma_wait3A_248 : memref<10240x128xf32, #tpu.memory_space<vmem_shared>>)
      %add3A_249 = arith.constant 2 : i32
      %add3A_250 = arith.addi %add3A_241, %add3A_249 : i32
      %dma_start3A_251 = arith.constant 0 : i32
      %dma_start3A_252 = arith.constant 0 : i32
      %dma_start3A_253 = tpu.memref_slice %arg3[%add3A, %add3A_250, %dma_start3A_251, %dma_start3A_252] : memref<32x82x2x128xi32, #tpu.memory_space<hbm>> -> memref<1x1x2x128xi32, #tpu.memory_space<hbm>>
      %dma_start3A_254 = tpu.memref_squeeze %dma_start3A_253 : memref<1x1x2x128xi32, #tpu.memory_space<hbm>> -> memref<2x128xi32, #tpu.memory_space<hbm>>
      %dma_start3A_255 = arith.constant 0 : i32
      %dma_start3A_256 = arith.constant 0 : i32
      %dma_start3A_257 = tpu.memref_slice %arg3[%add3A, %add3A_250, %dma_start3A_255, %dma_start3A_256] : memref<32x82x2x128xi32, #tpu.memory_space<hbm>> -> memref<1x1x2x128xi32, #tpu.memory_space<hbm>>
      %dma_start3A_258 = tpu.memref_squeeze %dma_start3A_257 : memref<1x1x2x128xi32, #tpu.memory_space<hbm>> -> memref<2x128xi32, #tpu.memory_space<hbm>>
      tpu.enqueue_dma source(%dma_start3A_258 : memref<2x128xi32, #tpu.memory_space<hbm>>) target(%arg9 : memref<2x128xi32, #tpu.memory_space<vmem>>) target_semaphore(%arg18 : memref<!tpu.dma_semaphore, #tpu.memory_space<semaphore_mem>>)
      %dma_wait3A_259 = arith.constant 0 : i32
      %dma_wait3A_260 = arith.constant 0 : i32
      %dma_wait3A_261 = arith.constant 0 : i32
      %dma_wait3A_262 = tpu.memref_slice %arg3[%add3A, %dma_wait3A_259, %dma_wait3A_260, %dma_wait3A_261] : memref<32x82x2x128xi32, #tpu.memory_space<hbm>> -> memref<1x1x2x128xi32, #tpu.memory_space<hbm>>
      %dma_wait3A_263 = tpu.memref_squeeze %dma_wait3A_262 : memref<1x1x2x128xi32, #tpu.memory_space<hbm>> -> memref<2x128xi32, #tpu.memory_space<hbm>>
      %dma_wait3A_264 = arith.constant 0 : i32
      %dma_wait3A_265 = arith.constant 0 : i32
      %dma_wait3A_266 = tpu.memref_slice %arg3[%add3A, %dma_wait3A_259, %dma_wait3A_264, %dma_wait3A_265] : memref<32x82x2x128xi32, #tpu.memory_space<hbm>> -> memref<1x1x2x128xi32, #tpu.memory_space<hbm>>
      %dma_wait3A_267 = tpu.memref_squeeze %dma_wait3A_266 : memref<1x1x2x128xi32, #tpu.memory_space<hbm>> -> memref<2x128xi32, #tpu.memory_space<hbm>>
      tpu.wait_dma2 semaphore(%arg16 : memref<!tpu.dma_semaphore, #tpu.memory_space<semaphore_mem>>) src(%dma_wait3A_267 : memref<2x128xi32, #tpu.memory_space<hbm>>) dst(%arg7 : memref<2x128xi32, #tpu.memory_space<vmem>>)
      %dma_start3A_268 = arith.constant 0 : i32
      %dma_start3A_269 = arith.constant 0 : i32
      %dma_start3A_270 = tpu.memref_slice %arg7[%dma_start3A_268, %dma_start3A_269] : memref<2x128xi32, #tpu.memory_space<vmem>> -> memref<1x128xi32, #tpu.memory_space<vmem>>
      %dma_start3A_271 = tpu.memref_squeeze %dma_start3A_270 : memref<1x128xi32, #tpu.memory_space<vmem>> -> memref<128xi32, #tpu.memory_space<vmem>>
      %dma_start3A_272 = arith.constant 0 : i32
      %dma_start3A_273 = arith.constant 0 : i32
      %dma_start3A_274 = tpu.memref_slice %arg2[%dma_start3A_272, %dma_start3A_273] : memref<10240x128xf32, #tpu.memory_space<hbm>> -> memref<10240x128xf32, #tpu.memory_space<hbm>>
      tpu.enqueue_indirect_dma source(%dma_start3A_274 : memref<10240x128xf32, #tpu.memory_space<hbm>>) target(%arg5 : memref<128x128xf32, #tpu.memory_space<vmem>>) offsets(%dma_start3A_271 : memref<128xi32, #tpu.memory_space<vmem>>) semaphore(%arg12 : memref<!tpu.dma_semaphore, #tpu.memory_space<semaphore_mem>>)
      %dma_wait3A_275 = arith.constant 0 : i32
      %dma_wait3A_276 = arith.constant 0 : i32
      %dma_wait3A_277 = tpu.memref_slice %arg7[%dma_wait3A_275, %dma_wait3A_276] : memref<2x128xi32, #tpu.memory_space<vmem>> -> memref<1x128xi32, #tpu.memory_space<vmem>>
      %dma_wait3A_278 = tpu.memref_squeeze %dma_wait3A_277 : memref<1x128xi32, #tpu.memory_space<vmem>> -> memref<128xi32, #tpu.memory_space<vmem>>
      %dma_wait3A_279 = arith.constant 0 : i32
      %dma_wait3A_280 = arith.constant 0 : i32
      %dma_wait3A_281 = tpu.memref_slice %arg2[%dma_wait3A_279, %dma_wait3A_280] : memref<10240x128xf32, #tpu.memory_space<hbm>> -> memref<10240x128xf32, #tpu.memory_space<hbm>>
      tpu.wait_indirect_dma semaphore(%arg12 : memref<!tpu.dma_semaphore, #tpu.memory_space<semaphore_mem>>) src(%dma_wait3A_281 : memref<10240x128xf32, #tpu.memory_space<hbm>>) dst(%arg5 : memref<128x128xf32, #tpu.memory_space<vmem>>)
      %dma_start3A_282 = arith.constant 1 : i32
      %dma_start3A_283 = arith.constant 0 : i32
      %dma_start3A_284 = tpu.memref_slice %arg7[%dma_start3A_282, %dma_start3A_283] : memref<2x128xi32, #tpu.memory_space<vmem>> -> memref<1x128xi32, #tpu.memory_space<vmem>>
      %dma_start3A_285 = tpu.memref_squeeze %dma_start3A_284 : memref<1x128xi32, #tpu.memory_space<vmem>> -> memref<128xi32, #tpu.memory_space<vmem>>
      %dma_start3A_286 = arith.constant 0 : i32
      %dma_start3A_287 = arith.constant 0 : i32
      %dma_start3A_288 = tpu.memref_slice %arg11[%dma_start3A_286, %dma_start3A_287] : memref<10240x128xf32, #tpu.memory_space<vmem_shared>> -> memref<10240x128xf32, #tpu.memory_space<vmem_shared>>
      tpu.enqueue_indirect_dma source(%arg5 : memref<128x128xf32, #tpu.memory_space<vmem>>) target(%dma_start3A_288 : memref<10240x128xf32, #tpu.memory_space<vmem_shared>>) offsets(%dma_start3A_285 : memref<128xi32, #tpu.memory_space<vmem>>) semaphore(%arg14 : memref<!tpu.dma_semaphore, #tpu.memory_space<semaphore_mem>>) {add = true}
      %add3A_289 = arith.constant 1 : i32
      %add3A_290 = arith.addi %add3A_241, %add3A_289 : i32
      %dma_wait3A_291 = arith.constant 1 : i32
      %dma_wait3A_292 = arith.constant 0 : i32
      %dma_wait3A_293 = tpu.memref_slice %arg8[%dma_wait3A_291, %dma_wait3A_292] : memref<2x128xi32, #tpu.memory_space<vmem>> -> memref<1x128xi32, #tpu.memory_space<vmem>>
      %dma_wait3A_294 = tpu.memref_squeeze %dma_wait3A_293 : memref<1x128xi32, #tpu.memory_space<vmem>> -> memref<128xi32, #tpu.memory_space<vmem>>
      %dma_wait3A_295 = arith.constant 0 : i32
      %dma_wait3A_296 = arith.constant 0 : i32
      %dma_wait3A_297 = tpu.memref_slice %arg11[%dma_wait3A_295, %dma_wait3A_296] : memref<10240x128xf32, #tpu.memory_space<vmem_shared>> -> memref<10240x128xf32, #tpu.memory_space<vmem_shared>>
      tpu.wait_indirect_dma semaphore(%arg15 : memref<!tpu.dma_semaphore, #tpu.memory_space<semaphore_mem>>) src(%arg6 : memref<128x128xf32, #tpu.memory_space<vmem>>) dst(%dma_wait3A_297 : memref<10240x128xf32, #tpu.memory_space<vmem_shared>>)
      %add3A_298 = arith.constant 2 : i32
      %add3A_299 = arith.addi %add3A_290, %add3A_298 : i32
      %dma_start3A_300 = arith.constant 0 : i32
      %dma_start3A_301 = arith.constant 0 : i32
      %dma_start3A_302 = tpu.memref_slice %arg3[%add3A, %add3A_299, %dma_start3A_300, %dma_start3A_301] : memref<32x82x2x128xi32, #tpu.memory_space<hbm>> -> memref<1x1x2x128xi32, #tpu.memory_space<hbm>>
      %dma_start3A_303 = tpu.memref_squeeze %dma_start3A_302 : memref<1x1x2x128xi32, #tpu.memory_space<hbm>> -> memref<2x128xi32, #tpu.memory_space<hbm>>
      %dma_start3A_304 = arith.constant 0 : i32
      %dma_start3A_305 = arith.constant 0 : i32
      %dma_start3A_306 = tpu.memref_slice %arg3[%add3A, %add3A_299, %dma_start3A_304, %dma_start3A_305] : memref<32x82x2x128xi32, #tpu.memory_space<hbm>> -> memref<1x1x2x128xi32, #tpu.memory_space<hbm>>
      %dma_start3A_307 = tpu.memref_squeeze %dma_start3A_306 : memref<1x1x2x128xi32, #tpu.memory_space<hbm>> -> memref<2x128xi32, #tpu.memory_space<hbm>>
      tpu.enqueue_dma source(%dma_start3A_307 : memref<2x128xi32, #tpu.memory_space<hbm>>) target(%arg10 : memref<2x128xi32, #tpu.memory_space<vmem>>) target_semaphore(%arg19 : memref<!tpu.dma_semaphore, #tpu.memory_space<semaphore_mem>>)
      %dma_wait3A_308 = arith.constant 0 : i32
      %dma_wait3A_309 = arith.constant 0 : i32
      %dma_wait3A_310 = arith.constant 0 : i32
      %dma_wait3A_311 = tpu.memref_slice %arg3[%add3A, %dma_wait3A_308, %dma_wait3A_309, %dma_wait3A_310] : memref<32x82x2x128xi32, #tpu.memory_space<hbm>> -> memref<1x1x2x128xi32, #tpu.memory_space<hbm>>
      %dma_wait3A_312 = tpu.memref_squeeze %dma_wait3A_311 : memref<1x1x2x128xi32, #tpu.memory_space<hbm>> -> memref<2x128xi32, #tpu.memory_space<hbm>>
      %dma_wait3A_313 = arith.constant 0 : i32
      %dma_wait3A_314 = arith.constant 0 : i32
      %dma_wait3A_315 = tpu.memref_slice %arg3[%add3A, %dma_wait3A_308, %dma_wait3A_313, %dma_wait3A_314] : memref<32x82x2x128xi32, #tpu.memory_space<hbm>> -> memref<1x1x2x128xi32, #tpu.memory_space<hbm>>
      %dma_wait3A_316 = tpu.memref_squeeze %dma_wait3A_315 : memref<1x1x2x128xi32, #tpu.memory_space<hbm>> -> memref<2x128xi32, #tpu.memory_space<hbm>>
      tpu.wait_dma2 semaphore(%arg17 : memref<!tpu.dma_semaphore, #tpu.memory_space<semaphore_mem>>) src(%dma_wait3A_316 : memref<2x128xi32, #tpu.memory_space<hbm>>) dst(%arg8 : memref<2x128xi32, #tpu.memory_space<vmem>>)
      %dma_start3A_317 = arith.constant 0 : i32
      %dma_start3A_318 = arith.constant 0 : i32
      %dma_start3A_319 = tpu.memref_slice %arg8[%dma_start3A_317, %dma_start3A_318] : memref<2x128xi32, #tpu.memory_space<vmem>> -> memref<1x128xi32, #tpu.memory_space<vmem>>
      %dma_start3A_320 = tpu.memref_squeeze %dma_start3A_319 : memref<1x128xi32, #tpu.memory_space<vmem>> -> memref<128xi32, #tpu.memory_space<vmem>>
      %dma_start3A_321 = arith.constant 0 : i32
      %dma_start3A_322 = arith.constant 0 : i32
      %dma_start3A_323 = tpu.memref_slice %arg2[%dma_start3A_321, %dma_start3A_322] : memref<10240x128xf32, #tpu.memory_space<hbm>> -> memref<10240x128xf32, #tpu.memory_space<hbm>>
      tpu.enqueue_indirect_dma source(%dma_start3A_323 : memref<10240x128xf32, #tpu.memory_space<hbm>>) target(%arg6 : memref<128x128xf32, #tpu.memory_space<vmem>>) offsets(%dma_start3A_320 : memref<128xi32, #tpu.memory_space<vmem>>) semaphore(%arg13 : memref<!tpu.dma_semaphore, #tpu.memory_space<semaphore_mem>>)
      %dma_wait3A_324 = arith.constant 0 : i32
      %dma_wait3A_325 = arith.constant 0 : i32
      %dma_wait3A_326 = tpu.memref_slice %arg8[%dma_wait3A_324, %dma_wait3A_325] : memref<2x128xi32, #tpu.memory_space<vmem>> -> memref<1x128xi32, #tpu.memory_space<vmem>>
      %dma_wait3A_327 = tpu.memref_squeeze %dma_wait3A_326 : memref<1x128xi32, #tpu.memory_space<vmem>> -> memref<128xi32, #tpu.memory_space<vmem>>
      %dma_wait3A_328 = arith.constant 0 : i32
      %dma_wait3A_329 = arith.constant 0 : i32
      %dma_wait3A_330 = tpu.memref_slice %arg2[%dma_wait3A_328, %dma_wait3A_329] : memref<10240x128xf32, #tpu.memory_space<hbm>> -> memref<10240x128xf32, #tpu.memory_space<hbm>>
      tpu.wait_indirect_dma semaphore(%arg13 : memref<!tpu.dma_semaphore, #tpu.memory_space<semaphore_mem>>) src(%dma_wait3A_330 : memref<10240x128xf32, #tpu.memory_space<hbm>>) dst(%arg6 : memref<128x128xf32, #tpu.memory_space<vmem>>)
      %dma_start3A_331 = arith.constant 1 : i32
      %dma_start3A_332 = arith.constant 0 : i32
      %dma_start3A_333 = tpu.memref_slice %arg8[%dma_start3A_331, %dma_start3A_332] : memref<2x128xi32, #tpu.memory_space<vmem>> -> memref<1x128xi32, #tpu.memory_space<vmem>>
      %dma_start3A_334 = tpu.memref_squeeze %dma_start3A_333 : memref<1x128xi32, #tpu.memory_space<vmem>> -> memref<128xi32, #tpu.memory_space<vmem>>
      %dma_start3A_335 = arith.constant 0 : i32
      %dma_start3A_336 = arith.constant 0 : i32
      %dma_start3A_337 = tpu.memref_slice %arg11[%dma_start3A_335, %dma_start3A_336] : memref<10240x128xf32, #tpu.memory_space<vmem_shared>> -> memref<10240x128xf32, #tpu.memory_space<vmem_shared>>
      tpu.enqueue_indirect_dma source(%arg6 : memref<128x128xf32, #tpu.memory_space<vmem>>) target(%dma_start3A_337 : memref<10240x128xf32, #tpu.memory_space<vmem_shared>>) offsets(%dma_start3A_334 : memref<128xi32, #tpu.memory_space<vmem>>) semaphore(%arg15 : memref<!tpu.dma_semaphore, #tpu.memory_space<semaphore_mem>>) {add = true}
      %add3A_338 = arith.constant 2 : i32
      %add3A_339 = arith.addi %add3A_241, %add3A_338 : i32
      %dma_wait3A_340 = arith.constant 1 : i32
      %dma_wait3A_341 = arith.constant 0 : i32
      %dma_wait3A_342 = tpu.memref_slice %arg9[%dma_wait3A_340, %dma_wait3A_341] : memref<2x128xi32, #tpu.memory_space<vmem>> -> memref<1x128xi32, #tpu.memory_space<vmem>>
      %dma_wait3A_343 = tpu.memref_squeeze %dma_wait3A_342 : memref<1x128xi32, #tpu.memory_space<vmem>> -> memref<128xi32, #tpu.memory_space<vmem>>
      %dma_wait3A_344 = arith.constant 0 : i32
      %dma_wait3A_345 = arith.constant 0 : i32
      %dma_wait3A_346 = tpu.memref_slice %arg11[%dma_wait3A_344, %dma_wait3A_345] : memref<10240x128xf32, #tpu.memory_space<vmem_shared>> -> memref<10240x128xf32, #tpu.memory_space<vmem_shared>>
      tpu.wait_indirect_dma semaphore(%arg14 : memref<!tpu.dma_semaphore, #tpu.memory_space<semaphore_mem>>) src(%arg5 : memref<128x128xf32, #tpu.memory_space<vmem>>) dst(%dma_wait3A_346 : memref<10240x128xf32, #tpu.memory_space<vmem_shared>>)
      %add3A_347 = arith.constant 2 : i32
      %add3A_348 = arith.addi %add3A_339, %add3A_347 : i32
      %dma_start3A_349 = arith.constant 0 : i32
      %dma_start3A_350 = arith.constant 0 : i32
      %dma_start3A_351 = tpu.memref_slice %arg3[%add3A, %add3A_348, %dma_start3A_349, %dma_start3A_350] : memref<32x82x2x128xi32, #tpu.memory_space<hbm>> -> memref<1x1x2x128xi32, #tpu.memory_space<hbm>>
      %dma_start3A_352 = tpu.memref_squeeze %dma_start3A_351 : memref<1x1x2x128xi32, #tpu.memory_space<hbm>> -> memref<2x128xi32, #tpu.memory_space<hbm>>
      %dma_start3A_353 = arith.constant 0 : i32
      %dma_start3A_354 = arith.constant 0 : i32
      %dma_start3A_355 = tpu.memref_slice %arg3[%add3A, %add3A_348, %dma_start3A_353, %dma_start3A_354] : memref<32x82x2x128xi32, #tpu.memory_space<hbm>> -> memref<1x1x2x128xi32, #tpu.memory_space<hbm>>
      %dma_start3A_356 = tpu.memref_squeeze %dma_start3A_355 : memref<1x1x2x128xi32, #tpu.memory_space<hbm>> -> memref<2x128xi32, #tpu.memory_space<hbm>>
      tpu.enqueue_dma source(%dma_start3A_356 : memref<2x128xi32, #tpu.memory_space<hbm>>) target(%arg7 : memref<2x128xi32, #tpu.memory_space<vmem>>) target_semaphore(%arg16 : memref<!tpu.dma_semaphore, #tpu.memory_space<semaphore_mem>>)
      %dma_wait3A_357 = arith.constant 0 : i32
      %dma_wait3A_358 = arith.constant 0 : i32
      %dma_wait3A_359 = arith.constant 0 : i32
      %dma_wait3A_360 = tpu.memref_slice %arg3[%add3A, %dma_wait3A_357, %dma_wait3A_358, %dma_wait3A_359] : memref<32x82x2x128xi32, #tpu.memory_space<hbm>> -> memref<1x1x2x128xi32, #tpu.memory_space<hbm>>
      %dma_wait3A_361 = tpu.memref_squeeze %dma_wait3A_360 : memref<1x1x2x128xi32, #tpu.memory_space<hbm>> -> memref<2x128xi32, #tpu.memory_space<hbm>>
      %dma_wait3A_362 = arith.constant 0 : i32
      %dma_wait3A_363 = arith.constant 0 : i32
      %dma_wait3A_364 = tpu.memref_slice %arg3[%add3A, %dma_wait3A_357, %dma_wait3A_362, %dma_wait3A_363] : memref<32x82x2x128xi32, #tpu.memory_space<hbm>> -> memref<1x1x2x128xi32, #tpu.memory_space<hbm>>
      %dma_wait3A_365 = tpu.memref_squeeze %dma_wait3A_364 : memref<1x1x2x128xi32, #tpu.memory_space<hbm>> -> memref<2x128xi32, #tpu.memory_space<hbm>>
      tpu.wait_dma2 semaphore(%arg18 : memref<!tpu.dma_semaphore, #tpu.memory_space<semaphore_mem>>) src(%dma_wait3A_365 : memref<2x128xi32, #tpu.memory_space<hbm>>) dst(%arg9 : memref<2x128xi32, #tpu.memory_space<vmem>>)
      %dma_start3A_366 = arith.constant 0 : i32
      %dma_start3A_367 = arith.constant 0 : i32
      %dma_start3A_368 = tpu.memref_slice %arg9[%dma_start3A_366, %dma_start3A_367] : memref<2x128xi32, #tpu.memory_space<vmem>> -> memref<1x128xi32, #tpu.memory_space<vmem>>
      %dma_start3A_369 = tpu.memref_squeeze %dma_start3A_368 : memref<1x128xi32, #tpu.memory_space<vmem>> -> memref<128xi32, #tpu.memory_space<vmem>>
      %dma_start3A_370 = arith.constant 0 : i32
      %dma_start3A_371 = arith.constant 0 : i32
      %dma_start3A_372 = tpu.memref_slice %arg2[%dma_start3A_370, %dma_start3A_371] : memref<10240x128xf32, #tpu.memory_space<hbm>> -> memref<10240x128xf32, #tpu.memory_space<hbm>>
      tpu.enqueue_indirect_dma source(%dma_start3A_372 : memref<10240x128xf32, #tpu.memory_space<hbm>>) target(%arg5 : memref<128x128xf32, #tpu.memory_space<vmem>>) offsets(%dma_start3A_369 : memref<128xi32, #tpu.memory_space<vmem>>) semaphore(%arg12 : memref<!tpu.dma_semaphore, #tpu.memory_space<semaphore_mem>>)
      %dma_wait3A_373 = arith.constant 0 : i32
      %dma_wait3A_374 = arith.constant 0 : i32
      %dma_wait3A_375 = tpu.memref_slice %arg9[%dma_wait3A_373, %dma_wait3A_374] : memref<2x128xi32, #tpu.memory_space<vmem>> -> memref<1x128xi32, #tpu.memory_space<vmem>>
      %dma_wait3A_376 = tpu.memref_squeeze %dma_wait3A_375 : memref<1x128xi32, #tpu.memory_space<vmem>> -> memref<128xi32, #tpu.memory_space<vmem>>
      %dma_wait3A_377 = arith.constant 0 : i32
      %dma_wait3A_378 = arith.constant 0 : i32
      %dma_wait3A_379 = tpu.memref_slice %arg2[%dma_wait3A_377, %dma_wait3A_378] : memref<10240x128xf32, #tpu.memory_space<hbm>> -> memref<10240x128xf32, #tpu.memory_space<hbm>>
      tpu.wait_indirect_dma semaphore(%arg12 : memref<!tpu.dma_semaphore, #tpu.memory_space<semaphore_mem>>) src(%dma_wait3A_379 : memref<10240x128xf32, #tpu.memory_space<hbm>>) dst(%arg5 : memref<128x128xf32, #tpu.memory_space<vmem>>)
      %dma_start3A_380 = arith.constant 1 : i32
      %dma_start3A_381 = arith.constant 0 : i32
      %dma_start3A_382 = tpu.memref_slice %arg9[%dma_start3A_380, %dma_start3A_381] : memref<2x128xi32, #tpu.memory_space<vmem>> -> memref<1x128xi32, #tpu.memory_space<vmem>>
      %dma_start3A_383 = tpu.memref_squeeze %dma_start3A_382 : memref<1x128xi32, #tpu.memory_space<vmem>> -> memref<128xi32, #tpu.memory_space<vmem>>
      %dma_start3A_384 = arith.constant 0 : i32
      %dma_start3A_385 = arith.constant 0 : i32
      %dma_start3A_386 = tpu.memref_slice %arg11[%dma_start3A_384, %dma_start3A_385] : memref<10240x128xf32, #tpu.memory_space<vmem_shared>> -> memref<10240x128xf32, #tpu.memory_space<vmem_shared>>
      tpu.enqueue_indirect_dma source(%arg5 : memref<128x128xf32, #tpu.memory_space<vmem>>) target(%dma_start3A_386 : memref<10240x128xf32, #tpu.memory_space<vmem_shared>>) offsets(%dma_start3A_383 : memref<128xi32, #tpu.memory_space<vmem>>) semaphore(%arg14 : memref<!tpu.dma_semaphore, #tpu.memory_space<semaphore_mem>>) {add = true}
      %add3A_387 = arith.constant 3 : i32
      %add3A_388 = arith.addi %add3A_241, %add3A_387 : i32
      %dma_wait3A_389 = arith.constant 1 : i32
      %dma_wait3A_390 = arith.constant 0 : i32
      %dma_wait3A_391 = tpu.memref_slice %arg10[%dma_wait3A_389, %dma_wait3A_390] : memref<2x128xi32, #tpu.memory_space<vmem>> -> memref<1x128xi32, #tpu.memory_space<vmem>>
      %dma_wait3A_392 = tpu.memref_squeeze %dma_wait3A_391 : memref<1x128xi32, #tpu.memory_space<vmem>> -> memref<128xi32, #tpu.memory_space<vmem>>
      %dma_wait3A_393 = arith.constant 0 : i32
      %dma_wait3A_394 = arith.constant 0 : i32
      %dma_wait3A_395 = tpu.memref_slice %arg11[%dma_wait3A_393, %dma_wait3A_394] : memref<10240x128xf32, #tpu.memory_space<vmem_shared>> -> memref<10240x128xf32, #tpu.memory_space<vmem_shared>>
      tpu.wait_indirect_dma semaphore(%arg15 : memref<!tpu.dma_semaphore, #tpu.memory_space<semaphore_mem>>) src(%arg6 : memref<128x128xf32, #tpu.memory_space<vmem>>) dst(%dma_wait3A_395 : memref<10240x128xf32, #tpu.memory_space<vmem_shared>>)
      %add3A_396 = arith.constant 2 : i32
      %add3A_397 = arith.addi %add3A_388, %add3A_396 : i32
      %dma_start3A_398 = arith.constant 0 : i32
      %dma_start3A_399 = arith.constant 0 : i32
      %dma_start3A_400 = tpu.memref_slice %arg3[%add3A, %add3A_397, %dma_start3A_398, %dma_start3A_399] : memref<32x82x2x128xi32, #tpu.memory_space<hbm>> -> memref<1x1x2x128xi32, #tpu.memory_space<hbm>>
      %dma_start3A_401 = tpu.memref_squeeze %dma_start3A_400 : memref<1x1x2x128xi32, #tpu.memory_space<hbm>> -> memref<2x128xi32, #tpu.memory_space<hbm>>
      %dma_start3A_402 = arith.constant 0 : i32
      %dma_start3A_403 = arith.constant 0 : i32
      %dma_start3A_404 = tpu.memref_slice %arg3[%add3A, %add3A_397, %dma_start3A_402, %dma_start3A_403] : memref<32x82x2x128xi32, #tpu.memory_space<hbm>> -> memref<1x1x2x128xi32, #tpu.memory_space<hbm>>
      %dma_start3A_405 = tpu.memref_squeeze %dma_start3A_404 : memref<1x1x2x128xi32, #tpu.memory_space<hbm>> -> memref<2x128xi32, #tpu.memory_space<hbm>>
      tpu.enqueue_dma source(%dma_start3A_405 : memref<2x128xi32, #tpu.memory_space<hbm>>) target(%arg8 : memref<2x128xi32, #tpu.memory_space<vmem>>) target_semaphore(%arg17 : memref<!tpu.dma_semaphore, #tpu.memory_space<semaphore_mem>>)
      %dma_wait3A_406 = arith.constant 0 : i32
      %dma_wait3A_407 = arith.constant 0 : i32
      %dma_wait3A_408 = arith.constant 0 : i32
      %dma_wait3A_409 = tpu.memref_slice %arg3[%add3A, %dma_wait3A_406, %dma_wait3A_407, %dma_wait3A_408] : memref<32x82x2x128xi32, #tpu.memory_space<hbm>> -> memref<1x1x2x128xi32, #tpu.memory_space<hbm>>
      %dma_wait3A_410 = tpu.memref_squeeze %dma_wait3A_409 : memref<1x1x2x128xi32, #tpu.memory_space<hbm>> -> memref<2x128xi32, #tpu.memory_space<hbm>>
      %dma_wait3A_411 = arith.constant 0 : i32
      %dma_wait3A_412 = arith.constant 0 : i32
      %dma_wait3A_413 = tpu.memref_slice %arg3[%add3A, %dma_wait3A_406, %dma_wait3A_411, %dma_wait3A_412] : memref<32x82x2x128xi32, #tpu.memory_space<hbm>> -> memref<1x1x2x128xi32, #tpu.memory_space<hbm>>
      %dma_wait3A_414 = tpu.memref_squeeze %dma_wait3A_413 : memref<1x1x2x128xi32, #tpu.memory_space<hbm>> -> memref<2x128xi32, #tpu.memory_space<hbm>>
      tpu.wait_dma2 semaphore(%arg19 : memref<!tpu.dma_semaphore, #tpu.memory_space<semaphore_mem>>) src(%dma_wait3A_414 : memref<2x128xi32, #tpu.memory_space<hbm>>) dst(%arg10 : memref<2x128xi32, #tpu.memory_space<vmem>>)
      %dma_start3A_415 = arith.constant 0 : i32
      %dma_start3A_416 = arith.constant 0 : i32
      %dma_start3A_417 = tpu.memref_slice %arg10[%dma_start3A_415, %dma_start3A_416] : memref<2x128xi32, #tpu.memory_space<vmem>> -> memref<1x128xi32, #tpu.memory_space<vmem>>
      %dma_start3A_418 = tpu.memref_squeeze %dma_start3A_417 : memref<1x128xi32, #tpu.memory_space<vmem>> -> memref<128xi32, #tpu.memory_space<vmem>>
      %dma_start3A_419 = arith.constant 0 : i32
      %dma_start3A_420 = arith.constant 0 : i32
      %dma_start3A_421 = tpu.memref_slice %arg2[%dma_start3A_419, %dma_start3A_420] : memref<10240x128xf32, #tpu.memory_space<hbm>> -> memref<10240x128xf32, #tpu.memory_space<hbm>>
      tpu.enqueue_indirect_dma source(%dma_start3A_421 : memref<10240x128xf32, #tpu.memory_space<hbm>>) target(%arg6 : memref<128x128xf32, #tpu.memory_space<vmem>>) offsets(%dma_start3A_418 : memref<128xi32, #tpu.memory_space<vmem>>) semaphore(%arg13 : memref<!tpu.dma_semaphore, #tpu.memory_space<semaphore_mem>>)
      %dma_wait3A_422 = arith.constant 0 : i32
      %dma_wait3A_423 = arith.constant 0 : i32
      %dma_wait3A_424 = tpu.memref_slice %arg10[%dma_wait3A_422, %dma_wait3A_423] : memref<2x128xi32, #tpu.memory_space<vmem>> -> memref<1x128xi32, #tpu.memory_space<vmem>>
      %dma_wait3A_425 = tpu.memref_squeeze %dma_wait3A_424 : memref<1x128xi32, #tpu.memory_space<vmem>> -> memref<128xi32, #tpu.memory_space<vmem>>
      %dma_wait3A_426 = arith.constant 0 : i32
      %dma_wait3A_427 = arith.constant 0 : i32
      %dma_wait3A_428 = tpu.memref_slice %arg2[%dma_wait3A_426, %dma_wait3A_427] : memref<10240x128xf32, #tpu.memory_space<hbm>> -> memref<10240x128xf32, #tpu.memory_space<hbm>>
      tpu.wait_indirect_dma semaphore(%arg13 : memref<!tpu.dma_semaphore, #tpu.memory_space<semaphore_mem>>) src(%dma_wait3A_428 : memref<10240x128xf32, #tpu.memory_space<hbm>>) dst(%arg6 : memref<128x128xf32, #tpu.memory_space<vmem>>)
      %dma_start3A_429 = arith.constant 1 : i32
      %dma_start3A_430 = arith.constant 0 : i32
      %dma_start3A_431 = tpu.memref_slice %arg10[%dma_start3A_429, %dma_start3A_430] : memref<2x128xi32, #tpu.memory_space<vmem>> -> memref<1x128xi32, #tpu.memory_space<vmem>>
      %dma_start3A_432 = tpu.memref_squeeze %dma_start3A_431 : memref<1x128xi32, #tpu.memory_space<vmem>> -> memref<128xi32, #tpu.memory_space<vmem>>
      %dma_start3A_433 = arith.constant 0 : i32
      %dma_start3A_434 = arith.constant 0 : i32
      %dma_start3A_435 = tpu.memref_slice %arg11[%dma_start3A_433, %dma_start3A_434] : memref<10240x128xf32, #tpu.memory_space<vmem_shared>> -> memref<10240x128xf32, #tpu.memory_space<vmem_shared>>
      tpu.enqueue_indirect_dma source(%arg6 : memref<128x128xf32, #tpu.memory_space<vmem>>) target(%dma_start3A_435 : memref<10240x128xf32, #tpu.memory_space<vmem_shared>>) offsets(%dma_start3A_432 : memref<128xi32, #tpu.memory_space<vmem>>) semaphore(%arg15 : memref<!tpu.dma_semaphore, #tpu.memory_space<semaphore_mem>>) {add = true}
    }
    %scan3A_199 = arith.constant 19 : i32
    %dma_wait3A_200 = arith.constant 1 : i32
    %dma_wait3A_201 = arith.constant 0 : i32
    %dma_wait3A_202 = tpu.memref_slice %arg7[%dma_wait3A_200, %dma_wait3A_201] : memref<2x128xi32, #tpu.memory_space<vmem>> -> memref<1x128xi32, #tpu.memory_space<vmem>>
    %dma_wait3A_203 = tpu.memref_squeeze %dma_wait3A_202 : memref<1x128xi32, #tpu.memory_space<vmem>> -> memref<128xi32, #tpu.memory_space<vmem>>
    %dma_wait3A_204 = arith.constant 0 : i32
    %dma_wait3A_205 = arith.constant 0 : i32
    %dma_wait3A_206 = tpu.memref_slice %arg11[%dma_wait3A_204, %dma_wait3A_205] : memref<10240x128xf32, #tpu.memory_space<vmem_shared>> -> memref<10240x128xf32, #tpu.memory_space<vmem_shared>>
    tpu.wait_indirect_dma semaphore(%arg14 : memref<!tpu.dma_semaphore, #tpu.memory_space<semaphore_mem>>) src(%arg5 : memref<128x128xf32, #tpu.memory_space<vmem>>) dst(%dma_wait3A_206 : memref<10240x128xf32, #tpu.memory_space<vmem_shared>>)
    %dma_wait3A_207 = arith.constant 1 : i32
    %dma_wait3A_208 = arith.constant 0 : i32
    %dma_wait3A_209 = tpu.memref_slice %arg8[%dma_wait3A_207, %dma_wait3A_208] : memref<2x128xi32, #tpu.memory_space<vmem>> -> memref<1x128xi32, #tpu.memory_space<vmem>>
    %dma_wait3A_210 = tpu.memref_squeeze %dma_wait3A_209 : memref<1x128xi32, #tpu.memory_space<vmem>> -> memref<128xi32, #tpu.memory_space<vmem>>
    %dma_wait3A_211 = arith.constant 0 : i32
    %dma_wait3A_212 = arith.constant 0 : i32
    %dma_wait3A_213 = tpu.memref_slice %arg11[%dma_wait3A_211, %dma_wait3A_212] : memref<10240x128xf32, #tpu.memory_space<vmem_shared>> -> memref<10240x128xf32, #tpu.memory_space<vmem_shared>>
    tpu.wait_indirect_dma semaphore(%arg15 : memref<!tpu.dma_semaphore, #tpu.memory_space<semaphore_mem>>) src(%arg6 : memref<128x128xf32, #tpu.memory_space<vmem>>) dst(%dma_wait3A_213 : memref<10240x128xf32, #tpu.memory_space<vmem_shared>>)
    %dma_wait3A_214 = arith.constant 0 : i32
    %dma_wait3A_215 = arith.constant 0 : i32
    %dma_wait3A_216 = arith.constant 0 : i32
    %dma_wait3A_217 = tpu.memref_slice %arg3[%add3A, %dma_wait3A_214, %dma_wait3A_215, %dma_wait3A_216] : memref<32x82x2x128xi32, #tpu.memory_space<hbm>> -> memref<1x1x2x128xi32, #tpu.memory_space<hbm>>
    %dma_wait3A_218 = tpu.memref_squeeze %dma_wait3A_217 : memref<1x1x2x128xi32, #tpu.memory_space<hbm>> -> memref<2x128xi32, #tpu.memory_space<hbm>>
    %dma_wait3A_219 = arith.constant 0 : i32
    %dma_wait3A_220 = arith.constant 0 : i32
    %dma_wait3A_221 = tpu.memref_slice %arg3[%add3A, %dma_wait3A_214, %dma_wait3A_219, %dma_wait3A_220] : memref<32x82x2x128xi32, #tpu.memory_space<hbm>> -> memref<1x1x2x128xi32, #tpu.memory_space<hbm>>
    %dma_wait3A_222 = tpu.memref_squeeze %dma_wait3A_221 : memref<1x1x2x128xi32, #tpu.memory_space<hbm>> -> memref<2x128xi32, #tpu.memory_space<hbm>>
    tpu.wait_dma2 semaphore(%arg16 : memref<!tpu.dma_semaphore, #tpu.memory_space<semaphore_mem>>) src(%dma_wait3A_222 : memref<2x128xi32, #tpu.memory_space<hbm>>) dst(%arg7 : memref<2x128xi32, #tpu.memory_space<vmem>>)
    %dma_wait3A_223 = arith.constant 0 : i32
    %dma_wait3A_224 = arith.constant 0 : i32
    %dma_wait3A_225 = arith.constant 0 : i32
    %dma_wait3A_226 = tpu.memref_slice %arg3[%add3A, %dma_wait3A_223, %dma_wait3A_224, %dma_wait3A_225] : memref<32x82x2x128xi32, #tpu.memory_space<hbm>> -> memref<1x1x2x128xi32, #tpu.memory_space<hbm>>
    %dma_wait3A_227 = tpu.memref_squeeze %dma_wait3A_226 : memref<1x1x2x128xi32, #tpu.memory_space<hbm>> -> memref<2x128xi32, #tpu.memory_space<hbm>>
    %dma_wait3A_228 = arith.constant 0 : i32
    %dma_wait3A_229 = arith.constant 0 : i32
    %dma_wait3A_230 = tpu.memref_slice %arg3[%add3A, %dma_wait3A_223, %dma_wait3A_228, %dma_wait3A_229] : memref<32x82x2x128xi32, #tpu.memory_space<hbm>> -> memref<1x1x2x128xi32, #tpu.memory_space<hbm>>
    %dma_wait3A_231 = tpu.memref_squeeze %dma_wait3A_230 : memref<1x1x2x128xi32, #tpu.memory_space<hbm>> -> memref<2x128xi32, #tpu.memory_space<hbm>>
    tpu.wait_dma2 semaphore(%arg17 : memref<!tpu.dma_semaphore, #tpu.memory_space<semaphore_mem>>) src(%dma_wait3A_231 : memref<2x128xi32, #tpu.memory_space<hbm>>) dst(%arg8 : memref<2x128xi32, #tpu.memory_space<vmem>>)
    %barrier3A_232 = arith.constant 0 : index
    tpu.barrier barrier_id(%barrier3A_232)
    %mul3A_233 = arith.constant 640 : i32
    %mul3A_234 = arith.muli %arg1, %mul3A_233 : i32
    %mul3A_235 = arith.constant 640 : i32
    %mul3A_236 = arith.muli %arg1, %mul3A_235 : i32
    "tpu.region"() ({
      %run_scoped3A = tpu.sem_alloc : memref<!tpu.dma_semaphore, #tpu.memory_space<semaphore_mem>>
      %dma_start3A_237 = arith.constant 0 : i32
      %dma_start3A_238 = tpu.memref_slice %arg4[%arg0, %mul3A_236, %dma_start3A_237] : memref<2x10240x128xf32, #tpu.memory_space<hbm>> -> memref<1x640x128xf32, #tpu.memory_space<hbm>>
      %dma_start3A_239 = tpu.memref_squeeze %dma_start3A_238 : memref<1x640x128xf32, #tpu.memory_space<hbm>> -> memref<640x128xf32, #tpu.memory_space<hbm>>
      %dma_start3A_240 = arith.constant 0 : i32
      %dma_start3A_241 = tpu.memref_slice %arg11[%mul3A_234, %dma_start3A_240] : memref<10240x128xf32, #tpu.memory_space<vmem_shared>> -> memref<640x128xf32, #tpu.memory_space<vmem_shared>>
      tpu.enqueue_dma source(%dma_start3A_241 : memref<640x128xf32, #tpu.memory_space<vmem_shared>>) target(%dma_start3A_239 : memref<640x128xf32, #tpu.memory_space<hbm>>) target_semaphore(%run_scoped3A : memref<!tpu.dma_semaphore, #tpu.memory_space<semaphore_mem>>)
      %dma_wait3A_242 = arith.constant 0 : i32
      %dma_wait3A_243 = tpu.memref_slice %arg4[%arg0, %mul3A_236, %dma_wait3A_242] : memref<2x10240x128xf32, #tpu.memory_space<hbm>> -> memref<1x640x128xf32, #tpu.memory_space<hbm>>
      %dma_wait3A_244 = tpu.memref_squeeze %dma_wait3A_243 : memref<1x640x128xf32, #tpu.memory_space<hbm>> -> memref<640x128xf32, #tpu.memory_space<hbm>>
      %dma_wait3A_245 = arith.constant 0 : i32
      %dma_wait3A_246 = tpu.memref_slice %arg11[%mul3A_234, %dma_wait3A_245] : memref<10240x128xf32, #tpu.memory_space<vmem_shared>> -> memref<640x128xf32, #tpu.memory_space<vmem_shared>>
      tpu.wait_dma2 semaphore(%run_scoped3A : memref<!tpu.dma_semaphore, #tpu.memory_space<semaphore_mem>>) src(%dma_wait3A_246 : memref<640x128xf32, #tpu.memory_space<vmem_shared>>) dst(%dma_wait3A_244 : memref<640x128xf32, #tpu.memory_space<hbm>>)
      tpu.yield
    }) : () -> ()
    return
  }
}

module attributes {stable_mosaic.version = 14 : i64} {
  func.func @_t1_body(%arg0: i32, %arg1: memref<512x1xf32, #tpu.memory_space<vmem>>, %arg2: memref<512x1xf32, #tpu.memory_space<vmem>>, %arg3: memref<512x128xf32, #tpu.memory_space<vmem>>, %arg4: memref<128x128xf32, #tpu.memory_space<vmem>>, %arg5: memref<512x128xf32, #tpu.memory_space<vmem>>, %arg6: memref<512x1xf32, #tpu.memory_space<vmem>>) attributes {dimension_semantics = [#tpu.dimension_semantics<arbitrary>], iteration_bounds = array<i64: 20>, scalar_prefetch = 0 : i64, scratch_operands = 0 : i64, tpu.core_type = #tpu.core_type<tc>, window_params = [{transform_indices = @transform_0, window_bounds = array<i64: 512, 1>}, {transform_indices = @transform_1, window_bounds = array<i64: 512, 1>}, {transform_indices = @transform_2, window_bounds = array<i64: 512, 128>}, {pipeline_mode = #tpu.pipeline_mode<synchronous>, transform_indices = @transform_3, window_bounds = array<i64: 128, 128>}, {transform_indices = @transform_4, window_bounds = array<i64: 512, 128>}, {transform_indices = @transform_5, window_bounds = array<i64: 512, 1>}]} {
    %get3A = arith.constant 0 : index
    %get3A_0 = arith.constant 0 : index
    %get3A_1 = vector.load %arg1[%get3A, %get3A_0] : memref<512x1xf32, #tpu.memory_space<vmem>>, vector<512x1xf32>
    %add3A = arith.constant 1.000000e+00 : f32
    %add3A_2 = vector.broadcast %add3A : f32 to vector<512x1xf32>
    %add3A_3 = arith.addf %add3A_2, %get3A_1 : vector<512x1xf32>
    %get3A_4 = arith.constant 0 : index
    %get3A_5 = arith.constant 0 : index
    %get3A_6 = vector.load %arg2[%get3A_4, %get3A_5] : memref<512x1xf32, #tpu.memory_space<vmem>>, vector<512x1xf32>
    %add3A_7 = arith.addf %add3A_3, %get3A_6 : vector<512x1xf32>
    %rsqrt3A = math.rsqrt %add3A_7 : vector<512x1xf32>
    %swap3A = arith.constant 0 : index
    %swap3A_8 = arith.constant 0 : index
    %swap3A_9 = vector.load %arg6[%swap3A, %swap3A_8] : memref<512x1xf32, #tpu.memory_space<vmem>>, vector<512x1xf32>
    tpu.vector_store %arg6[%swap3A, %swap3A_8], %rsqrt3A {strides = array<i32>} : memref<512x1xf32, #tpu.memory_space<vmem>>, vector<512x1xf32>,
    %get3A_10 = arith.constant 0 : index
    %get3A_11 = arith.constant 0 : index
    %get3A_12 = vector.load %arg3[%get3A_10, %get3A_11] : memref<512x128xf32, #tpu.memory_space<vmem>>, vector<512x128xf32>
    %get3A_13 = arith.constant 0 : index
    %get3A_14 = arith.constant 0 : index
    %get3A_15 = vector.load %arg4[%get3A_13, %get3A_14] : memref<128x128xf32, #tpu.memory_space<vmem>>, vector<128x128xf32>
    %dot_general3A = arith.constant dense<0.000000e+00> : vector<512x128xf32>
    %dot_general3A_16 = tpu.matmul %get3A_12, %get3A_15, %dot_general3A {dimension_numbers = #tpu.dot_dimension_numbers<[1], [0], [0], [1], [0, 0, 1, 1], [], []>, transpose_lhs_hint = false} : vector<512x128xf32>, vector<128x128xf32>, vector<512x128xf32> -> vector<512x128xf32>
    %mul3A = vector.broadcast %rsqrt3A : vector<512x1xf32> to vector<512x128xf32>
    %mul3A_17 = arith.mulf %dot_general3A_16, %mul3A : vector<512x128xf32>
    %swap3A_18 = arith.constant 0 : index
    %swap3A_19 = arith.constant 0 : index
    %swap3A_20 = vector.load %arg5[%swap3A_18, %swap3A_19] : memref<512x128xf32, #tpu.memory_space<vmem>>, vector<512x128xf32>
    tpu.vector_store %arg5[%swap3A_18, %swap3A_19], %mul3A_17 {strides = array<i32>} : memref<512x128xf32, #tpu.memory_space<vmem>>, vector<512x128xf32>,
    return
  }
  func.func @transform_0(%arg0: i32) -> (i32, i32) {
    %c0_i32 = arith.constant 0 : i32
    %c0_i32_0 = arith.constant 0 : i32
    return %arg0, %c0_i32 : i32, i32
  }
  func.func @transform_1(%arg0: i32) -> (i32, i32) {
    %c0_i32 = arith.constant 0 : i32
    %c0_i32_0 = arith.constant 0 : i32
    return %arg0, %c0_i32 : i32, i32
  }
  func.func @transform_2(%arg0: i32) -> (i32, i32) {
    %c0_i32 = arith.constant 0 : i32
    %c0_i32_0 = arith.constant 0 : i32
    return %arg0, %c0_i32 : i32, i32
  }
  func.func @transform_3(%arg0: i32) -> (i32, i32) {
    %c0_i32 = arith.constant 0 : i32
    %c0_i32_0 = arith.constant 0 : i32
    %c0_i32_1 = arith.constant 0 : i32
    return %c0_i32, %c0_i32_0 : i32, i32
  }
  func.func @transform_4(%arg0: i32) -> (i32, i32) {
    %c0_i32 = arith.constant 0 : i32
    %c0_i32_0 = arith.constant 0 : i32
    return %arg0, %c0_i32 : i32, i32
  }
  func.func @transform_5(%arg0: i32) -> (i32, i32) {
    %c0_i32 = arith.constant 0 : i32
    %c0_i32_0 = arith.constant 0 : i32
    return %arg0, %c0_i32 : i32, i32
  }
}

module attributes {stable_mosaic.version = 14 : i64} {
  func.func @_t2_body(%arg0: i32, %arg1: memref<512x128xf32, #tpu.memory_space<vmem>>, %arg2: memref<512x128xf32, #tpu.memory_space<vmem>>, %arg3: memref<512x1xf32, #tpu.memory_space<vmem>>, %arg4: memref<1x128xf32, #tpu.memory_space<vmem>>, %arg5: memref<128x128xf32, #tpu.memory_space<vmem>>, %arg6: memref<512x128xf32, #tpu.memory_space<vmem>>) attributes {dimension_semantics = [#tpu.dimension_semantics<arbitrary>], iteration_bounds = array<i64: 20>, scalar_prefetch = 0 : i64, scratch_operands = 0 : i64, tpu.core_type = #tpu.core_type<tc>, window_params = [{transform_indices = @transform_0, window_bounds = array<i64: 512, 128>}, {transform_indices = @transform_1, window_bounds = array<i64: 512, 128>}, {transform_indices = @transform_2, window_bounds = array<i64: 512, 1>}, {pipeline_mode = #tpu.pipeline_mode<synchronous>, transform_indices = @transform_3, window_bounds = array<i64: 1, 128>}, {pipeline_mode = #tpu.pipeline_mode<synchronous>, transform_indices = @transform_4, window_bounds = array<i64: 128, 128>}, {transform_indices = @transform_5, window_bounds = array<i64: 512, 128>}]} {
    %get3A = arith.constant 0 : index
    %get3A_0 = arith.constant 0 : index
    %get3A_1 = vector.load %arg3[%get3A, %get3A_0] : memref<512x1xf32, #tpu.memory_space<vmem>>, vector<512x1xf32>
    %get3A_2 = arith.constant 0 : index
    %get3A_3 = arith.constant 0 : index
    %get3A_4 = vector.load %arg1[%get3A_2, %get3A_3] : memref<512x128xf32, #tpu.memory_space<vmem>>, vector<512x128xf32>
    %get3A_5 = arith.constant 0 : index
    %get3A_6 = arith.constant 0 : index
    %get3A_7 = vector.load %arg2[%get3A_5, %get3A_6] : memref<512x128xf32, #tpu.memory_space<vmem>>, vector<512x128xf32>
    %add3A = arith.addf %get3A_4, %get3A_7 : vector<512x128xf32>
    %mul3A = vector.broadcast %get3A_1 : vector<512x1xf32> to vector<512x128xf32>
    %mul3A_8 = arith.mulf %add3A, %mul3A : vector<512x128xf32>
    %get3A_9 = arith.constant 0 : index
    %get3A_10 = arith.constant 0 : index
    %get3A_11 = vector.load %arg4[%get3A_9, %get3A_10] : memref<1x128xf32, #tpu.memory_space<vmem>>, vector<1x128xf32>
    %add3A_12 = vector.broadcast %get3A_11 : vector<1x128xf32> to vector<512x128xf32>
    %add3A_13 = arith.addf %mul3A_8, %add3A_12 : vector<512x128xf32>
    %max3A = arith.constant 0.000000e+00 : f32
    %max3A_14 = vector.broadcast %max3A : f32 to vector<512x128xf32>
    %max3A_15 = arith.maximumf %add3A_13, %max3A_14 : vector<512x128xf32>
    %get3A_16 = arith.constant 0 : index
    %get3A_17 = arith.constant 0 : index
    %get3A_18 = vector.load %arg5[%get3A_16, %get3A_17] : memref<128x128xf32, #tpu.memory_space<vmem>>, vector<128x128xf32>
    %dot_general3A = arith.constant dense<0.000000e+00> : vector<512x128xf32>
    %dot_general3A_19 = tpu.matmul %max3A_15, %get3A_18, %dot_general3A {dimension_numbers = #tpu.dot_dimension_numbers<[1], [0], [0], [1], [0, 0, 1, 1], [], []>, transpose_lhs_hint = false} : vector<512x128xf32>, vector<128x128xf32>, vector<512x128xf32> -> vector<512x128xf32>
    %mul3A_20 = vector.broadcast %get3A_1 : vector<512x1xf32> to vector<512x128xf32>
    %mul3A_21 = arith.mulf %dot_general3A_19, %mul3A_20 : vector<512x128xf32>
    %swap3A = arith.constant 0 : index
    %swap3A_22 = arith.constant 0 : index
    %swap3A_23 = vector.load %arg6[%swap3A, %swap3A_22] : memref<512x128xf32, #tpu.memory_space<vmem>>, vector<512x128xf32>
    tpu.vector_store %arg6[%swap3A, %swap3A_22], %mul3A_21 {strides = array<i32>} : memref<512x128xf32, #tpu.memory_space<vmem>>, vector<512x128xf32>,
    return
  }
  func.func @transform_0(%arg0: i32) -> (i32, i32) {
    %c0_i32 = arith.constant 0 : i32
    %c0_i32_0 = arith.constant 0 : i32
    return %arg0, %c0_i32 : i32, i32
  }
  func.func @transform_1(%arg0: i32) -> (i32, i32) {
    %c0_i32 = arith.constant 0 : i32
    %c0_i32_0 = arith.constant 0 : i32
    return %arg0, %c0_i32 : i32, i32
  }
  func.func @transform_2(%arg0: i32) -> (i32, i32) {
    %c0_i32 = arith.constant 0 : i32
    %c0_i32_0 = arith.constant 0 : i32
    return %arg0, %c0_i32 : i32, i32
  }
  func.func @transform_3(%arg0: i32) -> (i32, i32) {
    %c0_i32 = arith.constant 0 : i32
    %c0_i32_0 = arith.constant 0 : i32
    %c0_i32_1 = arith.constant 0 : i32
    return %c0_i32, %c0_i32_0 : i32, i32
  }
  func.func @transform_4(%arg0: i32) -> (i32, i32) {
    %c0_i32 = arith.constant 0 : i32
    %c0_i32_0 = arith.constant 0 : i32
    %c0_i32_1 = arith.constant 0 : i32
    return %c0_i32, %c0_i32_0 : i32, i32
  }
  func.func @transform_5(%arg0: i32) -> (i32, i32) {
    %c0_i32 = arith.constant 0 : i32
    %c0_i32_0 = arith.constant 0 : i32
    return %arg0, %c0_i32 : i32, i32
  }
}

module attributes {stable_mosaic.version = 14 : i64} {
  func.func @_t3_body(%arg0: i32, %arg1: memref<512x128xf32, #tpu.memory_space<vmem>>, %arg2: memref<512x128xf32, #tpu.memory_space<vmem>>, %arg3: memref<512x1xf32, #tpu.memory_space<vmem>>, %arg4: memref<1x128xf32, #tpu.memory_space<vmem>>, %arg5: memref<128x128xf32, #tpu.memory_space<vmem>>, %arg6: memref<1x128xf32, #tpu.memory_space<vmem>>, %arg7: memref<512x128xf32, #tpu.memory_space<vmem>>) attributes {dimension_semantics = [#tpu.dimension_semantics<arbitrary>], iteration_bounds = array<i64: 20>, scalar_prefetch = 0 : i64, scratch_operands = 0 : i64, tpu.core_type = #tpu.core_type<tc>, window_params = [{transform_indices = @transform_0, window_bounds = array<i64: 512, 128>}, {transform_indices = @transform_1, window_bounds = array<i64: 512, 128>}, {transform_indices = @transform_2, window_bounds = array<i64: 512, 1>}, {pipeline_mode = #tpu.pipeline_mode<synchronous>, transform_indices = @transform_3, window_bounds = array<i64: 1, 128>}, {pipeline_mode = #tpu.pipeline_mode<synchronous>, transform_indices = @transform_4, window_bounds = array<i64: 128, 128>}, {pipeline_mode = #tpu.pipeline_mode<synchronous>, transform_indices = @transform_5, window_bounds = array<i64: 1, 128>}, {transform_indices = @transform_6, window_bounds = array<i64: 512, 128>}]} {
    %get3A = arith.constant 0 : index
    %get3A_0 = arith.constant 0 : index
    %get3A_1 = vector.load %arg1[%get3A, %get3A_0] : memref<512x128xf32, #tpu.memory_space<vmem>>, vector<512x128xf32>
    %get3A_2 = arith.constant 0 : index
    %get3A_3 = arith.constant 0 : index
    %get3A_4 = vector.load %arg2[%get3A_2, %get3A_3] : memref<512x128xf32, #tpu.memory_space<vmem>>, vector<512x128xf32>
    %add3A = arith.addf %get3A_1, %get3A_4 : vector<512x128xf32>
    %get3A_5 = arith.constant 0 : index
    %get3A_6 = arith.constant 0 : index
    %get3A_7 = vector.load %arg3[%get3A_5, %get3A_6] : memref<512x1xf32, #tpu.memory_space<vmem>>, vector<512x1xf32>
    %mul3A = vector.broadcast %get3A_7 : vector<512x1xf32> to vector<512x128xf32>
    %mul3A_8 = arith.mulf %add3A, %mul3A : vector<512x128xf32>
    %get3A_9 = arith.constant 0 : index
    %get3A_10 = arith.constant 0 : index
    %get3A_11 = vector.load %arg4[%get3A_9, %get3A_10] : memref<1x128xf32, #tpu.memory_space<vmem>>, vector<1x128xf32>
    %add3A_12 = vector.broadcast %get3A_11 : vector<1x128xf32> to vector<512x128xf32>
    %add3A_13 = arith.addf %mul3A_8, %add3A_12 : vector<512x128xf32>
    %max3A = arith.constant 0.000000e+00 : f32
    %max3A_14 = vector.broadcast %max3A : f32 to vector<512x128xf32>
    %max3A_15 = arith.maximumf %add3A_13, %max3A_14 : vector<512x128xf32>
    %get3A_16 = arith.constant 0 : index
    %get3A_17 = arith.constant 0 : index
    %get3A_18 = vector.load %arg5[%get3A_16, %get3A_17] : memref<128x128xf32, #tpu.memory_space<vmem>>, vector<128x128xf32>
    %dot_general3A = arith.constant dense<0.000000e+00> : vector<512x128xf32>
    %dot_general3A_19 = tpu.matmul %max3A_15, %get3A_18, %dot_general3A {dimension_numbers = #tpu.dot_dimension_numbers<[1], [0], [0], [1], [0, 0, 1, 1], [], []>, transpose_lhs_hint = false} : vector<512x128xf32>, vector<128x128xf32>, vector<512x128xf32> -> vector<512x128xf32>
    %get3A_20 = arith.constant 0 : index
    %get3A_21 = arith.constant 0 : index
    %get3A_22 = vector.load %arg6[%get3A_20, %get3A_21] : memref<1x128xf32, #tpu.memory_space<vmem>>, vector<1x128xf32>
    %add3A_23 = vector.broadcast %get3A_22 : vector<1x128xf32> to vector<512x128xf32>
    %add3A_24 = arith.addf %dot_general3A_19, %add3A_23 : vector<512x128xf32>
    %swap3A = arith.constant 0 : index
    %swap3A_25 = arith.constant 0 : index
    %swap3A_26 = vector.load %arg7[%swap3A, %swap3A_25] : memref<512x128xf32, #tpu.memory_space<vmem>>, vector<512x128xf32>
    tpu.vector_store %arg7[%swap3A, %swap3A_25], %add3A_24 {strides = array<i32>} : memref<512x128xf32, #tpu.memory_space<vmem>>, vector<512x128xf32>,
    return
  }
  func.func @transform_0(%arg0: i32) -> (i32, i32) {
    %c0_i32 = arith.constant 0 : i32
    %c0_i32_0 = arith.constant 0 : i32
    return %arg0, %c0_i32 : i32, i32
  }
  func.func @transform_1(%arg0: i32) -> (i32, i32) {
    %c0_i32 = arith.constant 0 : i32
    %c0_i32_0 = arith.constant 0 : i32
    return %arg0, %c0_i32 : i32, i32
  }
  func.func @transform_2(%arg0: i32) -> (i32, i32) {
    %c0_i32 = arith.constant 0 : i32
    %c0_i32_0 = arith.constant 0 : i32
    return %arg0, %c0_i32 : i32, i32
  }
  func.func @transform_3(%arg0: i32) -> (i32, i32) {
    %c0_i32 = arith.constant 0 : i32
    %c0_i32_0 = arith.constant 0 : i32
    %c0_i32_1 = arith.constant 0 : i32
    return %c0_i32, %c0_i32_0 : i32, i32
  }
  func.func @transform_4(%arg0: i32) -> (i32, i32) {
    %c0_i32 = arith.constant 0 : i32
    %c0_i32_0 = arith.constant 0 : i32
    %c0_i32_1 = arith.constant 0 : i32
    return %c0_i32, %c0_i32_0 : i32, i32
  }
  func.func @transform_5(%arg0: i32) -> (i32, i32) {
    %c0_i32 = arith.constant 0 : i32
    %c0_i32_0 = arith.constant 0 : i32
    %c0_i32_1 = arith.constant 0 : i32
    return %c0_i32, %c0_i32_0 : i32, i32
  }
  func.func @transform_6(%arg0: i32) -> (i32, i32) {
    %c0_i32 = arith.constant 0 : i32
    %c0_i32_0 = arith.constant 0 : i32
    return %arg0, %c0_i32 : i32, i32
  }
}

</mosaic_0001>

<sc_bundles>
// kernel: kernel.11.cloned.1.call-start
scs
__scs_entry_jumppad:
0x0: {  	(pc) =	sbr.rel $0x88, $3  }
0x1: {  	(tag) =	ssettag $0x0;
	lr =	simm.s32 $0x1  }
0x2: {  	[smem:$0x3F99] =	sst lr;
	_ =	strace $0xD0000000  }
0x3: {  	_ = 	snop  }
0x4: {  	_ = 	snop  }
0x5: {  	_ = 	snop  }
0x6: {  	_ = 	snop  }
0x7: {  	_ = 	snop  }
__scs_overlays_trampoline_lowered:
0x8: {  	[smem:$0x3FA8] =	sst s0  }
0x9: {  	[smem:$0x3FA9] =	sst s1  }
0xa: {  	[smem:$0x3FAA] =	sst s2  }
0xb: {  	[smem:$0x3FAB] =	sst s3  }
0xc: {  	[smem:$0x3FAC] =	sst s4  }
0xd: {  	[smem:$0x3FAD] =	sst s5  }
0xe: {  	[smem:$0x3FAE] =	sst s6  }
0xf: {  	[smem:$0x3FAF] =	sst s7  }
0x10: {  	[smem:$0x3FB0] =	sst s8  }
0x11: {  	[smem:$0x3FB1] =	sst s9;
	s0 =	simm.s32 @!p0 $0x0  }
0x12: {  	s1 =	sld [smem:$0x3F97];
	s0 =	simm.s32 @p0 $0x1  }
0x13: {  	[smem:$0x3FB2] =	sst s0;
	s0 =	simm.s32 @!p1 $0x0  }
0x14: {  	s2 =	sld [smem:$0x3F96];
	s0 =	simm.s32 @p1 $0x1  }
0x15: {  	[smem:$0x3FB3] =	sst s0;
	s0 =	simm.s32 @!p2 $0x0  }
0x16: {  	s3 =	sld [smem:$0x3FDB];
	s0 =	simm.s32 @p2 $0x1  }
0x17: {  	s4 =	simm.s32 $0x1BF5;
	[smem:$0x3FB5] =	sst s0  }
0x18: {  	s0 =	sld [smem:$0x3F98];
	_ =	swait.ge [sflag:s4], $0x0  }
0x19: {  	s7 =	sld [smem:$0x3F99]  }
0x1a: {  	s8 =	sadd.s32 $0xFFFFE003, lr  }
0x1b: {  	s9 =	sadd.s32 $0xFFFFFEF7, lr;
	s5 =	simm.s32 $0xFFFFFFFF;
	p2 =	slt.u32 s8, $0xFFFFF086  }
0x1c: {  	p1 =	slt.u32 s9, $0xF7A;
	s5 =	simm.s32 @!p2 $0x0  }
0x1d: {  	s5 =	simm.s32 @p1 $0x1;
	p0 =	seq.s32 s7, s2  }
0x1e: {  	s7 =	smul.u32 @!p0 $0xF7A, s2;
	p2 =	seq.s32 @!p0 s5, $0x0  }
0x1f: {  	s9 =	smul.u32 $0xF7A, s1;
	s8 =	simm.s32 @!p0 $0x1BF5;
	p2 =	por !p2, p0  }
0x20: {  	[sflag:s8] =	ssyncset.s32 @!p0 $0xFFFFF086;
	s6 =	sadd.s32 @!p0 s3, s7;
	s7 =	simm.s32 @!p0 $0x108  }
0x21: {  	s3 =	sadd.s32 s3, s9;
	s6 =	sadd.s32 @!p0 $0x88, s6;
	s7 =	simm.s32 @p2 $0x1082  }
0x22: {  	[simem:s7], [sflag:s8] =	dma.local @!p0 [hbm:s6], $0xF7A  }
0x23: {  	s9 =	sor.u32 $0xD0000000, s2;
	s6 =	simm.s32 $0x108;
	_ =	swait.ge @!p0 [sflag:s8], $0x0  }
0x24: {  	s3 =	sadd.s32 $0x88, s3;
	s6 =	simm.s32 @!p1 $0x1082;
	[sflag:s4] =	ssyncset.s32 $0xFFFFF086  }
0x25: {  	[simem:s6], [sflag:s4] =	dma.local [hbm:s3], $0xF7A  }
0x26: {  	[smem:$0x3F99] =	sst s1;
	(tag) =	ssettag s2;
	_ =	strace s9  }
0x27: {  	s1 =	sld [smem:$0x3FA9]  }
0x28: {  	s2 =	sld [smem:$0x3FAA]  }
0x29: {  	s4 =	sld [smem:$0x3FAC]  }
0x2a: {  	p0 =	seq.s32 s5, $0x0;
	s5 =	sld [smem:$0x3FAD]  }
0x2b: {  	s6 =	sld [smem:$0x3FAE]  }
0x2c: {  	s7 =	sld [smem:$0x3FAF]  }
0x2d: {  	s3 =	simm.s32 $0x108;
	s8 =	sld [smem:$0x3FB0]  }
0x2e: {  	s3 =	simm.s32 @!p0 $0x1082;
	s9 =	sld [smem:$0x3FB1]  }
0x2f: {  	lr =	sadd.s32 s0, s3;
	s0 =	sld [smem:$0x3FA8]  }
0x30: {  	s3 =	sld [smem:$0x3FAB]  }
0x31: {  	[smem:$0x3FB4] =	sst s10  }
0x32: {  	s10 =	sld [smem:$0x3FB2];
	_ =	sdelay $0x3  }
0x33: {  	p0 =	seq.s32 s10, $0x1;
	s10 =	sld [smem:$0x3FB4];
	_ =	sdelay $0x3  }
0x34: {  	[smem:$0x3FB4] =	sst s10  }
0x35: {  	s10 =	sld [smem:$0x3FB3];
	_ =	sdelay $0x3  }
0x36: {  	p1 =	seq.s32 s10, $0x1;
	s10 =	sld [smem:$0x3FB4];
	_ =	sdelay $0x3  }
0x37: {  	[smem:$0x3FB4] =	sst s10  }
0x38: {  	s10 =	sld [smem:$0x3FB5]  }
0x39: {  	_ = 	snop;
	(pc) =	sbr.ind lr, $3  }
0x3a: {  	_ = 	snop  }
0x3b: {  	_ = 	snop  }
0x3c: {  	p2 =	seq.s32 s10, $0x1;
	s10 =	sld [smem:$0x3FB4]  }
0x3d: {  	_ =	shalt  }
0x3e: {  	_ =	shalt  }
0x3f: {  	_ =	shalt  }
0x40: {  	_ =	shalt  }
0x41: {  	_ =	shalt  }
0x42: {  	_ =	shalt  }
0x43: {  	_ =	shalt  }
0x44: {  	_ =	shalt  }
0x45: {  	_ =	shalt  }
0x46: {  	_ =	shalt  }
0x47: {  	_ =	shalt  }
0x48: {  	_ =	shalt  }
0x49: {  	_ =	shalt  }
0x4a: {  	_ =	shalt  }
0x4b: {  	_ =	shalt  }
0x4c: {  	_ =	shalt  }
0x4d: {  	_ =	shalt  }
0x4e: {  	_ =	shalt  }
0x4f: {  	_ =	shalt  }
0x50: {  	_ =	shalt  }
0x51: {  	_ =	shalt  }
0x52: {  	_ =	shalt  }
0x53: {  	_ =	shalt  }
0x54: {  	_ =	shalt  }
0x55: {  	_ =	shalt  }
0x56: {  	_ =	shalt  }
0x57: {  	_ =	shalt  }
0x58: {  	_ =	shalt  }
0x59: {  	_ =	shalt  }
0x5a: {  	_ =	shalt  }
0x5b: {  	_ =	shalt  }
0x5c: {  	_ =	shalt  }
0x5d: {  	_ =	shalt  }
0x5e: {  	_ =	shalt  }
0x5f: {  	_ =	shalt  }
0x60: {  	_ =	shalt  }
0x61: {  	_ =	shalt  }
0x62: {  	_ =	shalt  }
0x63: {  	_ =	shalt  }
0x64: {  	_ =	shalt  }
0x65: {  	_ =	shalt  }
0x66: {  	_ =	shalt  }
0x67: {  	_ =	shalt  }
0x68: {  	_ =	shalt  }
0x69: {  	_ =	shalt  }
0x6a: {  	_ =	shalt  }
0x6b: {  	_ =	shalt  }
0x6c: {  	_ =	shalt  }
0x6d: {  	_ =	shalt  }
0x6e: {  	_ =	shalt  }
0x6f: {  	_ =	shalt  }
0x70: {  	_ =	shalt  }
0x71: {  	_ =	shalt  }
0x72: {  	_ =	shalt  }
0x73: {  	_ =	shalt  }
0x74: {  	_ =	shalt  }
0x75: {  	_ =	shalt  }
0x76: {  	_ =	shalt  }
0x77: {  	_ =	shalt  }
0x78: {  	_ =	shalt  }
0x79: {  	_ =	shalt  }
0x7a: {  	_ =	shalt  }
0x7b: {  	_ =	shalt  }
0x7c: {  	_ =	shalt  }
0x7d: {  	_ =	shalt  }
0x7e: {  	_ =	shalt  }
0x7f: {  	_ =	shalt  }
0x80: {  	_ =	shalt  }
0x81: {  	_ =	shalt  }
0x82: {  	_ =	shalt  }
0x83: {  	_ =	shalt  }
0x84: {  	_ =	shalt  }
0x85: {  	_ =	shalt  }
0x86: {  	_ =	shalt  }
0x87: {  	_ =	shalt  }
.Lfunc_end0:
.L_simem_size_0:
called_computation.1_lowered:
.L_overlay_start_0:
0x88: {  	s2 =	sld [smem:$0x3FD9]  }
0x89: {  	s3 =	sld [smem:$0x3FFE];
	_ =	sdelay $0x1  }
0x8a: {  	s1 =	srdreg.scid  }
0x8b: {  	s0 =	sand.u32 $0x1, s1  }
0x8c: {  	s17 =	sshll.u32 s0, $0xA;
	s2 =	sadd.s32 s3, s2  }
0x8d: {  	s2 =	sadd.s32 s2, s17  }
0x8e: {  	[smem:$0x3FC0] =	sst s2  }
0x8f: {  	_ = 	snop  }
0x90: {  	s2 =	sld [smem:$0x3FD0];
	(tm) =	ssettm $0x1  }
0x91: {  	s18 =	sld [smem:$0x3FFB];
	_ =	sdelay $0x3  }
0x92: {  	_ =	strace s18  }
0x93: {  	s3 =	sld [smem:$0x3FFC];
	_ =	sdelay $0x3  }
0x94: {  	_ =	strace s3  }
0x95: {  	s3 =	sld [smem:$0x3FFD];
	_ =	sdelay $0x3  }
0x96: {  	_ =	strace s3  }
0x97: {  	_ =	strace $0x8FFFFFFF  }
0x98: {  	s19 =	sld [smem:$0x3FDB];
	_ =	sdelay $0x1  }
0x99: {  	s4 =	simm.s32 $_scs_section_size  }
0x9a: {  	s5 =	simm.s32 $_size__tile_overlayer_lowered;
	s6 =	simm.s32 $_tile_overlayer_lowered  }
0x9b: {  	s22 =	simm.s32 $0x1BFF;
	s21 =	sshll.u32 s6, $0x1;
	s3 =	sadd.s32 s4, s19  }
0x9c: {  	s7 =	simm.s32 $0x0;
	s20 =	sshll.u32 s5, $0x1;
	s5 =	sadd.s32 s21, s3  }
0x9d: {  	[timem:s7], [sflag:s22] =	dma.local [hbm:s5], s20  }
0x9e: {  	_ =	swait.ge [sflag:s22], s20  }
0x9f: {  	s4 =	ssub.s32 $0x0, s20;
	[sflag:s22] =	ssyncset.done $0x0  }
0xa0: {  	[sflag:s22] =	ssyncadd.s32 s4;
	_ =	sdelay $0x1  }
0xa1: {  	s23 =	simm.s32 $0x1B8B  }
0xa2: {  	_ =	swait.ge [sflag:s23], $0x1  }
0xa3: {  	[sflag:s23] =	ssyncset.done $0x0  }
0xa4: {  	s25 =	simm.s32 $0x1B8E;
	s24 =	sld [smem:$0x3FFE];
	[sflag:s23] =	ssyncadd.s32 $0xFFFFFFFF  }
0xa5: {  	s26 =	simm.s32 $execute0_lowered;
	[smem:$0x3FD2] =	sst s25  }
0xa6: {  	s5 =	sshll.u32 s26, $0x1;
	_ =	strace $0x80000049;
	[dreg:$0x1] =	wrdreg $0xFFFFFFFF  }
0xa7: {  	s28 =	simm.s32 $_size_execute0_lowered;
	s3 =	sadd.s32 s3, s5;
	[dreg:$0x0] =	wrdreg $0x0  }
0xa8: {  	s5 =	sshll.u32 s28, $0x1;
	[dreg:$0x2] =	wrdreg s3  }
0xa9: {  	[dreg:$0x3] =	wrdreg s5  }
0xaa: {  	[dreg:$0x4] =	wrdreg $0xC0  }
0xab: {  	_ =	task [dreg:s7], $0x5FFFF  }
0xac: {  	[dreg:$0x1] =	wrdreg $0xFFFFFFFF  }
0xad: {  	[dreg:$0x0] =	wrdreg $0x60  }
0xae: {  	[dreg:$0x2] =	wrdreg s24  }
0xaf: {  	[dreg:$0x3] =	wrdreg s2  }
0xb0: {  	[dreg:$0x4] =	wrdreg $0x84000  }
0xb1: {  	[dreg:$0x5] =	wrdreg $0x9  }
0xb2: {  	_ =	task.clear_ibuf [dreg:s7], $0x6FFFF;
	_ =	strace $0x90000049  }
0xb3: {  	s29 =	simm.s32 $0x9;
	_ =	strace $0x8000004B  }
0xb4: {  	_ =	swait.ge [sflag:s29], $0x1  }
0xb5: {  	[sflag:s29] =	ssyncadd.s32 $0xFFFFFFFF  }
0xb6: {  	_ =	strace $0x9000004B  }
0xb7: {  	_ =	sfence  }
0xb8: {  	s30 =	sld [smem:$0x0];
	_ =	sdelay $0x2  }
0xb9: {  	s31 =	sshll.u32 s1, $0xD;
	s1 =	sshrl.u32 s1, $0x2  }
0xba: {  	s3 =	sand.u32 $0x4000, s31;
	s1 =	sadd.s32 s1, s30  }
0xbb: {  	s0 =	sor.u32 s3, s0;
	s1 =	sshll.u32 s1, $0x11  }
0xbc: {  	s0 =	sor.u32 s1, s0  }
0xbd: {  	s0 =	sadd.s32 $0x8F2B, s0  }
0xbe: {  	[sflag:s0] =	ssyncadd.remote.s32 $0x1  }
0xbf: {  	_ =	sfence.sel $0xFFFF  }
0xc0: {  	[dreg:$0x0] =	wrdreg $0xFFFFFFFF;
	(pc) =	sbr.abs _section_cstart, $3  }
0xc1: {  	[dreg:$0x1] =	wrdreg $0xFFFFFFFF  }
0xc2: {  	_ =	task.clear_ibuf [dreg:s7], $0x2FFFF;
	_ =	strace $0x9FFFFFFF  }
0xc3: {  	(tm) =	ssettm $0x7FFFFFFF  }
tec
execute0_lowered:
.L_overlay_start_1:
0x0: {  	(tag) =	ssettag $0x1  }
0x1: {  	s0 =	srdreg.scid;
	s1 =	rddreg [dreg:$0x0]  }
0x2: {  	s12 =	stileid.u32;
	s6 =	rddreg [dreg:$0x1]  }
0x3: {  	s2 =	rddreg [dreg:$0x2];
	s3 =	simm.s32 $0x0;
	s5 =	smul.u32 $0x14000, s12  }
0x4: {  	s28 =	simm.s32 $0x5;
	s29 =	simm.s32 $0x80;
	s8 =	smul.u32 $0x50000, s12  }
0x5: {  	s30 =	simm.s32 $0x1;
	s31 =	simm.s32 $0x8080;
	s10 =	smul.u32 $0x2800, s12  }
0x6: {  	s0 =	sand.u32 $0x1, s0;
	[smem:$0x7FF] =	sst s3;
	s14 =	smul.u32 $0xA400, s12  }
0x7: {  	s7 =	sshll.u32 s12, $0x1;
	s12 =	simm.s32 $0x8280;
	s4 =	smul.u32 $0x140000, s0  }
0x8: {  	_ =	strace $0x8000004A;
	s26 =	ssub.s32 $0x2, s0;
	s7 =	sor.u32 s0, s7  }
0x9: {  	p0 =	seq.s32 s0, $0x1;
	s0 =	smul.u32 $0x5200, s0;
	s9 =	sshrl.u32 s26, $0x1  }
0xa: {  	s7 =	smul.u32 $0x5200, s7;
	s4 =	sadd.s32 s5, s4;
	s11 =	ssub.s32 s26, s9  }
0xb: {  	s9 =	sshrl.u32 s8, $0x2;
	s0 =	sadd.s32 s0, s14;
	s8 =	simm.s32 $0x2  }
0xc: {  	s14 =	simm.s32 $0x8;
	s5 =	sshrl.u32 s4, $0x3;
	s4 =	sadd.s32 $0x2600, s1  }
0xd: {  	s7 =	sshrl.u32 s7, $0x3;
	s22 =	sadd.s32 $0x900, s0;
	s23 =	smax.u32 s11, $0x1  }
0xe: {  	s1 =	sadd.s32 s5, s1;
	s10 =	sadd.s32 s4, s10;
	[dreg:$0x10] =	wrdreg s23  }
0xf: {  	s5 =	sadd.s32 s9, s2;
	s7 =	sadd.s32 s6, s7;
	[dreg:$0x4] =	wrdreg s10  }
0x10: {  	s25 =	sadd.s32 $0x800, s0;
	s13 =	sadd.s32 $0x4000, s5;
	[dreg:$0x7] =	wrdreg s7  }
0x11: {  	s26 =	sadd.s32 $0x700, s0;
	s15 =	sadd.s32 $0x8000, s5;
	[dreg:$0x5] =	wrdreg s13  }
0x12: {  	s0 =	sadd.s32 $0x600, s0;
	s16 =	sadd.s32 $0xC000, s5;
	[dreg:$0x6] =	wrdreg s15  }
0x13: {  	s11 =	simm.s32 $0x3;
	s17 =	sadd.s32 $0x10000, s5;
	[dreg:$0x8] =	wrdreg s16  }
0x14: {  	s24 =	sshrl.u32 s22, $0x3;
	s18 =	sadd.s32 $0x20, s7;
	[dreg:$0x9] =	wrdreg s17  }
0x15: {  	s0 =	sshrl.u32 s0, $0x3;
	s19 =	sadd.s32 $0x40, s7;
	[dreg:$0xa] =	wrdreg s18  }
0x16: {  	s23 =	simm.s32 $0x9;
	s20 =	sadd.s32 $0x60, s7;
	[dreg:$0xb] =	wrdreg s19  }
0x17: {  	s21 =	sadd.s32 $0x80, s7;
	s7 =	sadd.s32 $0xA0, s7;
	[dreg:$0xc] =	wrdreg s20  }
0x18: {  	s1 =	sadd.s32 $0x2A600, s1;
	s22 =	sadd.s32 s0, s6;
	[dreg:$0xd] =	wrdreg s21  }
0x19: {  	s10 =	simm.s32 $0x8180;
	s0 =	simm.s32 $0x7;
	[dreg:$0xe] =	wrdreg s7  }
0x1a: {  	[dreg:$0xf] =	wrdreg s1;
	s19 =	sadd.s32 s24, s6;
	s1 =	sshrl.u32 s25, $0x3  }
0x1b: {  	s7 =	sshrl.u32 s26, $0x3;
	s24 =	simm.s32 $0x8000;
	s25 =	simm.s32 $0x8100  }
0x1c: {  	s26 =	simm.s32 $0x8200;
	s13 =	simm.s32 $0x4;
	s15 =	simm.s32 $0x8380  }
0x1d: {  	s16 =	simm.s32 $0x0;
	s20 =	sadd.s32 s1, s6;
	s21 =	sadd.s32 s7, s6  }
0x1e: {  	v0 =	vimm.f32 $0.0e+00;
	s1 =	simm.s32 $0x8300;
	s6 =	simm.s32 $0x6;
	s7 =	simm.s32 $0x4000  }
.LBB2_1:
.Ltmp0:
0x1f: {  	(pc) =	sbr.rel @!p0 .LBB2_2-.Ltmp0, $1  }
0x20: {  	_ =	sdelay $0x3  }
0x21: {  	s17 =	sshra.s32 s3, $0x2;
	s18 =	sadd.s32 $0x200, s3  }
.LBB2_4:
0x22: {  	p1 =	sne.s32 s18, $0xFE00;
	[tilespmem:s17+$0x70] =	vst v0  }
0x23: {  	[tilespmem:s17+$0x0] =	vst v0  }
0x24: {  	[tilespmem:s17+$0x10] =	vst v0  }
.Ltmp1:
0x25: {  	[tilespmem:s17+$0x20] =	vst v0;
	(pc) =	sbr.rel @p1 .LBB2_4-.Ltmp1, $4  }
0x26: {  	[tilespmem:s17+$0x30] =	vst v0  }
0x27: {  	[tilespmem:s17+$0x40] =	vst v0  }
0x28: {  	[tilespmem:s17+$0x50] =	vst v0  }
0x29: {  	[tilespmem:s17+$0x60] =	vst v0;
	s17 =	sshra.s32 s18, $0x2;
	s18 =	sadd.s32 $0x200, s18  }
0x2a: {  	[tilespmem:s17+$0x70] =	vst v0  }
0x2b: {  	[tilespmem:s17+$0x0] =	vst v0  }
0x2c: {  	[tilespmem:s17+$0x10] =	vst v0  }
0x2d: {  	[tilespmem:s17+$0x20] =	vst v0  }
0x2e: {  	[tilespmem:s17+$0x30] =	vst v0  }
0x2f: {  	[tilespmem:s17+$0x40] =	vst v0  }
0x30: {  	[tilespmem:s17+$0x50] =	vst v0  }
0x31: {  	[tilespmem:s17+$0x60] =	vst v0  }
0x32: {  	[spmem:s5] =	stream.linear.scatter [tilespmem:s3], [sflag:$0x9], $0x4000, $0x38;
	[tilespmem:$0x1C400] =	vst v63  }
0x33: {  	_ =	swait.ge [sflag:s23], $0x4000  }
0x34: {  	[sflag:s23] =	ssyncset.done $0x0  }
0x35: {  	s9 =	rddreg [dreg:$0x5];
	[sflag:s23] =	ssyncadd.s32 $0xFFFFC000  }
0x36: {  	[spmem:s9] =	stream.linear.scatter [tilespmem:s3], [sflag:$0x9], $0x4000, $0x38;
	[tilespmem:$0x1C400] =	vst v63  }
0x37: {  	_ =	swait.ge [sflag:s23], $0x4000  }
0x38: {  	[sflag:s23] =	ssyncset.done $0x0  }
0x39: {  	s18 =	rddreg [dreg:$0x6];
	[sflag:s23] =	ssyncadd.s32 $0xFFFFC000  }
0x3a: {  	[spmem:s18] =	stream.linear.scatter [tilespmem:s3], [sflag:$0x9], $0x4000, $0x38;
	[tilespmem:$0x1C400] =	vst v63  }
0x3b: {  	_ =	swait.ge [sflag:s23], $0x4000  }
0x3c: {  	[sflag:s23] =	ssyncset.done $0x0  }
0x3d: {  	s17 =	rddreg [dreg:$0x8];
	[sflag:s23] =	ssyncadd.s32 $0xFFFFC000  }
0x3e: {  	[spmem:s17] =	stream.linear.scatter [tilespmem:s3], [sflag:$0x9], $0x4000, $0x38;
	[tilespmem:$0x1C400] =	vst v63  }
0x3f: {  	_ =	swait.ge [sflag:s23], $0x4000  }
0x40: {  	[sflag:s23] =	ssyncset.done $0x0  }
.Ltmp2:
0x41: {  	s18 =	rddreg [dreg:$0x9];
	[sflag:s23] =	ssyncadd.s32 $0xFFFFC000;
	(pc) =	sbr.rel .LBB2_6-.Ltmp2, $4  }
0x42: {  	[spmem:s18] =	stream.linear.scatter [tilespmem:s3], [sflag:$0x9], $0x4000, $0x38;
	[tilespmem:$0x1C400] =	vst v63  }
0x43: {  	_ =	swait.ge [sflag:s23], $0x4000  }
0x44: {  	[sflag:s23] =	ssyncset.done $0x0  }
0x45: {  	[sflag:s23] =	ssyncadd.s32 $0xFFFFC000  }
.LBB2_2:
0x46: {  	s9 =	stileid.u32  }
0x47: {  	s17 =	sshll.u32 s9, $0x6  }
0x48: {  	s18 =	sshrl.u32 s5, $0x3;
	s9 =	rddreg [dreg:$0x4];
	s17 =	sor.u32 $0x1C09, s17  }
0x49: {  	[spmem:s18], [sflag:s17] =	dma.local [hbm:s9], $0x2800  }
0x4a: {  	_ =	swait.ge [sflag:s23], $0x2800  }
0x4b: {  	[sflag:s23] =	ssyncset.done $0x0  }
0x4c: {  	[sflag:s23] =	ssyncadd.s32 $0xFFFFD800  }
.LBB2_6:
0x4d: {  	[bflag:$0x0] =	sbarrier.arrive $0xFFFF  }
0x4e: {  	s17 =	simm.s32 $0x0;
	s9 =	rddreg [dreg:$0x7]  }
0x4f: {  	[tilespmem:s24], [sflag:$0x5] =	stream.linear.gather [hbm4b:s9+s17], $0x100, $0x38;
	[tilespmem:$0x1C400] =	vst v63  }
0x50: {  	s18 =	rddreg [dreg:$0xa]  }
0x51: {  	[tilespmem:s25], [sflag:$0x6] =	stream.linear.gather [hbm4b:s18+s17], $0x100, $0x38;
	[tilespmem:$0x1C400] =	vst v63  }
0x52: {  	s18 =	rddreg [dreg:$0xb]  }
0x53: {  	[tilespmem:s26], [sflag:$0x7] =	stream.linear.gather [hbm4b:s18+s17], $0x100, $0x38;
	[tilespmem:$0x1C400] =	vst v63  }
0x54: {  	_ =	swait.ge [sflag:s28], $0x100  }
0x55: {  	[sflag:s28] =	ssyncset.done $0x0  }
0x56: {  	[sflag:s28] =	ssyncadd.s32 $0xFFFFFF00  }
0x57: {  	[tilespmem:s17], [sflag:$0x1] =	stream.indirect.gather [hbm4b:s4+s29], $0x80, s24, s29, $0xb8;
	[tilespmem:$0x1C400] =	vst v63  }
0x58: {  	_ =	swait.ge [sflag:s30], $0x4000  }
0x59: {  	[sflag:s30] =	ssyncset.done $0x0  }
0x5a: {  	[sflag:s30] =	ssyncadd.s32 $0xFFFFC000  }
0x5b: {  	[spmem:s2] =	stream.indirect.scatter.add.f32 [tilespmem:s17], [sflag:$0x3], $0x80, s31, s29, $0xb8;
	[tilespmem:$0x1C400] =	vst v63  }
0x5c: {  	s18 =	rddreg [dreg:$0xc]  }
0x5d: {  	[tilespmem:s1], [sflag:$0x8] =	stream.linear.gather [hbm4b:s18+s17], $0x100, $0x38;
	[tilespmem:$0x1C400] =	vst v63  }
0x5e: {  	_ =	swait.ge [sflag:s6], $0x100  }
0x5f: {  	[sflag:s6] =	ssyncset.done $0x0  }
0x60: {  	[sflag:s6] =	ssyncadd.s32 $0xFFFFFF00  }
0x61: {  	[tilespmem:s7], [sflag:$0x2] =	stream.indirect.gather [hbm4b:s4+s29], $0x80, s25, s29, $0xb8;
	[tilespmem:$0x1C400] =	vst v63  }
0x62: {  	_ =	swait.ge [sflag:s8], $0x4000  }
0x63: {  	[sflag:s8] =	ssyncset.done $0x0  }
0x64: {  	[sflag:s8] =	ssyncadd.s32 $0xFFFFC000  }
0x65: {  	[spmem:s2] =	stream.indirect.scatter.add.f32 [tilespmem:s7], [sflag:$0x4], $0x80, s10, s29, $0xb8;
	[tilespmem:$0x1C400] =	vst v63  }
0x66: {  	_ =	swait.ge [sflag:s11], $0x4000  }
0x67: {  	[sflag:s11] =	ssyncset.done $0x0  }
0x68: {  	s18 =	rddreg [dreg:$0xd];
	[sflag:s11] =	ssyncadd.s32 $0xFFFFC000  }
0x69: {  	[tilespmem:s24], [sflag:$0x5] =	stream.linear.gather [hbm4b:s18+s17], $0x100, $0x38;
	[tilespmem:$0x1C400] =	vst v63  }
0x6a: {  	_ =	swait.ge [sflag:s0], $0x100  }
0x6b: {  	[sflag:s0] =	ssyncset.done $0x0  }
0x6c: {  	[sflag:s0] =	ssyncadd.s32 $0xFFFFFF00  }
0x6d: {  	[tilespmem:s17], [sflag:$0x1] =	stream.indirect.gather [hbm4b:s4+s29], $0x80, s26, s29, $0xb8;
	[tilespmem:$0x1C400] =	vst v63  }
0x6e: {  	_ =	swait.ge [sflag:s30], $0x4000  }
0x6f: {  	[sflag:s30] =	ssyncset.done $0x0  }
0x70: {  	[sflag:s30] =	ssyncadd.s32 $0xFFFFC000  }
0x71: {  	[spmem:s2] =	stream.indirect.scatter.add.f32 [tilespmem:s17], [sflag:$0x3], $0x80, s12, s29, $0xb8;
	[tilespmem:$0x1C400] =	vst v63  }
0x72: {  	_ =	swait.ge [sflag:s13], $0x4000  }
0x73: {  	[sflag:s13] =	ssyncset.done $0x0  }
0x74: {  	s18 =	rddreg [dreg:$0xe];
	[sflag:s13] =	ssyncadd.s32 $0xFFFFC000  }
0x75: {  	[tilespmem:s25], [sflag:$0x6] =	stream.linear.gather [hbm4b:s18+s17], $0x100, $0x38;
	[tilespmem:$0x1C400] =	vst v63  }
0x76: {  	_ =	swait.ge [sflag:s14], $0x100  }
0x77: {  	[sflag:s14] =	ssyncset.done $0x0  }
0x78: {  	[sflag:s14] =	ssyncadd.s32 $0xFFFFFF00  }
0x79: {  	[tilespmem:s7], [sflag:$0x2] =	stream.indirect.gather [hbm4b:s4+s29], $0x80, s1, s29, $0xb8;
	[tilespmem:$0x1C400] =	vst v63  }
0x7a: {  	_ =	swait.ge [sflag:s8], $0x4000  }
0x7b: {  	[sflag:s8] =	ssyncset.done $0x0  }
0x7c: {  	[sflag:s8] =	ssyncadd.s32 $0xFFFFC000  }
0x7d: {  	[spmem:s2] =	stream.indirect.scatter.add.f32 [tilespmem:s7], [sflag:$0x4], $0x80, s15, s29, $0xb8;
	[tilespmem:$0x1C400] =	vst v63  }
0x7e: {  	_ =	swait.ge [sflag:s11], $0x4000  }
0x7f: {  	[sflag:s11] =	ssyncset.done $0x0  }
0x80: {  	s9 =	sadd.s32 $0x0, s22;
	[sflag:s11] =	ssyncadd.s32 $0xFFFFC000  }
0x81: {  	[tilespmem:s26], [sflag:$0x7] =	stream.linear.gather [hbm4b:s9+s3], $0x100, $0x38;
	[tilespmem:$0x1C400] =	vst v63  }
0x82: {  	_ =	swait.ge [sflag:s28], $0x100  }
0x83: {  	[sflag:s28] =	ssyncset.done $0x0  }
0x84: {  	[sflag:s28] =	ssyncadd.s32 $0xFFFFFF00  }
0x85: {  	[tilespmem:s3], [sflag:$0x1] =	stream.indirect.gather [hbm4b:s4+s29], $0x80, s24, s29, $0xb8;
	[tilespmem:$0x1C400] =	vst v63  }
0x86: {  	_ =	swait.ge [sflag:s30], $0x4000  }
0x87: {  	[sflag:s30] =	ssyncset.done $0x0  }
0x88: {  	[sflag:s30] =	ssyncadd.s32 $0xFFFFC000  }
0x89: {  	[spmem:s2] =	stream.indirect.scatter.add.f32 [tilespmem:s3], [sflag:$0x3], $0x80, s31, s29, $0xb8;
	[tilespmem:$0x1C400] =	vst v63  }
0x8a: {  	_ =	swait.ge [sflag:s13], $0x4000  }
0x8b: {  	[sflag:s13] =	ssyncset.done $0x0  }
0x8c: {  	s18 =	sadd.s32 $0x0, s21;
	[sflag:s13] =	ssyncadd.s32 $0xFFFFC000  }
0x8d: {  	[tilespmem:s1], [sflag:$0x8] =	stream.linear.gather [hbm4b:s18+s3], $0x100, $0x38;
	[tilespmem:$0x1C400] =	vst v63  }
0x8e: {  	_ =	swait.ge [sflag:s6], $0x100  }
0x8f: {  	[sflag:s6] =	ssyncset.done $0x0  }
0x90: {  	[sflag:s6] =	ssyncadd.s32 $0xFFFFFF00  }
0x91: {  	[tilespmem:s7], [sflag:$0x2] =	stream.indirect.gather [hbm4b:s4+s29], $0x80, s25, s29, $0xb8;
	[tilespmem:$0x1C400] =	vst v63  }
0x92: {  	_ =	swait.ge [sflag:s8], $0x4000  }
0x93: {  	[sflag:s8] =	ssyncset.done $0x0  }
0x94: {  	[sflag:s8] =	ssyncadd.s32 $0xFFFFC000  }
0x95: {  	[spmem:s2] =	stream.indirect.scatter.add.f32 [tilespmem:s7], [sflag:$0x4], $0x80, s10, s29, $0xb8;
	[tilespmem:$0x1C400] =	vst v63  }
0x96: {  	_ =	swait.ge [sflag:s11], $0x4000  }
0x97: {  	[sflag:s11] =	ssyncset.done $0x0  }
0x98: {  	s9 =	sadd.s32 $0x0, s20;
	[sflag:s11] =	ssyncadd.s32 $0xFFFFC000  }
0x99: {  	[tilespmem:s24], [sflag:$0x5] =	stream.linear.gather [hbm4b:s9+s3], $0x100, $0x38;
	[tilespmem:$0x1C400] =	vst v63  }
0x9a: {  	_ =	swait.ge [sflag:s0], $0x100  }
0x9b: {  	[sflag:s0] =	ssyncset.done $0x0  }
0x9c: {  	[sflag:s0] =	ssyncadd.s32 $0xFFFFFF00  }
0x9d: {  	[tilespmem:s3], [sflag:$0x1] =	stream.indirect.gather [hbm4b:s4+s29], $0x80, s26, s29, $0xb8;
	[tilespmem:$0x1C400] =	vst v63  }
0x9e: {  	_ =	swait.ge [sflag:s30], $0x4000  }
0x9f: {  	[sflag:s30] =	ssyncset.done $0x0  }
0xa0: {  	[sflag:s30] =	ssyncadd.s32 $0xFFFFC000  }
0xa1: {  	[spmem:s2] =	stream.indirect.scatter.add.f32 [tilespmem:s3], [sflag:$0x3], $0x80, s12, s29, $0xb8;
	[tilespmem:$0x1C400] =	vst v63  }
0xa2: {  	_ =	swait.ge [sflag:s13], $0x4000  }
0xa3: {  	[sflag:s13] =	ssyncset.done $0x0  }
0xa4: {  	s18 =	sadd.s32 $0x0, s19;
	[sflag:s13] =	ssyncadd.s32 $0xFFFFC000  }
0xa5: {  	[tilespmem:s25], [sflag:$0x6] =	stream.linear.gather [hbm4b:s18+s3], $0x100, $0x38;
	[tilespmem:$0x1C400] =	vst v63  }
0xa6: {  	_ =	swait.ge [sflag:s14], $0x100  }
0xa7: {  	[sflag:s14] =	ssyncset.done $0x0  }
0xa8: {  	[sflag:s14] =	ssyncadd.s32 $0xFFFFFF00  }
0xa9: {  	[tilespmem:s7], [sflag:$0x2] =	stream.indirect.gather [hbm4b:s4+s29], $0x80, s1, s29, $0xb8;
	[tilespmem:$0x1C400] =	vst v63  }
0xaa: {  	_ =	swait.ge [sflag:s8], $0x4000  }
0xab: {  	[sflag:s8] =	ssyncset.done $0x0  }
0xac: {  	s17 =	simm.s32 $0x80;
	[sflag:s8] =	ssyncadd.s32 $0xFFFFC000  }
.LBB2_7:
0xad: {  	[spmem:s2] =	stream.indirect.scatter.add.f32 [tilespmem:s7], [sflag:$0x4], $0x80, s15, s29, $0xb8;
	[tilespmem:$0x1C400] =	vst v63  }
0xae: {  	s18 =	smov.u32 s17  }
0xaf: {  	p1 =	sne.s32 s17, $0x900;
	s17 =	sadd.s32 $0x80, s17;
	_ =	swait.ge [sflag:s11], $0x4000  }
0xb0: {  	[sflag:s11] =	ssyncset.done $0x0  }
0xb1: {  	s9 =	sadd.s32 s18, s22;
	[sflag:s11] =	ssyncadd.s32 $0xFFFFC000  }
0xb2: {  	[tilespmem:s26], [sflag:$0x7] =	stream.linear.gather [hbm4b:s9+s3], $0x100, $0x38;
	[tilespmem:$0x1C400] =	vst v63  }
0xb3: {  	_ =	swait.ge [sflag:s28], $0x100  }
0xb4: {  	[sflag:s28] =	ssyncset.done $0x0  }
0xb5: {  	[sflag:s28] =	ssyncadd.s32 $0xFFFFFF00  }
0xb6: {  	[tilespmem:s3], [sflag:$0x1] =	stream.indirect.gather [hbm4b:s4+s29], $0x80, s24, s29, $0xb8;
	[tilespmem:$0x1C400] =	vst v63  }
0xb7: {  	_ =	swait.ge [sflag:s30], $0x4000  }
0xb8: {  	[sflag:s30] =	ssyncset.done $0x0  }
0xb9: {  	[sflag:s30] =	ssyncadd.s32 $0xFFFFC000  }
0xba: {  	[spmem:s2] =	stream.indirect.scatter.add.f32 [tilespmem:s3], [sflag:$0x3], $0x80, s31, s29, $0xb8;
	[tilespmem:$0x1C400] =	vst v63  }
0xbb: {  	_ =	swait.ge [sflag:s13], $0x4000  }
0xbc: {  	[sflag:s13] =	ssyncset.done $0x0  }
0xbd: {  	s9 =	sadd.s32 s18, s21;
	[sflag:s13] =	ssyncadd.s32 $0xFFFFC000  }
0xbe: {  	[tilespmem:s1], [sflag:$0x8] =	stream.linear.gather [hbm4b:s9+s3], $0x100, $0x38;
	[tilespmem:$0x1C400] =	vst v63  }
0xbf: {  	_ =	swait.ge [sflag:s6], $0x100  }
0xc0: {  	[sflag:s6] =	ssyncset.done $0x0  }
0xc1: {  	[sflag:s6] =	ssyncadd.s32 $0xFFFFFF00  }
0xc2: {  	[tilespmem:s7], [sflag:$0x2] =	stream.indirect.gather [hbm4b:s4+s29], $0x80, s25, s29, $0xb8;
	[tilespmem:$0x1C400] =	vst v63  }
0xc3: {  	_ =	swait.ge [sflag:s8], $0x4000  }
0xc4: {  	[sflag:s8] =	ssyncset.done $0x0  }
0xc5: {  	[sflag:s8] =	ssyncadd.s32 $0xFFFFC000  }
0xc6: {  	[spmem:s2] =	stream.indirect.scatter.add.f32 [tilespmem:s7], [sflag:$0x4], $0x80, s10, s29, $0xb8;
	[tilespmem:$0x1C400] =	vst v63  }
0xc7: {  	_ =	swait.ge [sflag:s11], $0x4000  }
0xc8: {  	[sflag:s11] =	ssyncset.done $0x0  }
0xc9: {  	s9 =	sadd.s32 s18, s20;
	[sflag:s11] =	ssyncadd.s32 $0xFFFFC000  }
0xca: {  	[tilespmem:s24], [sflag:$0x5] =	stream.linear.gather [hbm4b:s9+s3], $0x100, $0x38;
	[tilespmem:$0x1C400] =	vst v63  }
0xcb: {  	_ =	swait.ge [sflag:s0], $0x100  }
0xcc: {  	[sflag:s0] =	ssyncset.done $0x0  }
0xcd: {  	[sflag:s0] =	ssyncadd.s32 $0xFFFFFF00  }
0xce: {  	[tilespmem:s3], [sflag:$0x1] =	stream.indirect.gather [hbm4b:s4+s29], $0x80, s26, s29, $0xb8;
	[tilespmem:$0x1C400] =	vst v63  }
0xcf: {  	_ =	swait.ge [sflag:s30], $0x4000  }
0xd0: {  	[sflag:s30] =	ssyncset.done $0x0  }
0xd1: {  	[sflag:s30] =	ssyncadd.s32 $0xFFFFC000  }
0xd2: {  	[spmem:s2] =	stream.indirect.scatter.add.f32 [tilespmem:s3], [sflag:$0x3], $0x80, s12, s29, $0xb8;
	[tilespmem:$0x1C400] =	vst v63  }
0xd3: {  	_ =	swait.ge [sflag:s13], $0x4000  }
0xd4: {  	[sflag:s13] =	ssyncset.done $0x0  }
0xd5: {  	s9 =	sadd.s32 s18, s19;
	[sflag:s13] =	ssyncadd.s32 $0xFFFFC000  }
0xd6: {  	[tilespmem:s25], [sflag:$0x6] =	stream.linear.gather [hbm4b:s9+s3], $0x100, $0x38;
	[tilespmem:$0x1C400] =	vst v63  }
0xd7: {  	_ =	swait.ge [sflag:s14], $0x100  }
0xd8: {  	[sflag:s14] =	ssyncset.done $0x0  }
.Ltmp3:
0xd9: {  	[sflag:s14] =	ssyncadd.s32 $0xFFFFFF00;
	(pc) =	sbr.rel @p1 .LBB2_7-.Ltmp3, $4  }
0xda: {  	[tilespmem:s7], [sflag:$0x2] =	stream.indirect.gather [hbm4b:s4+s29], $0x80, s1, s29, $0xb8;
	[tilespmem:$0x1C400] =	vst v63  }
0xdb: {  	_ =	swait.ge [sflag:s8], $0x4000  }
0xdc: {  	[sflag:s8] =	ssyncset.done $0x0  }
0xdd: {  	[sflag:s8] =	ssyncadd.s32 $0xFFFFC000  }
0xde: {  	[spmem:s2] =	stream.indirect.scatter.add.f32 [tilespmem:s7], [sflag:$0x4], $0x80, s15, s29, $0xb8;
	[tilespmem:$0x1C400] =	vst v63  }
0xdf: {  	_ =	swait.ge [sflag:s11], $0x4000  }
0xe0: {  	[sflag:s11] =	ssyncset.done $0x0  }
0xe1: {  	[sflag:s11] =	ssyncadd.s32 $0xFFFFC000  }
0xe2: {  	_ =	swait.ge [sflag:s13], $0x4000  }
0xe3: {  	[sflag:s13] =	ssyncset.done $0x0  }
0xe4: {  	[sflag:s13] =	ssyncadd.s32 $0xFFFFC000  }
0xe5: {  	_ =	swait.ge [sflag:s28], $0x100  }
0xe6: {  	[sflag:s28] =	ssyncset.done $0x0  }
0xe7: {  	[sflag:s28] =	ssyncadd.s32 $0xFFFFFF00  }
0xe8: {  	_ =	swait.ge [sflag:s6], $0x100  }
0xe9: {  	[sflag:s6] =	ssyncset.done $0x0  }
0xea: {  	s9 =	stileid.u32;
	[sflag:s6] =	ssyncadd.s32 $0xFFFFFF00  }
0xeb: {  	s9 =	sshll.u32 s9, $0x6;
	[bflag:$0x0] =	sbarrier.arrive $0xFFFF  }
0xec: {  	s17 =	sshrl.u32 s5, $0x3;
	s9 =	sor.u32 $0x1C09, s9;
	s18 =	rddreg [dreg:$0xf]  }
0xed: {  	[hbm:s18], [sflag:s9] =	dma.local [spmem:s17], $0x2800  }
0xee: {  	_ =	swait.ge [sflag:s23], $0x2800  }
0xef: {  	s16 =	sadd.s32 $0x1, s16;
	s18 =	rddreg [dreg:$0x10]  }
0xf0: {  	p1 =	sne.s32 s16, s18  }
.Ltmp4:
0xf1: {  	_ = 	snop;
	(pc) =	sbr.rel @p1 .LBB2_1-.Ltmp4, $3  }
0xf2: {  	_ =	sdelay $0x1  }
0xf3: {  	[sflag:s23] =	ssyncset.done $0x0  }
0xf4: {  	[sflag:s23] =	ssyncadd.s32 $0xFFFFD800  }
0xf5: {  	_ =	sfence.sel $0x180000  }
0xf6: {  	[bflag:$0x0] =	sbarrier.arrive $0xFFFF  }
0xf7: {  	_ =	strace $0x9000004A  }
0xf8: {  	s0 =	stileid.u32;
	[bflag:$0x2] =	sbarrier.arrive $0xFFFF  }
0xf9: {  	p0 =	sne.s32 s0, $0x0;
	s0 =	rddreg [dreg:$0x3]  }
0xfa: {  	s0 =	sadd.s32 @!p0 $0x100000, s0  }
0xfb: {  	[sflag:s0] =	ssyncadd.tile.s32 @!p0 $0x1;
	_ =	shalt  }
.Lfunc_end2:
_tile_overlayer_lowered:
.L_overlay_start_2:
0xfc: {  	(tag) =	ssettag $0x2  }
0xfd: {  	s0 =	rddreg [dreg:$0x0];
	s2 =	stileid.u32  }
0xfe: {  	s1 =	rddreg [dreg:$0x1];
	p0 =	sne.s32 s2, $0x0  }
0xff: {  	s3 =	rddreg [dreg:$0x2];
	[bflag:$0x3] =	sbarrier.arrive $0xFFFF;
	s2 =	simm.s32 @!p0 $0x1C09  }
0x100: {  	[timem:s3], [sflag:s2] =	dma.local @!p0 [hbm:s0], s1  }
0x101: {  	s0 =	simm.s32 @!p0 $0x9  }
0x102: {  	_ =	swait.ge @!p0 [sflag:s0], s1  }
0x103: {  	s1 =	ssub.s32 @!p0 $0x0, s1;
	[sflag:s0] =	ssyncset.done @!p0 $0x0  }
0x104: {  	[sflag:s0] =	ssyncadd.s32 @!p0 s1  }
0x105: {  	[bflag:$0x3] =	sbarrier.arrive $0xFFFF  }
0x106: {  	_ =	shalt  }

// kernel: kernel.14.cloned.1.call-start
scs
__scs_entry_jumppad:
0x0: {  	(pc) =	sbr.rel $0x88, $3  }
0x1: {  	(tag) =	ssettag $0x0;
	lr =	simm.s32 $0x1  }
0x2: {  	[smem:$0x3F99] =	sst lr;
	_ =	strace $0xD0000000  }
0x3: {  	_ = 	snop  }
0x4: {  	_ = 	snop  }
0x5: {  	_ = 	snop  }
0x6: {  	_ = 	snop  }
0x7: {  	_ = 	snop  }
__scs_overlays_trampoline_lowered:
0x8: {  	[smem:$0x3FA8] =	sst s0  }
0x9: {  	[smem:$0x3FA9] =	sst s1  }
0xa: {  	[smem:$0x3FAA] =	sst s2  }
0xb: {  	[smem:$0x3FAB] =	sst s3  }
0xc: {  	[smem:$0x3FAC] =	sst s4  }
0xd: {  	[smem:$0x3FAD] =	sst s5  }
0xe: {  	[smem:$0x3FAE] =	sst s6  }
0xf: {  	[smem:$0x3FAF] =	sst s7  }
0x10: {  	[smem:$0x3FB0] =	sst s8  }
0x11: {  	[smem:$0x3FB1] =	sst s9;
	s0 =	simm.s32 @!p0 $0x0  }
0x12: {  	s1 =	sld [smem:$0x3F97];
	s0 =	simm.s32 @p0 $0x1  }
0x13: {  	[smem:$0x3FB2] =	sst s0;
	s0 =	simm.s32 @!p1 $0x0  }
0x14: {  	s2 =	sld [smem:$0x3F96];
	s0 =	simm.s32 @p1 $0x1  }
0x15: {  	[smem:$0x3FB3] =	sst s0;
	s0 =	simm.s32 @!p2 $0x0  }
0x16: {  	s3 =	sld [smem:$0x3FDB];
	s0 =	simm.s32 @p2 $0x1  }
0x17: {  	s4 =	simm.s32 $0x1BF5;
	[smem:$0x3FB5] =	sst s0  }
0x18: {  	s0 =	sld [smem:$0x3F98];
	_ =	swait.ge [sflag:s4], $0x0  }
0x19: {  	s7 =	sld [smem:$0x3F99]  }
0x1a: {  	s8 =	sadd.s32 $0xFFFFE003, lr  }
0x1b: {  	s9 =	sadd.s32 $0xFFFFFEF7, lr;
	s5 =	simm.s32 $0xFFFFFFFF;
	p2 =	slt.u32 s8, $0xFFFFF086  }
0x1c: {  	p1 =	slt.u32 s9, $0xF7A;
	s5 =	simm.s32 @!p2 $0x0  }
0x1d: {  	s5 =	simm.s32 @p1 $0x1;
	p0 =	seq.s32 s7, s2  }
0x1e: {  	s7 =	smul.u32 @!p0 $0xF7A, s2;
	p2 =	seq.s32 @!p0 s5, $0x0  }
0x1f: {  	s9 =	smul.u32 $0xF7A, s1;
	s8 =	simm.s32 @!p0 $0x1BF5;
	p2 =	por !p2, p0  }
0x20: {  	[sflag:s8] =	ssyncset.s32 @!p0 $0xFFFFF086;
	s6 =	sadd.s32 @!p0 s3, s7;
	s7 =	simm.s32 @!p0 $0x108  }
0x21: {  	s3 =	sadd.s32 s3, s9;
	s6 =	sadd.s32 @!p0 $0x88, s6;
	s7 =	simm.s32 @p2 $0x1082  }
0x22: {  	[simem:s7], [sflag:s8] =	dma.local @!p0 [hbm:s6], $0xF7A  }
0x23: {  	s9 =	sor.u32 $0xD0000000, s2;
	s6 =	simm.s32 $0x108;
	_ =	swait.ge @!p0 [sflag:s8], $0x0  }
0x24: {  	s3 =	sadd.s32 $0x88, s3;
	s6 =	simm.s32 @!p1 $0x1082;
	[sflag:s4] =	ssyncset.s32 $0xFFFFF086  }
0x25: {  	[simem:s6], [sflag:s4] =	dma.local [hbm:s3], $0xF7A  }
0x26: {  	[smem:$0x3F99] =	sst s1;
	(tag) =	ssettag s2;
	_ =	strace s9  }
0x27: {  	s1 =	sld [smem:$0x3FA9]  }
0x28: {  	s2 =	sld [smem:$0x3FAA]  }
0x29: {  	s4 =	sld [smem:$0x3FAC]  }
0x2a: {  	p0 =	seq.s32 s5, $0x0;
	s5 =	sld [smem:$0x3FAD]  }
0x2b: {  	s6 =	sld [smem:$0x3FAE]  }
0x2c: {  	s7 =	sld [smem:$0x3FAF]  }
0x2d: {  	s3 =	simm.s32 $0x108;
	s8 =	sld [smem:$0x3FB0]  }
0x2e: {  	s3 =	simm.s32 @!p0 $0x1082;
	s9 =	sld [smem:$0x3FB1]  }
0x2f: {  	lr =	sadd.s32 s0, s3;
	s0 =	sld [smem:$0x3FA8]  }
0x30: {  	s3 =	sld [smem:$0x3FAB]  }
0x31: {  	[smem:$0x3FB4] =	sst s10  }
0x32: {  	s10 =	sld [smem:$0x3FB2];
	_ =	sdelay $0x3  }
0x33: {  	p0 =	seq.s32 s10, $0x1;
	s10 =	sld [smem:$0x3FB4];
	_ =	sdelay $0x3  }
0x34: {  	[smem:$0x3FB4] =	sst s10  }
0x35: {  	s10 =	sld [smem:$0x3FB3];
	_ =	sdelay $0x3  }
0x36: {  	p1 =	seq.s32 s10, $0x1;
	s10 =	sld [smem:$0x3FB4];
	_ =	sdelay $0x3  }
0x37: {  	[smem:$0x3FB4] =	sst s10  }
0x38: {  	s10 =	sld [smem:$0x3FB5]  }
0x39: {  	_ = 	snop;
	(pc) =	sbr.ind lr, $3  }
0x3a: {  	_ = 	snop  }
0x3b: {  	_ = 	snop  }
0x3c: {  	p2 =	seq.s32 s10, $0x1;
	s10 =	sld [smem:$0x3FB4]  }
0x3d: {  	_ =	shalt  }
0x3e: {  	_ =	shalt  }
0x3f: {  	_ =	shalt  }
0x40: {  	_ =	shalt  }
0x41: {  	_ =	shalt  }
0x42: {  	_ =	shalt  }
0x43: {  	_ =	shalt  }
0x44: {  	_ =	shalt  }
0x45: {  	_ =	shalt  }
0x46: {  	_ =	shalt  }
0x47: {  	_ =	shalt  }
0x48: {  	_ =	shalt  }
0x49: {  	_ =	shalt  }
0x4a: {  	_ =	shalt  }
0x4b: {  	_ =	shalt  }
0x4c: {  	_ =	shalt  }
0x4d: {  	_ =	shalt  }
0x4e: {  	_ =	shalt  }
0x4f: {  	_ =	shalt  }
0x50: {  	_ =	shalt  }
0x51: {  	_ =	shalt  }
0x52: {  	_ =	shalt  }
0x53: {  	_ =	shalt  }
0x54: {  	_ =	shalt  }
0x55: {  	_ =	shalt  }
0x56: {  	_ =	shalt  }
0x57: {  	_ =	shalt  }
0x58: {  	_ =	shalt  }
0x59: {  	_ =	shalt  }
0x5a: {  	_ =	shalt  }
0x5b: {  	_ =	shalt  }
0x5c: {  	_ =	shalt  }
0x5d: {  	_ =	shalt  }
0x5e: {  	_ =	shalt  }
0x5f: {  	_ =	shalt  }
0x60: {  	_ =	shalt  }
0x61: {  	_ =	shalt  }
0x62: {  	_ =	shalt  }
0x63: {  	_ =	shalt  }
0x64: {  	_ =	shalt  }
0x65: {  	_ =	shalt  }
0x66: {  	_ =	shalt  }
0x67: {  	_ =	shalt  }
0x68: {  	_ =	shalt  }
0x69: {  	_ =	shalt  }
0x6a: {  	_ =	shalt  }
0x6b: {  	_ =	shalt  }
0x6c: {  	_ =	shalt  }
0x6d: {  	_ =	shalt  }
0x6e: {  	_ =	shalt  }
0x6f: {  	_ =	shalt  }
0x70: {  	_ =	shalt  }
0x71: {  	_ =	shalt  }
0x72: {  	_ =	shalt  }
0x73: {  	_ =	shalt  }
0x74: {  	_ =	shalt  }
0x75: {  	_ =	shalt  }
0x76: {  	_ =	shalt  }
0x77: {  	_ =	shalt  }
0x78: {  	_ =	shalt  }
0x79: {  	_ =	shalt  }
0x7a: {  	_ =	shalt  }
0x7b: {  	_ =	shalt  }
0x7c: {  	_ =	shalt  }
0x7d: {  	_ =	shalt  }
0x7e: {  	_ =	shalt  }
0x7f: {  	_ =	shalt  }
0x80: {  	_ =	shalt  }
0x81: {  	_ =	shalt  }
0x82: {  	_ =	shalt  }
0x83: {  	_ =	shalt  }
0x84: {  	_ =	shalt  }
0x85: {  	_ =	shalt  }
0x86: {  	_ =	shalt  }
0x87: {  	_ =	shalt  }
.Lfunc_end0:
.L_simem_size_0:
called_computation.2_lowered:
.L_overlay_start_0:
0x88: {  	s2 =	sld [smem:$0x3FD9]  }
0x89: {  	s3 =	sld [smem:$0x3FFE];
	_ =	sdelay $0x1  }
0x8a: {  	s1 =	srdreg.scid  }
0x8b: {  	s0 =	sand.u32 $0x1, s1  }
0x8c: {  	s17 =	sshll.u32 s0, $0xA;
	s2 =	sadd.s32 s3, s2  }
0x8d: {  	s2 =	sadd.s32 s2, s17  }
0x8e: {  	[smem:$0x3FC0] =	sst s2  }
0x8f: {  	_ = 	snop  }
0x90: {  	s2 =	sld [smem:$0x3FD0];
	(tm) =	ssettm $0x1  }
0x91: {  	s18 =	sld [smem:$0x3FFB];
	_ =	sdelay $0x3  }
0x92: {  	_ =	strace s18  }
0x93: {  	s3 =	sld [smem:$0x3FFC];
	_ =	sdelay $0x3  }
0x94: {  	_ =	strace s3  }
0x95: {  	s3 =	sld [smem:$0x3FFD];
	_ =	sdelay $0x3  }
0x96: {  	_ =	strace s3  }
0x97: {  	_ =	strace $0x8FFFFFFF  }
0x98: {  	s19 =	sld [smem:$0x3FDB];
	_ =	sdelay $0x1  }
0x99: {  	s4 =	simm.s32 $_scs_section_size  }
0x9a: {  	s5 =	simm.s32 $_size__tile_overlayer_lowered;
	s6 =	simm.s32 $_tile_overlayer_lowered  }
0x9b: {  	s22 =	simm.s32 $0x1BFF;
	s21 =	sshll.u32 s6, $0x1;
	s3 =	sadd.s32 s4, s19  }
0x9c: {  	s7 =	simm.s32 $0x0;
	s20 =	sshll.u32 s5, $0x1;
	s5 =	sadd.s32 s21, s3  }
0x9d: {  	[timem:s7], [sflag:s22] =	dma.local [hbm:s5], s20  }
0x9e: {  	_ =	swait.ge [sflag:s22], s20  }
0x9f: {  	s4 =	ssub.s32 $0x0, s20;
	[sflag:s22] =	ssyncset.done $0x0  }
0xa0: {  	[sflag:s22] =	ssyncadd.s32 s4;
	_ =	sdelay $0x1  }
0xa1: {  	s23 =	simm.s32 $0x1B8B  }
0xa2: {  	_ =	swait.ge [sflag:s23], $0x1  }
0xa3: {  	[sflag:s23] =	ssyncset.done $0x0  }
0xa4: {  	s25 =	simm.s32 $0x1B8E;
	s24 =	sld [smem:$0x3FFE];
	[sflag:s23] =	ssyncadd.s32 $0xFFFFFFFF  }
0xa5: {  	s26 =	simm.s32 $execute0_lowered;
	[smem:$0x3FD2] =	sst s25  }
0xa6: {  	s5 =	sshll.u32 s26, $0x1;
	_ =	strace $0x8000004C;
	[dreg:$0x1] =	wrdreg $0xFFFFFFFF  }
0xa7: {  	s28 =	simm.s32 $_size_execute0_lowered;
	s3 =	sadd.s32 s3, s5;
	[dreg:$0x0] =	wrdreg $0x0  }
0xa8: {  	s5 =	sshll.u32 s28, $0x1;
	[dreg:$0x2] =	wrdreg s3  }
0xa9: {  	[dreg:$0x3] =	wrdreg s5  }
0xaa: {  	[dreg:$0x4] =	wrdreg $0xC0  }
0xab: {  	_ =	task [dreg:s7], $0x5FFFF  }
0xac: {  	[dreg:$0x1] =	wrdreg $0xFFFFFFFF  }
0xad: {  	[dreg:$0x0] =	wrdreg $0x60  }
0xae: {  	[dreg:$0x2] =	wrdreg s24  }
0xaf: {  	[dreg:$0x3] =	wrdreg s2  }
0xb0: {  	[dreg:$0x4] =	wrdreg $0x84000  }
0xb1: {  	[dreg:$0x5] =	wrdreg $0x9  }
0xb2: {  	_ =	task.clear_ibuf [dreg:s7], $0x6FFFF;
	_ =	strace $0x9000004C  }
0xb3: {  	s29 =	simm.s32 $0x9;
	_ =	strace $0x8000004E  }
0xb4: {  	_ =	swait.ge [sflag:s29], $0x1  }
0xb5: {  	[sflag:s29] =	ssyncadd.s32 $0xFFFFFFFF  }
0xb6: {  	_ =	strace $0x9000004E  }
0xb7: {  	_ =	sfence  }
0xb8: {  	s30 =	sld [smem:$0x0];
	_ =	sdelay $0x2  }
0xb9: {  	s31 =	sshll.u32 s1, $0xD;
	s1 =	sshrl.u32 s1, $0x2  }
0xba: {  	s3 =	sand.u32 $0x4000, s31;
	s1 =	sadd.s32 s1, s30  }
0xbb: {  	s0 =	sor.u32 s3, s0;
	s1 =	sshll.u32 s1, $0x11  }
0xbc: {  	s0 =	sor.u32 s1, s0  }
0xbd: {  	s0 =	sadd.s32 $0x8F2B, s0  }
0xbe: {  	[sflag:s0] =	ssyncadd.remote.s32 $0x1  }
0xbf: {  	_ =	sfence.sel $0xFFFF  }
0xc0: {  	[dreg:$0x0] =	wrdreg $0xFFFFFFFF;
	(pc) =	sbr.abs _section_cstart, $3  }
0xc1: {  	[dreg:$0x1] =	wrdreg $0xFFFFFFFF  }
0xc2: {  	_ =	task.clear_ibuf [dreg:s7], $0x2FFFF;
	_ =	strace $0x9FFFFFFF  }
0xc3: {  	(tm) =	ssettm $0x7FFFFFFF  }
tec
execute0_lowered:
.L_overlay_start_1:
0x0: {  	(tag) =	ssettag $0x1  }
0x1: {  	s0 =	srdreg.scid;
	s1 =	rddreg [dreg:$0x0]  }
0x2: {  	s12 =	stileid.u32;
	s6 =	rddreg [dreg:$0x1]  }
0x3: {  	s2 =	rddreg [dreg:$0x2];
	s3 =	simm.s32 $0x0;
	s5 =	smul.u32 $0x14000, s12  }
0x4: {  	s28 =	simm.s32 $0x5;
	s29 =	simm.s32 $0x80;
	s8 =	smul.u32 $0x50000, s12  }
0x5: {  	s30 =	simm.s32 $0x1;
	s31 =	simm.s32 $0x8080;
	s10 =	smul.u32 $0x2800, s12  }
0x6: {  	s0 =	sand.u32 $0x1, s0;
	[smem:$0x7FF] =	sst s3;
	s14 =	smul.u32 $0xA400, s12  }
0x7: {  	s7 =	sshll.u32 s12, $0x1;
	s12 =	simm.s32 $0x8280;
	s4 =	smul.u32 $0x140000, s0  }
0x8: {  	_ =	strace $0x8000004D;
	s26 =	ssub.s32 $0x2, s0;
	s7 =	sor.u32 s0, s7  }
0x9: {  	p0 =	seq.s32 s0, $0x1;
	s0 =	smul.u32 $0x5200, s0;
	s9 =	sshrl.u32 s26, $0x1  }
0xa: {  	s7 =	smul.u32 $0x5200, s7;
	s4 =	sadd.s32 s5, s4;
	s11 =	ssub.s32 s26, s9  }
0xb: {  	s9 =	sshrl.u32 s8, $0x2;
	s0 =	sadd.s32 s0, s14;
	s8 =	simm.s32 $0x2  }
0xc: {  	s14 =	simm.s32 $0x8;
	s5 =	sshrl.u32 s4, $0x3;
	s4 =	sadd.s32 $0x2600, s1  }
0xd: {  	s7 =	sshrl.u32 s7, $0x3;
	s22 =	sadd.s32 $0x900, s0;
	s23 =	smax.u32 s11, $0x1  }
0xe: {  	s1 =	sadd.s32 s5, s1;
	s10 =	sadd.s32 s4, s10;
	[dreg:$0x10] =	wrdreg s23  }
0xf: {  	s5 =	sadd.s32 s9, s2;
	s7 =	sadd.s32 s6, s7;
	[dreg:$0x4] =	wrdreg s10  }
0x10: {  	s25 =	sadd.s32 $0x800, s0;
	s13 =	sadd.s32 $0x4000, s5;
	[dreg:$0x7] =	wrdreg s7  }
0x11: {  	s26 =	sadd.s32 $0x700, s0;
	s15 =	sadd.s32 $0x8000, s5;
	[dreg:$0x5] =	wrdreg s13  }
0x12: {  	s0 =	sadd.s32 $0x600, s0;
	s16 =	sadd.s32 $0xC000, s5;
	[dreg:$0x6] =	wrdreg s15  }
0x13: {  	s11 =	simm.s32 $0x3;
	s17 =	sadd.s32 $0x10000, s5;
	[dreg:$0x8] =	wrdreg s16  }
0x14: {  	s24 =	sshrl.u32 s22, $0x3;
	s18 =	sadd.s32 $0x20, s7;
	[dreg:$0x9] =	wrdreg s17  }
0x15: {  	s0 =	sshrl.u32 s0, $0x3;
	s19 =	sadd.s32 $0x40, s7;
	[dreg:$0xa] =	wrdreg s18  }
0x16: {  	s23 =	simm.s32 $0x9;
	s20 =	sadd.s32 $0x60, s7;
	[dreg:$0xb] =	wrdreg s19  }
0x17: {  	s21 =	sadd.s32 $0x80, s7;
	s7 =	sadd.s32 $0xA0, s7;
	[dreg:$0xc] =	wrdreg s20  }
0x18: {  	s1 =	sadd.s32 $0x2A600, s1;
	s22 =	sadd.s32 s0, s6;
	[dreg:$0xd] =	wrdreg s21  }
0x19: {  	s10 =	simm.s32 $0x8180;
	s0 =	simm.s32 $0x7;
	[dreg:$0xe] =	wrdreg s7  }
0x1a: {  	[dreg:$0xf] =	wrdreg s1;
	s19 =	sadd.s32 s24, s6;
	s1 =	sshrl.u32 s25, $0x3  }
0x1b: {  	s7 =	sshrl.u32 s26, $0x3;
	s24 =	simm.s32 $0x8000;
	s25 =	simm.s32 $0x8100  }
0x1c: {  	s26 =	simm.s32 $0x8200;
	s13 =	simm.s32 $0x4;
	s15 =	simm.s32 $0x8380  }
0x1d: {  	s16 =	simm.s32 $0x0;
	s20 =	sadd.s32 s1, s6;
	s21 =	sadd.s32 s7, s6  }
0x1e: {  	v0 =	vimm.f32 $0.0e+00;
	s1 =	simm.s32 $0x8300;
	s6 =	simm.s32 $0x6;
	s7 =	simm.s32 $0x4000  }
.LBB2_1:
.Ltmp0:
0x1f: {  	(pc) =	sbr.rel @!p0 .LBB2_2-.Ltmp0, $1  }
0x20: {  	_ =	sdelay $0x3  }
0x21: {  	s17 =	sshra.s32 s3, $0x2;
	s18 =	sadd.s32 $0x200, s3  }
.LBB2_4:
0x22: {  	p1 =	sne.s32 s18, $0xFE00;
	[tilespmem:s17+$0x70] =	vst v0  }
0x23: {  	[tilespmem:s17+$0x0] =	vst v0  }
0x24: {  	[tilespmem:s17+$0x10] =	vst v0  }
.Ltmp1:
0x25: {  	[tilespmem:s17+$0x20] =	vst v0;
	(pc) =	sbr.rel @p1 .LBB2_4-.Ltmp1, $4  }
0x26: {  	[tilespmem:s17+$0x30] =	vst v0  }
0x27: {  	[tilespmem:s17+$0x40] =	vst v0  }
0x28: {  	[tilespmem:s17+$0x50] =	vst v0  }
0x29: {  	[tilespmem:s17+$0x60] =	vst v0;
	s17 =	sshra.s32 s18, $0x2;
	s18 =	sadd.s32 $0x200, s18  }
0x2a: {  	[tilespmem:s17+$0x70] =	vst v0  }
0x2b: {  	[tilespmem:s17+$0x0] =	vst v0  }
0x2c: {  	[tilespmem:s17+$0x10] =	vst v0  }
0x2d: {  	[tilespmem:s17+$0x20] =	vst v0  }
0x2e: {  	[tilespmem:s17+$0x30] =	vst v0  }
0x2f: {  	[tilespmem:s17+$0x40] =	vst v0  }
0x30: {  	[tilespmem:s17+$0x50] =	vst v0  }
0x31: {  	[tilespmem:s17+$0x60] =	vst v0  }
0x32: {  	[spmem:s5] =	stream.linear.scatter [tilespmem:s3], [sflag:$0x9], $0x4000, $0x38;
	[tilespmem:$0x1C400] =	vst v63  }
0x33: {  	_ =	swait.ge [sflag:s23], $0x4000  }
0x34: {  	[sflag:s23] =	ssyncset.done $0x0  }
0x35: {  	s9 =	rddreg [dreg:$0x5];
	[sflag:s23] =	ssyncadd.s32 $0xFFFFC000  }
0x36: {  	[spmem:s9] =	stream.linear.scatter [tilespmem:s3], [sflag:$0x9], $0x4000, $0x38;
	[tilespmem:$0x1C400] =	vst v63  }
0x37: {  	_ =	swait.ge [sflag:s23], $0x4000  }
0x38: {  	[sflag:s23] =	ssyncset.done $0x0  }
0x39: {  	s18 =	rddreg [dreg:$0x6];
	[sflag:s23] =	ssyncadd.s32 $0xFFFFC000  }
0x3a: {  	[spmem:s18] =	stream.linear.scatter [tilespmem:s3], [sflag:$0x9], $0x4000, $0x38;
	[tilespmem:$0x1C400] =	vst v63  }
0x3b: {  	_ =	swait.ge [sflag:s23], $0x4000  }
0x3c: {  	[sflag:s23] =	ssyncset.done $0x0  }
0x3d: {  	s17 =	rddreg [dreg:$0x8];
	[sflag:s23] =	ssyncadd.s32 $0xFFFFC000  }
0x3e: {  	[spmem:s17] =	stream.linear.scatter [tilespmem:s3], [sflag:$0x9], $0x4000, $0x38;
	[tilespmem:$0x1C400] =	vst v63  }
0x3f: {  	_ =	swait.ge [sflag:s23], $0x4000  }
0x40: {  	[sflag:s23] =	ssyncset.done $0x0  }
.Ltmp2:
0x41: {  	s18 =	rddreg [dreg:$0x9];
	[sflag:s23] =	ssyncadd.s32 $0xFFFFC000;
	(pc) =	sbr.rel .LBB2_6-.Ltmp2, $4  }
0x42: {  	[spmem:s18] =	stream.linear.scatter [tilespmem:s3], [sflag:$0x9], $0x4000, $0x38;
	[tilespmem:$0x1C400] =	vst v63  }
0x43: {  	_ =	swait.ge [sflag:s23], $0x4000  }
0x44: {  	[sflag:s23] =	ssyncset.done $0x0  }
0x45: {  	[sflag:s23] =	ssyncadd.s32 $0xFFFFC000  }
.LBB2_2:
0x46: {  	s9 =	stileid.u32  }
0x47: {  	s17 =	sshll.u32 s9, $0x6  }
0x48: {  	s18 =	sshrl.u32 s5, $0x3;
	s9 =	rddreg [dreg:$0x4];
	s17 =	sor.u32 $0x1C09, s17  }
0x49: {  	[spmem:s18], [sflag:s17] =	dma.local [hbm:s9], $0x2800  }
0x4a: {  	_ =	swait.ge [sflag:s23], $0x2800  }
0x4b: {  	[sflag:s23] =	ssyncset.done $0x0  }
0x4c: {  	[sflag:s23] =	ssyncadd.s32 $0xFFFFD800  }
.LBB2_6:
0x4d: {  	[bflag:$0x0] =	sbarrier.arrive $0xFFFF  }
0x4e: {  	s17 =	simm.s32 $0x0;
	s9 =	rddreg [dreg:$0x7]  }
0x4f: {  	[tilespmem:s24], [sflag:$0x5] =	stream.linear.gather [hbm4b:s9+s17], $0x100, $0x38;
	[tilespmem:$0x1C400] =	vst v63  }
0x50: {  	s18 =	rddreg [dreg:$0xa]  }
0x51: {  	[tilespmem:s25], [sflag:$0x6] =	stream.linear.gather [hbm4b:s18+s17], $0x100, $0x38;
	[tilespmem:$0x1C400] =	vst v63  }
0x52: {  	s18 =	rddreg [dreg:$0xb]  }
0x53: {  	[tilespmem:s26], [sflag:$0x7] =	stream.linear.gather [hbm4b:s18+s17], $0x100, $0x38;
	[tilespmem:$0x1C400] =	vst v63  }
0x54: {  	_ =	swait.ge [sflag:s28], $0x100  }
0x55: {  	[sflag:s28] =	ssyncset.done $0x0  }
0x56: {  	[sflag:s28] =	ssyncadd.s32 $0xFFFFFF00  }
0x57: {  	[tilespmem:s17], [sflag:$0x1] =	stream.indirect.gather [hbm4b:s4+s29], $0x80, s24, s29, $0xb8;
	[tilespmem:$0x1C400] =	vst v63  }
0x58: {  	_ =	swait.ge [sflag:s30], $0x4000  }
0x59: {  	[sflag:s30] =	ssyncset.done $0x0  }
0x5a: {  	[sflag:s30] =	ssyncadd.s32 $0xFFFFC000  }
0x5b: {  	[spmem:s2] =	stream.indirect.scatter.add.f32 [tilespmem:s17], [sflag:$0x3], $0x80, s31, s29, $0xb8;
	[tilespmem:$0x1C400] =	vst v63  }
0x5c: {  	s18 =	rddreg [dreg:$0xc]  }
0x5d: {  	[tilespmem:s1], [sflag:$0x8] =	stream.linear.gather [hbm4b:s18+s17], $0x100, $0x38;
	[tilespmem:$0x1C400] =	vst v63  }
0x5e: {  	_ =	swait.ge [sflag:s6], $0x100  }
0x5f: {  	[sflag:s6] =	ssyncset.done $0x0  }
0x60: {  	[sflag:s6] =	ssyncadd.s32 $0xFFFFFF00  }
0x61: {  	[tilespmem:s7], [sflag:$0x2] =	stream.indirect.gather [hbm4b:s4+s29], $0x80, s25, s29, $0xb8;
	[tilespmem:$0x1C400] =	vst v63  }
0x62: {  	_ =	swait.ge [sflag:s8], $0x4000  }
0x63: {  	[sflag:s8] =	ssyncset.done $0x0  }
0x64: {  	[sflag:s8] =	ssyncadd.s32 $0xFFFFC000  }
0x65: {  	[spmem:s2] =	stream.indirect.scatter.add.f32 [tilespmem:s7], [sflag:$0x4], $0x80, s10, s29, $0xb8;
	[tilespmem:$0x1C400] =	vst v63  }
0x66: {  	_ =	swait.ge [sflag:s11], $0x4000  }
0x67: {  	[sflag:s11] =	ssyncset.done $0x0  }
0x68: {  	s18 =	rddreg [dreg:$0xd];
	[sflag:s11] =	ssyncadd.s32 $0xFFFFC000  }
0x69: {  	[tilespmem:s24], [sflag:$0x5] =	stream.linear.gather [hbm4b:s18+s17], $0x100, $0x38;
	[tilespmem:$0x1C400] =	vst v63  }
0x6a: {  	_ =	swait.ge [sflag:s0], $0x100  }
0x6b: {  	[sflag:s0] =	ssyncset.done $0x0  }
0x6c: {  	[sflag:s0] =	ssyncadd.s32 $0xFFFFFF00  }
0x6d: {  	[tilespmem:s17], [sflag:$0x1] =	stream.indirect.gather [hbm4b:s4+s29], $0x80, s26, s29, $0xb8;
	[tilespmem:$0x1C400] =	vst v63  }
0x6e: {  	_ =	swait.ge [sflag:s30], $0x4000  }
0x6f: {  	[sflag:s30] =	ssyncset.done $0x0  }
0x70: {  	[sflag:s30] =	ssyncadd.s32 $0xFFFFC000  }
0x71: {  	[spmem:s2] =	stream.indirect.scatter.add.f32 [tilespmem:s17], [sflag:$0x3], $0x80, s12, s29, $0xb8;
	[tilespmem:$0x1C400] =	vst v63  }
0x72: {  	_ =	swait.ge [sflag:s13], $0x4000  }
0x73: {  	[sflag:s13] =	ssyncset.done $0x0  }
0x74: {  	s18 =	rddreg [dreg:$0xe];
	[sflag:s13] =	ssyncadd.s32 $0xFFFFC000  }
0x75: {  	[tilespmem:s25], [sflag:$0x6] =	stream.linear.gather [hbm4b:s18+s17], $0x100, $0x38;
	[tilespmem:$0x1C400] =	vst v63  }
0x76: {  	_ =	swait.ge [sflag:s14], $0x100  }
0x77: {  	[sflag:s14] =	ssyncset.done $0x0  }
0x78: {  	[sflag:s14] =	ssyncadd.s32 $0xFFFFFF00  }
0x79: {  	[tilespmem:s7], [sflag:$0x2] =	stream.indirect.gather [hbm4b:s4+s29], $0x80, s1, s29, $0xb8;
	[tilespmem:$0x1C400] =	vst v63  }
0x7a: {  	_ =	swait.ge [sflag:s8], $0x4000  }
0x7b: {  	[sflag:s8] =	ssyncset.done $0x0  }
0x7c: {  	[sflag:s8] =	ssyncadd.s32 $0xFFFFC000  }
0x7d: {  	[spmem:s2] =	stream.indirect.scatter.add.f32 [tilespmem:s7], [sflag:$0x4], $0x80, s15, s29, $0xb8;
	[tilespmem:$0x1C400] =	vst v63  }
0x7e: {  	_ =	swait.ge [sflag:s11], $0x4000  }
0x7f: {  	[sflag:s11] =	ssyncset.done $0x0  }
0x80: {  	s9 =	sadd.s32 $0x0, s22;
	[sflag:s11] =	ssyncadd.s32 $0xFFFFC000  }
0x81: {  	[tilespmem:s26], [sflag:$0x7] =	stream.linear.gather [hbm4b:s9+s3], $0x100, $0x38;
	[tilespmem:$0x1C400] =	vst v63  }
0x82: {  	_ =	swait.ge [sflag:s28], $0x100  }
0x83: {  	[sflag:s28] =	ssyncset.done $0x0  }
0x84: {  	[sflag:s28] =	ssyncadd.s32 $0xFFFFFF00  }
0x85: {  	[tilespmem:s3], [sflag:$0x1] =	stream.indirect.gather [hbm4b:s4+s29], $0x80, s24, s29, $0xb8;
	[tilespmem:$0x1C400] =	vst v63  }
0x86: {  	_ =	swait.ge [sflag:s30], $0x4000  }
0x87: {  	[sflag:s30] =	ssyncset.done $0x0  }
0x88: {  	[sflag:s30] =	ssyncadd.s32 $0xFFFFC000  }
0x89: {  	[spmem:s2] =	stream.indirect.scatter.add.f32 [tilespmem:s3], [sflag:$0x3], $0x80, s31, s29, $0xb8;
	[tilespmem:$0x1C400] =	vst v63  }
0x8a: {  	_ =	swait.ge [sflag:s13], $0x4000  }
0x8b: {  	[sflag:s13] =	ssyncset.done $0x0  }
0x8c: {  	s18 =	sadd.s32 $0x0, s21;
	[sflag:s13] =	ssyncadd.s32 $0xFFFFC000  }
0x8d: {  	[tilespmem:s1], [sflag:$0x8] =	stream.linear.gather [hbm4b:s18+s3], $0x100, $0x38;
	[tilespmem:$0x1C400] =	vst v63  }
0x8e: {  	_ =	swait.ge [sflag:s6], $0x100  }
0x8f: {  	[sflag:s6] =	ssyncset.done $0x0  }
0x90: {  	[sflag:s6] =	ssyncadd.s32 $0xFFFFFF00  }
0x91: {  	[tilespmem:s7], [sflag:$0x2] =	stream.indirect.gather [hbm4b:s4+s29], $0x80, s25, s29, $0xb8;
	[tilespmem:$0x1C400] =	vst v63  }
0x92: {  	_ =	swait.ge [sflag:s8], $0x4000  }
0x93: {  	[sflag:s8] =	ssyncset.done $0x0  }
0x94: {  	[sflag:s8] =	ssyncadd.s32 $0xFFFFC000  }
0x95: {  	[spmem:s2] =	stream.indirect.scatter.add.f32 [tilespmem:s7], [sflag:$0x4], $0x80, s10, s29, $0xb8;
	[tilespmem:$0x1C400] =	vst v63  }
0x96: {  	_ =	swait.ge [sflag:s11], $0x4000  }
0x97: {  	[sflag:s11] =	ssyncset.done $0x0  }
0x98: {  	s9 =	sadd.s32 $0x0, s20;
	[sflag:s11] =	ssyncadd.s32 $0xFFFFC000  }
0x99: {  	[tilespmem:s24], [sflag:$0x5] =	stream.linear.gather [hbm4b:s9+s3], $0x100, $0x38;
	[tilespmem:$0x1C400] =	vst v63  }
0x9a: {  	_ =	swait.ge [sflag:s0], $0x100  }
0x9b: {  	[sflag:s0] =	ssyncset.done $0x0  }
0x9c: {  	[sflag:s0] =	ssyncadd.s32 $0xFFFFFF00  }
0x9d: {  	[tilespmem:s3], [sflag:$0x1] =	stream.indirect.gather [hbm4b:s4+s29], $0x80, s26, s29, $0xb8;
	[tilespmem:$0x1C400] =	vst v63  }
0x9e: {  	_ =	swait.ge [sflag:s30], $0x4000  }
0x9f: {  	[sflag:s30] =	ssyncset.done $0x0  }
0xa0: {  	[sflag:s30] =	ssyncadd.s32 $0xFFFFC000  }
0xa1: {  	[spmem:s2] =	stream.indirect.scatter.add.f32 [tilespmem:s3], [sflag:$0x3], $0x80, s12, s29, $0xb8;
	[tilespmem:$0x1C400] =	vst v63  }
0xa2: {  	_ =	swait.ge [sflag:s13], $0x4000  }
0xa3: {  	[sflag:s13] =	ssyncset.done $0x0  }
0xa4: {  	s18 =	sadd.s32 $0x0, s19;
	[sflag:s13] =	ssyncadd.s32 $0xFFFFC000  }
0xa5: {  	[tilespmem:s25], [sflag:$0x6] =	stream.linear.gather [hbm4b:s18+s3], $0x100, $0x38;
	[tilespmem:$0x1C400] =	vst v63  }
0xa6: {  	_ =	swait.ge [sflag:s14], $0x100  }
0xa7: {  	[sflag:s14] =	ssyncset.done $0x0  }
0xa8: {  	[sflag:s14] =	ssyncadd.s32 $0xFFFFFF00  }
0xa9: {  	[tilespmem:s7], [sflag:$0x2] =	stream.indirect.gather [hbm4b:s4+s29], $0x80, s1, s29, $0xb8;
	[tilespmem:$0x1C400] =	vst v63  }
0xaa: {  	_ =	swait.ge [sflag:s8], $0x4000  }
0xab: {  	[sflag:s8] =	ssyncset.done $0x0  }
0xac: {  	s17 =	simm.s32 $0x80;
	[sflag:s8] =	ssyncadd.s32 $0xFFFFC000  }
.LBB2_7:
0xad: {  	[spmem:s2] =	stream.indirect.scatter.add.f32 [tilespmem:s7], [sflag:$0x4], $0x80, s15, s29, $0xb8;
	[tilespmem:$0x1C400] =	vst v63  }
0xae: {  	s18 =	smov.u32 s17  }
0xaf: {  	p1 =	sne.s32 s17, $0x900;
	s17 =	sadd.s32 $0x80, s17;
	_ =	swait.ge [sflag:s11], $0x4000  }
0xb0: {  	[sflag:s11] =	ssyncset.done $0x0  }
0xb1: {  	s9 =	sadd.s32 s18, s22;
	[sflag:s11] =	ssyncadd.s32 $0xFFFFC000  }
0xb2: {  	[tilespmem:s26], [sflag:$0x7] =	stream.linear.gather [hbm4b:s9+s3], $0x100, $0x38;
	[tilespmem:$0x1C400] =	vst v63  }
0xb3: {  	_ =	swait.ge [sflag:s28], $0x100  }
0xb4: {  	[sflag:s28] =	ssyncset.done $0x0  }
0xb5: {  	[sflag:s28] =	ssyncadd.s32 $0xFFFFFF00  }
0xb6: {  	[tilespmem:s3], [sflag:$0x1] =	stream.indirect.gather [hbm4b:s4+s29], $0x80, s24, s29, $0xb8;
	[tilespmem:$0x1C400] =	vst v63  }
0xb7: {  	_ =	swait.ge [sflag:s30], $0x4000  }
0xb8: {  	[sflag:s30] =	ssyncset.done $0x0  }
0xb9: {  	[sflag:s30] =	ssyncadd.s32 $0xFFFFC000  }
0xba: {  	[spmem:s2] =	stream.indirect.scatter.add.f32 [tilespmem:s3], [sflag:$0x3], $0x80, s31, s29, $0xb8;
	[tilespmem:$0x1C400] =	vst v63  }
0xbb: {  	_ =	swait.ge [sflag:s13], $0x4000  }
0xbc: {  	[sflag:s13] =	ssyncset.done $0x0  }
0xbd: {  	s9 =	sadd.s32 s18, s21;
	[sflag:s13] =	ssyncadd.s32 $0xFFFFC000  }
0xbe: {  	[tilespmem:s1], [sflag:$0x8] =	stream.linear.gather [hbm4b:s9+s3], $0x100, $0x38;
	[tilespmem:$0x1C400] =	vst v63  }
0xbf: {  	_ =	swait.ge [sflag:s6], $0x100  }
0xc0: {  	[sflag:s6] =	ssyncset.done $0x0  }
0xc1: {  	[sflag:s6] =	ssyncadd.s32 $0xFFFFFF00  }
0xc2: {  	[tilespmem:s7], [sflag:$0x2] =	stream.indirect.gather [hbm4b:s4+s29], $0x80, s25, s29, $0xb8;
	[tilespmem:$0x1C400] =	vst v63  }
0xc3: {  	_ =	swait.ge [sflag:s8], $0x4000  }
0xc4: {  	[sflag:s8] =	ssyncset.done $0x0  }
0xc5: {  	[sflag:s8] =	ssyncadd.s32 $0xFFFFC000  }
0xc6: {  	[spmem:s2] =	stream.indirect.scatter.add.f32 [tilespmem:s7], [sflag:$0x4], $0x80, s10, s29, $0xb8;
	[tilespmem:$0x1C400] =	vst v63  }
0xc7: {  	_ =	swait.ge [sflag:s11], $0x4000  }
0xc8: {  	[sflag:s11] =	ssyncset.done $0x0  }
0xc9: {  	s9 =	sadd.s32 s18, s20;
	[sflag:s11] =	ssyncadd.s32 $0xFFFFC000  }
0xca: {  	[tilespmem:s24], [sflag:$0x5] =	stream.linear.gather [hbm4b:s9+s3], $0x100, $0x38;
	[tilespmem:$0x1C400] =	vst v63  }
0xcb: {  	_ =	swait.ge [sflag:s0], $0x100  }
0xcc: {  	[sflag:s0] =	ssyncset.done $0x0  }
0xcd: {  	[sflag:s0] =	ssyncadd.s32 $0xFFFFFF00  }
0xce: {  	[tilespmem:s3], [sflag:$0x1] =	stream.indirect.gather [hbm4b:s4+s29], $0x80, s26, s29, $0xb8;
	[tilespmem:$0x1C400] =	vst v63  }
0xcf: {  	_ =	swait.ge [sflag:s30], $0x4000  }
0xd0: {  	[sflag:s30] =	ssyncset.done $0x0  }
0xd1: {  	[sflag:s30] =	ssyncadd.s32 $0xFFFFC000  }
0xd2: {  	[spmem:s2] =	stream.indirect.scatter.add.f32 [tilespmem:s3], [sflag:$0x3], $0x80, s12, s29, $0xb8;
	[tilespmem:$0x1C400] =	vst v63  }
0xd3: {  	_ =	swait.ge [sflag:s13], $0x4000  }
0xd4: {  	[sflag:s13] =	ssyncset.done $0x0  }
0xd5: {  	s9 =	sadd.s32 s18, s19;
	[sflag:s13] =	ssyncadd.s32 $0xFFFFC000  }
0xd6: {  	[tilespmem:s25], [sflag:$0x6] =	stream.linear.gather [hbm4b:s9+s3], $0x100, $0x38;
	[tilespmem:$0x1C400] =	vst v63  }
0xd7: {  	_ =	swait.ge [sflag:s14], $0x100  }
0xd8: {  	[sflag:s14] =	ssyncset.done $0x0  }
.Ltmp3:
0xd9: {  	[sflag:s14] =	ssyncadd.s32 $0xFFFFFF00;
	(pc) =	sbr.rel @p1 .LBB2_7-.Ltmp3, $4  }
0xda: {  	[tilespmem:s7], [sflag:$0x2] =	stream.indirect.gather [hbm4b:s4+s29], $0x80, s1, s29, $0xb8;
	[tilespmem:$0x1C400] =	vst v63  }
0xdb: {  	_ =	swait.ge [sflag:s8], $0x4000  }
0xdc: {  	[sflag:s8] =	ssyncset.done $0x0  }
0xdd: {  	[sflag:s8] =	ssyncadd.s32 $0xFFFFC000  }
0xde: {  	[spmem:s2] =	stream.indirect.scatter.add.f32 [tilespmem:s7], [sflag:$0x4], $0x80, s15, s29, $0xb8;
	[tilespmem:$0x1C400] =	vst v63  }
0xdf: {  	_ =	swait.ge [sflag:s11], $0x4000  }
0xe0: {  	[sflag:s11] =	ssyncset.done $0x0  }
0xe1: {  	[sflag:s11] =	ssyncadd.s32 $0xFFFFC000  }
0xe2: {  	_ =	swait.ge [sflag:s13], $0x4000  }
0xe3: {  	[sflag:s13] =	ssyncset.done $0x0  }
0xe4: {  	[sflag:s13] =	ssyncadd.s32 $0xFFFFC000  }
0xe5: {  	_ =	swait.ge [sflag:s28], $0x100  }
0xe6: {  	[sflag:s28] =	ssyncset.done $0x0  }
0xe7: {  	[sflag:s28] =	ssyncadd.s32 $0xFFFFFF00  }
0xe8: {  	_ =	swait.ge [sflag:s6], $0x100  }
0xe9: {  	[sflag:s6] =	ssyncset.done $0x0  }
0xea: {  	s9 =	stileid.u32;
	[sflag:s6] =	ssyncadd.s32 $0xFFFFFF00  }
0xeb: {  	s9 =	sshll.u32 s9, $0x6;
	[bflag:$0x0] =	sbarrier.arrive $0xFFFF  }
0xec: {  	s17 =	sshrl.u32 s5, $0x3;
	s9 =	sor.u32 $0x1C09, s9;
	s18 =	rddreg [dreg:$0xf]  }
0xed: {  	[hbm:s18], [sflag:s9] =	dma.local [spmem:s17], $0x2800  }
0xee: {  	_ =	swait.ge [sflag:s23], $0x2800  }
0xef: {  	s16 =	sadd.s32 $0x1, s16;
	s18 =	rddreg [dreg:$0x10]  }
0xf0: {  	p1 =	sne.s32 s16, s18  }
.Ltmp4:
0xf1: {  	_ = 	snop;
	(pc) =	sbr.rel @p1 .LBB2_1-.Ltmp4, $3  }
0xf2: {  	_ =	sdelay $0x1  }
0xf3: {  	[sflag:s23] =	ssyncset.done $0x0  }
0xf4: {  	[sflag:s23] =	ssyncadd.s32 $0xFFFFD800  }
0xf5: {  	_ =	sfence.sel $0x180000  }
0xf6: {  	[bflag:$0x0] =	sbarrier.arrive $0xFFFF  }
0xf7: {  	_ =	strace $0x9000004D  }
0xf8: {  	s0 =	stileid.u32;
	[bflag:$0x2] =	sbarrier.arrive $0xFFFF  }
0xf9: {  	p0 =	sne.s32 s0, $0x0;
	s0 =	rddreg [dreg:$0x3]  }
0xfa: {  	s0 =	sadd.s32 @!p0 $0x100000, s0  }
0xfb: {  	[sflag:s0] =	ssyncadd.tile.s32 @!p0 $0x1;
	_ =	shalt  }
.Lfunc_end2:
_tile_overlayer_lowered:
.L_overlay_start_2:
0xfc: {  	(tag) =	ssettag $0x2  }
0xfd: {  	s0 =	rddreg [dreg:$0x0];
	s2 =	stileid.u32  }
0xfe: {  	s1 =	rddreg [dreg:$0x1];
	p0 =	sne.s32 s2, $0x0  }
0xff: {  	s3 =	rddreg [dreg:$0x2];
	[bflag:$0x3] =	sbarrier.arrive $0xFFFF;
	s2 =	simm.s32 @!p0 $0x1C09  }
0x100: {  	[timem:s3], [sflag:s2] =	dma.local @!p0 [hbm:s0], s1  }
0x101: {  	s0 =	simm.s32 @!p0 $0x9  }
0x102: {  	_ =	swait.ge @!p0 [sflag:s0], s1  }
0x103: {  	s1 =	ssub.s32 @!p0 $0x0, s1;
	[sflag:s0] =	ssyncset.done @!p0 $0x0  }
0x104: {  	[sflag:s0] =	ssyncadd.s32 @!p0 s1  }
0x105: {  	[bflag:$0x3] =	sbarrier.arrive $0xFFFF  }
0x106: {  	_ =	shalt  }

// kernel: kernel.8.cloned.1.call-start
scs
__scs_entry_jumppad:
0x0: {  	(pc) =	sbr.rel $0x88, $3  }
0x1: {  	(tag) =	ssettag $0x0;
	lr =	simm.s32 $0x1  }
0x2: {  	[smem:$0x3F99] =	sst lr;
	_ =	strace $0xD0000000  }
0x3: {  	_ = 	snop  }
0x4: {  	_ = 	snop  }
0x5: {  	_ = 	snop  }
0x6: {  	_ = 	snop  }
0x7: {  	_ = 	snop  }
__scs_overlays_trampoline_lowered:
0x8: {  	[smem:$0x3FA8] =	sst s0  }
0x9: {  	[smem:$0x3FA9] =	sst s1  }
0xa: {  	[smem:$0x3FAA] =	sst s2  }
0xb: {  	[smem:$0x3FAB] =	sst s3  }
0xc: {  	[smem:$0x3FAC] =	sst s4  }
0xd: {  	[smem:$0x3FAD] =	sst s5  }
0xe: {  	[smem:$0x3FAE] =	sst s6  }
0xf: {  	[smem:$0x3FAF] =	sst s7  }
0x10: {  	[smem:$0x3FB0] =	sst s8  }
0x11: {  	[smem:$0x3FB1] =	sst s9;
	s0 =	simm.s32 @!p0 $0x0  }
0x12: {  	s1 =	sld [smem:$0x3F97];
	s0 =	simm.s32 @p0 $0x1  }
0x13: {  	[smem:$0x3FB2] =	sst s0;
	s0 =	simm.s32 @!p1 $0x0  }
0x14: {  	s2 =	sld [smem:$0x3F96];
	s0 =	simm.s32 @p1 $0x1  }
0x15: {  	[smem:$0x3FB3] =	sst s0;
	s0 =	simm.s32 @!p2 $0x0  }
0x16: {  	s3 =	sld [smem:$0x3FDB];
	s0 =	simm.s32 @p2 $0x1  }
0x17: {  	s4 =	simm.s32 $0x1BF5;
	[smem:$0x3FB5] =	sst s0  }
0x18: {  	s0 =	sld [smem:$0x3F98];
	_ =	swait.ge [sflag:s4], $0x0  }
0x19: {  	s7 =	sld [smem:$0x3F99]  }
0x1a: {  	s8 =	sadd.s32 $0xFFFFE003, lr  }
0x1b: {  	s9 =	sadd.s32 $0xFFFFFEF7, lr;
	s5 =	simm.s32 $0xFFFFFFFF;
	p2 =	slt.u32 s8, $0xFFFFF086  }
0x1c: {  	p1 =	slt.u32 s9, $0xF7A;
	s5 =	simm.s32 @!p2 $0x0  }
0x1d: {  	s5 =	simm.s32 @p1 $0x1;
	p0 =	seq.s32 s7, s2  }
0x1e: {  	s7 =	smul.u32 @!p0 $0xF7A, s2;
	p2 =	seq.s32 @!p0 s5, $0x0  }
0x1f: {  	s9 =	smul.u32 $0xF7A, s1;
	s8 =	simm.s32 @!p0 $0x1BF5;
	p2 =	por !p2, p0  }
0x20: {  	[sflag:s8] =	ssyncset.s32 @!p0 $0xFFFFF086;
	s6 =	sadd.s32 @!p0 s3, s7;
	s7 =	simm.s32 @!p0 $0x108  }
0x21: {  	s3 =	sadd.s32 s3, s9;
	s6 =	sadd.s32 @!p0 $0x88, s6;
	s7 =	simm.s32 @p2 $0x1082  }
0x22: {  	[simem:s7], [sflag:s8] =	dma.local @!p0 [hbm:s6], $0xF7A  }
0x23: {  	s9 =	sor.u32 $0xD0000000, s2;
	s6 =	simm.s32 $0x108;
	_ =	swait.ge @!p0 [sflag:s8], $0x0  }
0x24: {  	s3 =	sadd.s32 $0x88, s3;
	s6 =	simm.s32 @!p1 $0x1082;
	[sflag:s4] =	ssyncset.s32 $0xFFFFF086  }
0x25: {  	[simem:s6], [sflag:s4] =	dma.local [hbm:s3], $0xF7A  }
0x26: {  	[smem:$0x3F99] =	sst s1;
	(tag) =	ssettag s2;
	_ =	strace s9  }
0x27: {  	s1 =	sld [smem:$0x3FA9]  }
0x28: {  	s2 =	sld [smem:$0x3FAA]  }
0x29: {  	s4 =	sld [smem:$0x3FAC]  }
0x2a: {  	p0 =	seq.s32 s5, $0x0;
	s5 =	sld [smem:$0x3FAD]  }
0x2b: {  	s6 =	sld [smem:$0x3FAE]  }
0x2c: {  	s7 =	sld [smem:$0x3FAF]  }
0x2d: {  	s3 =	simm.s32 $0x108;
	s8 =	sld [smem:$0x3FB0]  }
0x2e: {  	s3 =	simm.s32 @!p0 $0x1082;
	s9 =	sld [smem:$0x3FB1]  }
0x2f: {  	lr =	sadd.s32 s0, s3;
	s0 =	sld [smem:$0x3FA8]  }
0x30: {  	s3 =	sld [smem:$0x3FAB]  }
0x31: {  	[smem:$0x3FB4] =	sst s10  }
0x32: {  	s10 =	sld [smem:$0x3FB2];
	_ =	sdelay $0x3  }
0x33: {  	p0 =	seq.s32 s10, $0x1;
	s10 =	sld [smem:$0x3FB4];
	_ =	sdelay $0x3  }
0x34: {  	[smem:$0x3FB4] =	sst s10  }
0x35: {  	s10 =	sld [smem:$0x3FB3];
	_ =	sdelay $0x3  }
0x36: {  	p1 =	seq.s32 s10, $0x1;
	s10 =	sld [smem:$0x3FB4];
	_ =	sdelay $0x3  }
0x37: {  	[smem:$0x3FB4] =	sst s10  }
0x38: {  	s10 =	sld [smem:$0x3FB5]  }
0x39: {  	_ = 	snop;
	(pc) =	sbr.ind lr, $3  }
0x3a: {  	_ = 	snop  }
0x3b: {  	_ = 	snop  }
0x3c: {  	p2 =	seq.s32 s10, $0x1;
	s10 =	sld [smem:$0x3FB4]  }
0x3d: {  	_ =	shalt  }
0x3e: {  	_ =	shalt  }
0x3f: {  	_ =	shalt  }
0x40: {  	_ =	shalt  }
0x41: {  	_ =	shalt  }
0x42: {  	_ =	shalt  }
0x43: {  	_ =	shalt  }
0x44: {  	_ =	shalt  }
0x45: {  	_ =	shalt  }
0x46: {  	_ =	shalt  }
0x47: {  	_ =	shalt  }
0x48: {  	_ =	shalt  }
0x49: {  	_ =	shalt  }
0x4a: {  	_ =	shalt  }
0x4b: {  	_ =	shalt  }
0x4c: {  	_ =	shalt  }
0x4d: {  	_ =	shalt  }
0x4e: {  	_ =	shalt  }
0x4f: {  	_ =	shalt  }
0x50: {  	_ =	shalt  }
0x51: {  	_ =	shalt  }
0x52: {  	_ =	shalt  }
0x53: {  	_ =	shalt  }
0x54: {  	_ =	shalt  }
0x55: {  	_ =	shalt  }
0x56: {  	_ =	shalt  }
0x57: {  	_ =	shalt  }
0x58: {  	_ =	shalt  }
0x59: {  	_ =	shalt  }
0x5a: {  	_ =	shalt  }
0x5b: {  	_ =	shalt  }
0x5c: {  	_ =	shalt  }
0x5d: {  	_ =	shalt  }
0x5e: {  	_ =	shalt  }
0x5f: {  	_ =	shalt  }
0x60: {  	_ =	shalt  }
0x61: {  	_ =	shalt  }
0x62: {  	_ =	shalt  }
0x63: {  	_ =	shalt  }
0x64: {  	_ =	shalt  }
0x65: {  	_ =	shalt  }
0x66: {  	_ =	shalt  }
0x67: {  	_ =	shalt  }
0x68: {  	_ =	shalt  }
0x69: {  	_ =	shalt  }
0x6a: {  	_ =	shalt  }
0x6b: {  	_ =	shalt  }
0x6c: {  	_ =	shalt  }
0x6d: {  	_ =	shalt  }
0x6e: {  	_ =	shalt  }
0x6f: {  	_ =	shalt  }
0x70: {  	_ =	shalt  }
0x71: {  	_ =	shalt  }
0x72: {  	_ =	shalt  }
0x73: {  	_ =	shalt  }
0x74: {  	_ =	shalt  }
0x75: {  	_ =	shalt  }
0x76: {  	_ =	shalt  }
0x77: {  	_ =	shalt  }
0x78: {  	_ =	shalt  }
0x79: {  	_ =	shalt  }
0x7a: {  	_ =	shalt  }
0x7b: {  	_ =	shalt  }
0x7c: {  	_ =	shalt  }
0x7d: {  	_ =	shalt  }
0x7e: {  	_ =	shalt  }
0x7f: {  	_ =	shalt  }
0x80: {  	_ =	shalt  }
0x81: {  	_ =	shalt  }
0x82: {  	_ =	shalt  }
0x83: {  	_ =	shalt  }
0x84: {  	_ =	shalt  }
0x85: {  	_ =	shalt  }
0x86: {  	_ =	shalt  }
0x87: {  	_ =	shalt  }
.Lfunc_end0:
.L_simem_size_0:
called_computation_lowered:
.L_overlay_start_0:
0x88: {  	s2 =	sld [smem:$0x3FD9]  }
0x89: {  	s3 =	sld [smem:$0x3FFE];
	_ =	sdelay $0x1  }
0x8a: {  	s1 =	srdreg.scid  }
0x8b: {  	s0 =	sand.u32 $0x1, s1  }
0x8c: {  	s17 =	sshll.u32 s0, $0xA;
	s2 =	sadd.s32 s3, s2  }
0x8d: {  	s2 =	sadd.s32 s2, s17  }
0x8e: {  	[smem:$0x3FC0] =	sst s2  }
0x8f: {  	_ = 	snop  }
0x90: {  	s2 =	sld [smem:$0x3FD0];
	(tm) =	ssettm $0x1  }
0x91: {  	s18 =	sld [smem:$0x3FFB];
	_ =	sdelay $0x3  }
0x92: {  	_ =	strace s18  }
0x93: {  	s3 =	sld [smem:$0x3FFC];
	_ =	sdelay $0x3  }
0x94: {  	_ =	strace s3  }
0x95: {  	s3 =	sld [smem:$0x3FFD];
	_ =	sdelay $0x3  }
0x96: {  	_ =	strace s3  }
0x97: {  	_ =	strace $0x8FFFFFFF  }
0x98: {  	s19 =	sld [smem:$0x3FDB];
	_ =	sdelay $0x1  }
0x99: {  	s4 =	simm.s32 $_scs_section_size  }
0x9a: {  	s5 =	simm.s32 $_size__tile_overlayer_lowered;
	s6 =	simm.s32 $_tile_overlayer_lowered  }
0x9b: {  	s22 =	simm.s32 $0x1BFF;
	s21 =	sshll.u32 s6, $0x1;
	s3 =	sadd.s32 s4, s19  }
0x9c: {  	s7 =	simm.s32 $0x0;
	s20 =	sshll.u32 s5, $0x1;
	s5 =	sadd.s32 s21, s3  }
0x9d: {  	[timem:s7], [sflag:s22] =	dma.local [hbm:s5], s20  }
0x9e: {  	_ =	swait.ge [sflag:s22], s20  }
0x9f: {  	s4 =	ssub.s32 $0x0, s20;
	[sflag:s22] =	ssyncset.done $0x0  }
0xa0: {  	[sflag:s22] =	ssyncadd.s32 s4;
	_ =	sdelay $0x1  }
0xa1: {  	s23 =	simm.s32 $0x1B8B  }
0xa2: {  	_ =	swait.ge [sflag:s23], $0x1  }
0xa3: {  	[sflag:s23] =	ssyncset.done $0x0  }
0xa4: {  	s25 =	simm.s32 $0x1B8E;
	s24 =	sld [smem:$0x3FFE];
	[sflag:s23] =	ssyncadd.s32 $0xFFFFFFFF  }
0xa5: {  	s26 =	simm.s32 $execute0_lowered;
	[smem:$0x3FD2] =	sst s25  }
0xa6: {  	s5 =	sshll.u32 s26, $0x1;
	_ =	strace $0x80000046;
	[dreg:$0x1] =	wrdreg $0xFFFFFFFF  }
0xa7: {  	s28 =	simm.s32 $_size_execute0_lowered;
	s3 =	sadd.s32 s3, s5;
	[dreg:$0x0] =	wrdreg $0x0  }
0xa8: {  	s5 =	sshll.u32 s28, $0x1;
	[dreg:$0x2] =	wrdreg s3  }
0xa9: {  	[dreg:$0x3] =	wrdreg s5  }
0xaa: {  	[dreg:$0x4] =	wrdreg $0xC0  }
0xab: {  	_ =	task [dreg:s7], $0x5FFFF  }
0xac: {  	[dreg:$0x1] =	wrdreg $0xFFFFFFFF  }
0xad: {  	[dreg:$0x0] =	wrdreg $0x60  }
0xae: {  	[dreg:$0x2] =	wrdreg s2  }
0xaf: {  	[dreg:$0x3] =	wrdreg s24  }
0xb0: {  	[dreg:$0x4] =	wrdreg $0x53000  }
0xb1: {  	[dreg:$0x5] =	wrdreg $0x9  }
0xb2: {  	_ =	task.clear_ibuf [dreg:s7], $0x6FFFF;
	_ =	strace $0x90000046  }
0xb3: {  	s29 =	simm.s32 $0x9;
	_ =	strace $0x80000048  }
0xb4: {  	_ =	swait.ge [sflag:s29], $0x1  }
0xb5: {  	[sflag:s29] =	ssyncadd.s32 $0xFFFFFFFF  }
0xb6: {  	_ =	strace $0x90000048  }
0xb7: {  	_ =	sfence  }
0xb8: {  	s30 =	sld [smem:$0x0];
	_ =	sdelay $0x2  }
0xb9: {  	s31 =	sshll.u32 s1, $0xD;
	s1 =	sshrl.u32 s1, $0x2  }
0xba: {  	s3 =	sand.u32 $0x4000, s31;
	s1 =	sadd.s32 s1, s30  }
0xbb: {  	s0 =	sor.u32 s3, s0;
	s1 =	sshll.u32 s1, $0x11  }
0xbc: {  	s0 =	sor.u32 s1, s0  }
0xbd: {  	s0 =	sadd.s32 $0x8F2B, s0  }
0xbe: {  	[sflag:s0] =	ssyncadd.remote.s32 $0x1  }
0xbf: {  	_ =	sfence.sel $0xFFFF  }
0xc0: {  	[dreg:$0x0] =	wrdreg $0xFFFFFFFF;
	(pc) =	sbr.abs _section_cstart, $3  }
0xc1: {  	[dreg:$0x1] =	wrdreg $0xFFFFFFFF  }
0xc2: {  	_ =	task.clear_ibuf [dreg:s7], $0x2FFFF;
	_ =	strace $0x9FFFFFFF  }
0xc3: {  	(tm) =	ssettm $0x7FFFFFFF  }
tec
execute0_lowered:
.L_overlay_start_1:
0x0: {  	(tag) =	ssettag $0x1  }
0x1: {  	s9 =	rddreg [dreg:$0x0]  }
0x2: {  	s1 =	srdreg.scid;
	s4 =	rddreg [dreg:$0x1]  }
0x3: {  	s0 =	stileid.u32;
	s2 =	rddreg [dreg:$0x2]  }
0x4: {  	s3 =	simm.s32 $0x0;
	s13 =	simm.s32 $0x3;
	s14 =	simm.s32 $0x80  }
0x5: {  	s15 =	simm.s32 $0x5200;
	s16 =	simm.s32 $0x180;
	s17 =	simm.s32 $0x1  }
0x6: {  	s18 =	simm.s32 $0x2;
	s21 =	simm.s32 $0x20;
	s22 =	simm.s32 $0x10  }
0x7: {  	s5 =	sand.u32 $0x1, s1;
	s6 =	smul.u32 $0x500, s0;
	s1 =	rddreg [dreg:$0x3]  }
0x8: {  	s23 =	simm.s32 $0x0;
	[smem:$0x7FF] =	sst s3;
	s29 =	smul.u32 $0xA00, s0  }
0x9: {  	s30 =	sshll.u32 s0, $0x1;
	s19 =	sshll.u32 s0, $0x6;
	s7 =	sshll.u32 s5, $0x7  }
0xa: {  	_ =	strace $0x80000047;
	s31 =	ssub.s32 $0x2, s5;
	s5 =	sor.u32 s5, s30  }
0xb: {  	s19 =	sor.u32 $0x1C03, s19;
	s6 =	sor.u32 s7, s6;
	s7 =	sshrl.u32 s29, $0x2  }
0xc: {  	s8 =	sshrl.u32 s31, $0x1;
	s11 =	smul.u32 $0xA40, s5;
	s6 =	sshrl.u32 s6, $0x3  }
0xd: {  	s12 =	ssub.s32 s31, s8;
	s10 =	sadd.s32 s6, s4;
	s4 =	sadd.s32 s7, s2  }
0xe: {  	s9 =	sadd.s32 s9, s11;
	s11 =	smax.u32 s12, $0x1;
	s12 =	simm.s32 $0x5280  }
0xf: {  	s5 =	sadd.s32 $0x80, s4;
	s6 =	sadd.s32 $0x100, s4;
	s7 =	sadd.s32 $0x180, s4  }
0x10: {  	v0 =	vimm.f32 $1.000000000e+00;
	v1 =	vimm.f32 $0.0e+00;
	s8 =	sadd.s32 $0x200, s4;
	s10 =	sadd.s32 $0x2600, s10;
	s20 =	sshrl.u32 s4, $0x3  }
.LBB2_1:
0x11: {  	[tilespmem:$0x5200] =	vst v0  }
0x12: {  	[tilespmem:$0x5280] =	vst v1  }
0x13: {  	[tilespmem:$0x5210] =	vst v0  }
0x14: {  	[tilespmem:$0x5290] =	vst v1  }
0x15: {  	[tilespmem:$0x5220] =	vst v0  }
0x16: {  	[tilespmem:$0x52A0] =	vst v1  }
0x17: {  	[tilespmem:$0x5230] =	vst v0  }
0x18: {  	[tilespmem:$0x52B0] =	vst v1  }
0x19: {  	[tilespmem:$0x5240] =	vst v0  }
0x1a: {  	[tilespmem:$0x52C0] =	vst v1  }
0x1b: {  	[tilespmem:$0x5250] =	vst v0  }
0x1c: {  	[tilespmem:$0x52D0] =	vst v1  }
0x1d: {  	[tilespmem:$0x5260] =	vst v0  }
0x1e: {  	[tilespmem:$0x52E0] =	vst v1  }
0x1f: {  	[tilespmem:$0x5270] =	vst v0  }
0x20: {  	[tilespmem:$0x52F0] =	vst v1  }
0x21: {  	[spmem:s4] =	stream.linear.scatter [tilespmem:s12], [sflag:$0x3], $0x80, $0x38;
	[tilespmem:$0x5580] =	vst v63  }
0x22: {  	_ =	swait.ge [sflag:s13], $0x80  }
0x23: {  	[sflag:s13] =	ssyncset.done $0x0  }
0x24: {  	[sflag:s13] =	ssyncadd.s32 $0xFFFFFF80  }
0x25: {  	[spmem:s5] =	stream.linear.scatter [tilespmem:s12], [sflag:$0x3], $0x80, $0x38;
	[tilespmem:$0x5580] =	vst v63  }
0x26: {  	_ =	swait.ge [sflag:s13], $0x80  }
0x27: {  	[sflag:s13] =	ssyncset.done $0x0  }
0x28: {  	[sflag:s13] =	ssyncadd.s32 $0xFFFFFF80  }
0x29: {  	[spmem:s6] =	stream.linear.scatter [tilespmem:s12], [sflag:$0x3], $0x80, $0x38;
	[tilespmem:$0x5580] =	vst v63  }
0x2a: {  	_ =	swait.ge [sflag:s13], $0x80  }
0x2b: {  	[sflag:s13] =	ssyncset.done $0x0  }
0x2c: {  	[sflag:s13] =	ssyncadd.s32 $0xFFFFFF80  }
0x2d: {  	[spmem:s7] =	stream.linear.scatter [tilespmem:s12], [sflag:$0x3], $0x80, $0x38;
	[tilespmem:$0x5580] =	vst v63  }
0x2e: {  	_ =	swait.ge [sflag:s13], $0x80  }
0x2f: {  	[sflag:s13] =	ssyncset.done $0x0  }
0x30: {  	[sflag:s13] =	ssyncadd.s32 $0xFFFFFF80  }
0x31: {  	[spmem:s8] =	stream.linear.scatter [tilespmem:s12], [sflag:$0x3], $0x80, $0x38;
	[tilespmem:$0x5580] =	vst v63  }
0x32: {  	_ =	swait.ge [sflag:s13], $0x80  }
0x33: {  	[sflag:s13] =	ssyncset.done $0x0  }
0x34: {  	[sflag:s13] =	ssyncadd.s32 $0xFFFFFF80  }
0x35: {  	[tilespmem:s3], [sflag:$0x3] =	stream.linear.gather [hbm4b:s9+s3], $0x5200, $0x38;
	[tilespmem:$0x5580] =	vst v63  }
0x36: {  	_ =	swait.ge [sflag:s13], $0x5200  }
0x37: {  	[sflag:s13] =	ssyncset.done $0x0  }
0x38: {  	[sflag:s13] =	ssyncadd.s32 $0xFFFFAE00  }
0x39: {  	[bflag:$0x0] =	sbarrier.arrive $0xFFFF  }
0x3a: {  	[spmem:s2] =	stream.indirect.scatter.add.f32 [tilespmem:s15], [sflag:$0x1], $0x1, s14, s14, $0xb8;
	[tilespmem:$0x5580] =	vst v63  }
0x3b: {  	_ = 	snop  }
0x3c: {  	[spmem:s2] =	stream.indirect.scatter.add.f32 [tilespmem:s15], [sflag:$0x2], $0x1, s16, s14, $0xb8;
	[tilespmem:$0x5580] =	vst v63  }
0x3d: {  	_ =	swait.ge [sflag:s17], $0x80  }
0x3e: {  	[sflag:s17] =	ssyncset.done $0x0  }
0x3f: {  	s24 =	simm.s32 $0x280;
	[sflag:s17] =	ssyncadd.s32 $0xFFFFFF80  }
0x40: {  	[spmem:s2] =	stream.indirect.scatter.add.f32 [tilespmem:s15], [sflag:$0x1], $0x1, s24, s14, $0xb8;
	[tilespmem:$0x5580] =	vst v63  }
0x41: {  	_ =	swait.ge [sflag:s18], $0x80  }
0x42: {  	[sflag:s18] =	ssyncset.done $0x0  }
0x43: {  	s25 =	simm.s32 $0x380;
	s24 =	simm.s32 $0xFFFED000;
	[sflag:s18] =	ssyncadd.s32 $0xFFFFFF80  }
.LBB2_2:
0x44: {  	[spmem:s2] =	stream.indirect.scatter.add.f32 [tilespmem:s15], [sflag:$0x2], $0x1, s25, s14, $0xb8;
	[tilespmem:$0x5580] =	vst v63  }
0x45: {  	s25 =	smov.u32 s24  }
0x46: {  	p0 =	sne.s32 s24, $0xFFFFF800;
	s24 =	sadd.s32 $0x800, s24;
	_ =	swait.ge [sflag:s17], $0x80  }
0x47: {  	s25 =	sshra.s32 s25, $0x2;
	[sflag:s17] =	ssyncset.done $0x0  }
.Ltmp0:
0x48: {  	s26 =	sadd.s32 $0x5080, s25;
	[sflag:s17] =	ssyncadd.s32 $0xFFFFFF80;
	(pc) =	sbr.rel @p0 .LBB2_2-.Ltmp0, $4  }
0x49: {  	[spmem:s2] =	stream.indirect.scatter.add.f32 [tilespmem:s15], [sflag:$0x1], $0x1, s26, s14, $0xb8;
	[tilespmem:$0x5580] =	vst v63  }
0x4a: {  	_ =	swait.ge [sflag:s18], $0x80  }
0x4b: {  	[sflag:s18] =	ssyncset.done $0x0  }
0x4c: {  	s25 =	sadd.s32 $0x5180, s25;
	[sflag:s18] =	ssyncadd.s32 $0xFFFFFF80  }
0x4d: {  	[spmem:s2] =	stream.indirect.scatter.add.f32 [tilespmem:s15], [sflag:$0x2], $0x1, s25, s14, $0xb8;
	[tilespmem:$0x5580] =	vst v63  }
0x4e: {  	_ =	swait.ge [sflag:s17], $0x80  }
0x4f: {  	[sflag:s17] =	ssyncset.done $0x0  }
0x50: {  	[sflag:s17] =	ssyncadd.s32 $0xFFFFFF80  }
0x51: {  	_ =	swait.ge [sflag:s18], $0x80  }
0x52: {  	s23 =	sadd.s32 $0x1, s23;
	[sflag:s18] =	ssyncset.done $0x0  }
0x53: {  	p0 =	sne.s32 s23, s11;
	[sflag:s18] =	ssyncadd.s32 $0xFFFFFF80  }
.Ltmp1:
0x54: {  	[bflag:$0x0] =	sbarrier.arrive $0xFFFF;
	(pc) =	sbr.rel @p0 .LBB2_1-.Ltmp1, $4  }
0x55: {  	[hbm:s10@s21], [sflag:s19] =	dma.strided [spmem:s20@s22], $0x50, s17, $0x10   }
0x56: {  	_ =	swait.ge [sflag:s13], $0x50  }
0x57: {  	[sflag:s13] =	ssyncset.done $0x0  }
0x58: {  	[sflag:s13] =	ssyncadd.s32 $0xFFFFFFB0  }
0x59: {  	_ =	sfence.sel $0x180000  }
0x5a: {  	[bflag:$0x0] =	sbarrier.arrive $0xFFFF  }
0x5b: {  	p0 =	sne.s32 s0, $0x0;
	_ =	strace $0x90000047  }
0x5c: {  	s0 =	sadd.s32 @!p0 $0x100000, s1;
	[bflag:$0x2] =	sbarrier.arrive $0xFFFF  }
0x5d: {  	[sflag:s0] =	ssyncadd.tile.s32 @!p0 $0x1;
	_ =	shalt  }
.Lfunc_end2:
_tile_overlayer_lowered:
.L_overlay_start_2:
0x5e: {  	(tag) =	ssettag $0x2  }
0x5f: {  	s0 =	rddreg [dreg:$0x0];
	s2 =	stileid.u32  }
0x60: {  	s1 =	rddreg [dreg:$0x1];
	p0 =	sne.s32 s2, $0x0  }
0x61: {  	s3 =	rddreg [dreg:$0x2];
	[bflag:$0x3] =	sbarrier.arrive $0xFFFF;
	s2 =	simm.s32 @!p0 $0x1C03  }
0x62: {  	[timem:s3], [sflag:s2] =	dma.local @!p0 [hbm:s0], s1  }
0x63: {  	s0 =	simm.s32 @!p0 $0x3  }
0x64: {  	_ =	swait.ge @!p0 [sflag:s0], s1  }
0x65: {  	s1 =	ssub.s32 @!p0 $0x0, s1;
	[sflag:s0] =	ssyncset.done @!p0 $0x0  }
0x66: {  	[sflag:s0] =	ssyncadd.s32 @!p0 s1  }
0x67: {  	[bflag:$0x3] =	sbarrier.arrive $0xFFFF  }
0x68: {  	_ =	shalt  }

</sc_bundles>
